<compile_context>
chip_gen: v7x
topology: tpu7x:2x2x1
jax: 0.10.2.dev20260603
libtpu: 0.0.44.dev20260713+nightly
codegen_flags: <defaults>
</compile_context>

<pallas_src>
import functools

import jax
import jax.numpy as jnp
from jax import lax
from jax.experimental import pallas as pl
from jax.experimental.pallas import tpu as pltpu
from jax.experimental.pallas import tpu_sc as plsc

N_NODES = 10000
N_EDGES = 320000
NC = 2
NS = 16
NW = NC * NS
EPW = N_EDGES // NW
CHUNK = 125
NCHUNK = EPW // CHUNK
NPAD = 10240
RPT = NPAD // NS
NBUF = 4
AUGW = 24
NPB = NPAD // NW


def _make_seg_sum(D):
  out_type = jax.ShapeDtypeStruct((NC, NPAD, D), jnp.float32)
  scratch = [
      pltpu.VMEM((NCHUNK, CHUNK), jnp.int32),
      pltpu.VMEM((NCHUNK, CHUNK), jnp.int32),
      pltpu.VMEM((NBUF, CHUNK, D), jnp.float32),
      pltpu.VMEM((RPT, D), jnp.float32),
      pltpu.VMEM_SHARED((NPAD, D), jnp.float32),
      pltpu.SemaphoreType.DMA((NBUF,)),
      pltpu.SemaphoreType.DMA((NBUF,)),
  ]

  mesh = plsc.VectorSubcoreMesh(core_axis_name="c", subcore_axis_name="s")

  @functools.partial(pl.kernel, mesh=mesh, out_type=out_type,
                     scratch_types=scratch,
                     compiler_params=pltpu.CompilerParams(
                         use_tc_tiling_on_sc=False))
  def seg_sum(y_hbm, src_hbm, dst_hbm, z2d_hbm, out_hbm,
              src_v, dst_v, rows_v, zbuf, agg_sh, gsem, ssem):
    c = lax.axis_index("c")
    s = lax.axis_index("s")
    wid = s * NC + c

    pltpu.sync_copy(src_hbm.at[wid], src_v)
    pltpu.sync_copy(dst_hbm.at[wid], dst_v)

    pltpu.sync_copy(z2d_hbm, zbuf)
    pltpu.sync_copy(zbuf, agg_sh.at[pl.ds(s * RPT, RPT)])
    plsc.subcore_barrier()

    for b in range(NBUF):
      pltpu.async_copy(y_hbm.at[src_v.at[b]], rows_v.at[b], gsem.at[b])

    def chunk_body(j, carry):
      b = lax.rem(j, NBUF)
      pltpu.make_async_copy(y_hbm.at[src_v.at[j]], rows_v.at[b],
                            gsem.at[b]).wait()
      pltpu.async_copy(rows_v.at[b], agg_sh.at[dst_v.at[j]], ssem.at[b],
                       add=True)
      nxt = j + NBUF

      @pl.when(nxt < NCHUNK)
      def _refill():
        pltpu.make_async_copy(rows_v.at[b], agg_sh.at[dst_v.at[j]],
                              ssem.at[b]).wait()
        pltpu.async_copy(y_hbm.at[src_v.at[nxt]], rows_v.at[b], gsem.at[b])

      return carry

    lax.fori_loop(0, NCHUNK, chunk_body, 0)

    for j in range(NCHUNK - NBUF, NCHUNK):
      b = j % NBUF
      pltpu.make_async_copy(rows_v.at[b], agg_sh.at[dst_v.at[j]],
                            ssem.at[b]).wait()
    plsc.subcore_barrier()

    pltpu.sync_copy(agg_sh.at[pl.ds(s * RPT, RPT)], zbuf)
    pltpu.sync_copy(zbuf, out_hbm.at[c, pl.ds(s * RPT, RPT)])

  return seg_sum


_seg_sum_24 = _make_seg_sum(AUGW)
_seg_sum_16 = _make_seg_sum(16)


def _make_epilogue1():
  out_type = [jax.ShapeDtypeStruct((NPAD, 16), jnp.float32),
              jax.ShapeDtypeStruct((NPAD, 16), jnp.float32)]
  scratch = [
      pltpu.VMEM((NPB, AUGW), jnp.float32),
      pltpu.VMEM((NPB, AUGW), jnp.float32),
      pltpu.VMEM((NPB, 16), jnp.float32),
      pltpu.VMEM((16, 16), jnp.float32),
      pltpu.VMEM((16,), jnp.float32),
      pltpu.VMEM((NPB, 16), jnp.float32),
      pltpu.VMEM((NPB, 16), jnp.float32),
  ]
  mesh = plsc.VectorSubcoreMesh(core_axis_name="c", subcore_axis_name="s")

  @functools.partial(pl.kernel, mesh=mesh, out_type=out_type,
                     scratch_types=scratch,
                     compiler_params=pltpu.CompilerParams(
                         use_tc_tiling_on_sc=False,
                         needs_layout_passes=False))
  def epi1(p_hbm, xr_hbm, w2_hbm, b1_hbm, yhr_hbm, invw_hbm,
           p0v, p1v, xrv, w2v, b1v, yhrv, invv):
    c = lax.axis_index("c")
    s = lax.axis_index("s")
    wid = s * NC + c
    base = wid * NPB
    pltpu.sync_copy(p_hbm.at[0, pl.ds(base, NPB)], p0v)
    pltpu.sync_copy(p_hbm.at[1, pl.ds(base, NPB)], p1v)
    pltpu.sync_copy(xr_hbm.at[pl.ds(base, NPB)], xrv)
    pltpu.sync_copy(w2_hbm, w2v)
    pltpu.sync_copy(b1_hbm, b1v)

    b1r = b1v[...]
    w2rows = [w2v[k, :] for k in range(16)]
    iota = lax.iota(jnp.int32, 16)

    def node_body(n, carry):
      nn = jnp.full((16,), 0, jnp.int32) + n
      d = (plsc.load_gather(p0v, [nn, jnp.full((16,), 16, jnp.int32)]) +
           plsc.load_gather(p1v, [nn, jnp.full((16,), 16, jnp.int32)]))
      inv = 1.0 / jnp.maximum(d, 1.0)
      p0r = plsc.load_gather(p0v, [nn, iota])
      p1r = plsc.load_gather(p1v, [nn, iota])
      xrr = xrv[n, :]
      h = jnp.maximum((p0r + p1r) * inv + b1r + xrr, 0.0)
      acc = jnp.zeros((16,), jnp.float32)
      for k in range(16):
        hk = lax.gather(
            h, jnp.full((16, 1), k, jnp.int32),
            lax.GatherDimensionNumbers(offset_dims=(),
                                       collapsed_slice_dims=(0,),
                                       start_index_map=(0,)),
            (1,), mode=lax.GatherScatterMode.PROMISE_IN_BOUNDS)
        acc = acc + hk * w2rows[k]
      yhrv[n, :] = acc
      invv[n, :] = inv
      return carry

    lax.fori_loop(0, NPB, node_body, 0)
    pltpu.sync_copy(yhrv, yhr_hbm.at[pl.ds(base, NPB)])
    pltpu.sync_copy(invv, invw_hbm.at[pl.ds(base, NPB)])

  return epi1


def _make_epilogue2():
  out_type = jax.ShapeDtypeStruct((NPAD, 16), jnp.float32)
  scratch = [
      pltpu.VMEM((NPB, 16), jnp.float32),
      pltpu.VMEM((NPB, 16), jnp.float32),
      pltpu.VMEM((NPB, 16), jnp.float32),
      pltpu.VMEM((NPB, 16), jnp.float32),
      pltpu.VMEM((16,), jnp.float32),
      pltpu.VMEM((NPB, 16), jnp.float32),
  ]
  mesh = plsc.VectorSubcoreMesh(core_axis_name="c", subcore_axis_name="s")

  @functools.partial(pl.kernel, mesh=mesh, out_type=out_type,
                     scratch_types=scratch,
                     compiler_params=pltpu.CompilerParams(
                         use_tc_tiling_on_sc=False,
                         needs_layout_passes=False))
  def epi2(p_hbm, yhr_hbm, invw_hbm, b2_hbm, out_hbm,
           p0v, p1v, yhrv, invv, b2v, outv):
    c = lax.axis_index("c")
    s = lax.axis_index("s")
    wid = s * NC + c
    base = wid * NPB
    pltpu.sync_copy(p_hbm.at[0, pl.ds(base, NPB)], p0v)
    pltpu.sync_copy(p_hbm.at[1, pl.ds(base, NPB)], p1v)
    pltpu.sync_copy(yhr_hbm.at[pl.ds(base, NPB)], yhrv)
    pltpu.sync_copy(invw_hbm.at[pl.ds(base, NPB)], invv)
    pltpu.sync_copy(b2_hbm, b2v)

    b2r = b2v[...]
    hr_idx = jnp.minimum(lax.iota(jnp.int32, 16) + 8, 15)

    def node_body(n, carry):
      nn = jnp.full((16,), 0, jnp.int32) + n
      p = p0v[n, :] + p1v[n, :]
      hr8 = plsc.load_gather(yhrv, [nn, hr_idx])
      outv[n, :] = p * invv[n, :] + b2r + hr8
      return carry

    lax.fori_loop(0, NPB, node_body, 0)
    pltpu.sync_copy(outv, out_hbm.at[pl.ds(base, NPB)])

  return epi2


_epilogue1 = _make_epilogue1()
_epilogue2 = _make_epilogue2()



ROWS_BLK = 1024
GRID = NPAD // ROWS_BLK


def _mm_a_body(x_ref, w_ref, o1_ref, o2_ref):
  acc = jnp.dot(x_ref[...], w_ref[...], preferred_element_type=jnp.float32)
  o1_ref[...] = jnp.concatenate(
      [acc[:, :16],
       jnp.ones((ROWS_BLK, 1), jnp.float32),
       jnp.zeros((ROWS_BLK, AUGW - 17), jnp.float32)], axis=1)
  o2_ref[...] = acc[:, 16:]


def kernel(x, edge_index, W1_l, b1_l, W1_r, W2_l, b2_l, W2_r):
  f32 = jnp.float32
  src = edge_index[0].astype(jnp.int32).reshape(NW, NCHUNK, CHUNK)
  dst = edge_index[1].astype(jnp.int32).reshape(NW, NCHUNK, CHUNK)

  z24 = jnp.zeros((RPT, AUGW), f32)
  z16 = jnp.zeros((RPT, 16), f32)
  W2cat = jnp.concatenate([W2_l.T, W2_r.T], axis=1)
  b2pad = jnp.concatenate([b2_l, jnp.zeros((8,), f32)])

  Wc1 = jnp.concatenate([W1_l, W1_r], axis=0).T

  y1, xr = pl.pallas_call(
      _mm_a_body,
      grid=(GRID,),
      in_specs=[pl.BlockSpec((ROWS_BLK, 128), lambda i: (i, 0)),
                pl.BlockSpec((128, 32), lambda i: (0, 0))],
      out_specs=[pl.BlockSpec((ROWS_BLK, AUGW), lambda i: (i, 0)),
                 pl.BlockSpec((ROWS_BLK, 16), lambda i: (i, 0))],
      out_shape=[jax.ShapeDtypeStruct((NPAD, AUGW), f32),
                 jax.ShapeDtypeStruct((NPAD, 16), f32)],
  )(x, Wc1)

  psum1 = _seg_sum_24(y1, src, dst, z24)
  yhr, invw = _epilogue1(psum1, xr, W2cat, b1_l)
  psum2 = _seg_sum_16(yhr, src, dst, z16)
  out16 = _epilogue2(psum2, yhr, invw, b2pad)
  return out16[:N_NODES, :8]

# --- scband reference (transcript-rebuilt; emitter-appended) ---
"""Pipeline reference for scband-symbol-gnn-61160334295571 (READ-ONLY COPY).

The authoritative reference and input builder live on the scoring server;
editing this copy changes nothing except your own understanding.
"""

import jax, jax.numpy as jnp
import numpy as np

N_NODES = 10000
N_EDGES = 320000
IN_DIM = 128
HIDDEN_DIM = 16
OUT_DIM = 8


def setup_inputs(seed: int = 0) -> dict:
    key = jax.random.key(seed)
    k_x, k_ei, k1, k2, k3, k4, k5, k6 = jax.random.split(key, 8)
    x = jax.random.normal(k_x, (N_NODES, IN_DIM), dtype=jnp.float32)
    edge_index = jax.random.randint(k_ei, (2, N_EDGES), 0, N_NODES, dtype=jnp.int64)
    # SAGEConv params (PyG-style): lin_l (neighbor agg, with bias), lin_r (root, no bias)
    def glorot(k, shape):
        fan_in, fan_out = shape[1], shape[0]
        limit = np.sqrt(6.0 / (fan_in + fan_out))
        return jax.random.uniform(k, shape, dtype=jnp.float32, minval=-limit, maxval=limit)
    W1_l = glorot(k1, (HIDDEN_DIM, IN_DIM))
    b1_l = jnp.zeros((HIDDEN_DIM,), dtype=jnp.float32)
    W1_r = glorot(k2, (HIDDEN_DIM, IN_DIM))
    W2_l = glorot(k3, (OUT_DIM, HIDDEN_DIM))
    b2_l = jnp.zeros((OUT_DIM,), dtype=jnp.float32)
    W2_r = glorot(k4, (OUT_DIM, HIDDEN_DIM))
    return {"x": x, "edge_index": edge_index,
            "W1_l": W1_l, "b1_l": b1_l, "W1_r": W1_r,
            "W2_l": W2_l, "b2_l": b2_l, "W2_r": W2_r}


def _sage_conv(x, edge_index, W_l, b_l, W_r):
    src = edge_index[0]
    dst = edge_index[1]
    msgs = jnp.take(x, src, axis=0)                     # gather source features
    agg = jax.ops.segment_sum(msgs, dst, num_segments=N_NODES)
    deg = jax.ops.segment_sum(jnp.ones((edge_index.shape[1],), dtype=x.dtype), dst, num_segments=N_NODES)
    mean_agg = agg / jnp.clip(deg, 1.0)[:, None]        # mean aggregation
    return mean_agg @ W_l.T + b_l + x @ W_r.T


def reference(x, edge_index, W1_l, b1_l, W1_r, W2_l, b2_l, W2_r):
    h = _sage_conv(x, edge_index, W1_l, b1_l, W1_r)
    h = jax.nn.relu(h)
    out = _sage_conv(h, edge_index, W2_l, b2_l, W2_r)
    return out

if __name__ == "__main__":
    import jax
    _d = setup_inputs()
    print(jax.jit(kernel)(*tuple(_d.values())))

</pallas_src>

<mosaic_0001>
#map = affine_map<(d0, d1) -> (0, 0, 0)>
#map1 = affine_map<(d0, d1) -> (0, 0)>
#map2 = affine_map<(d0, d1) -> (0)>
module attributes {stable_mosaic.version = 14 : i64} {
  func.func @epi2(%arg0: i32, %arg1: i32, %arg2: memref<2x10240x16xf32, #tpu.memory_space<hbm>>, %arg3: memref<10240x16xf32, #tpu.memory_space<hbm>>, %arg4: memref<10240x16xf32, #tpu.memory_space<hbm>>, %arg5: memref<16xf32, #tpu.memory_space<hbm>>, %arg6: memref<10240x16xf32, #tpu.memory_space<hbm>>, %arg7: memref<320x16xf32, #tpu.memory_space<vmem>>, %arg8: memref<320x16xf32, #tpu.memory_space<vmem>>, %arg9: memref<320x16xf32, #tpu.memory_space<vmem>>, %arg10: memref<320x16xf32, #tpu.memory_space<vmem>>, %arg11: memref<16xf32, #tpu.memory_space<vmem>>, %arg12: memref<320x16xf32, #tpu.memory_space<vmem>>) attributes {dimension_semantics = [#tpu.dimension_semantics<core_parallel>, #tpu.dimension_semantics<subcore_parallel>], iteration_bounds = array<i64: 2, 16>, scalar_prefetch = 0 : i64, scratch_operands = 6 : i64, tpu.core_type = #tpu.core_type<sc_vector_subcore>, window_params = [{transform_indices = #map}, {transform_indices = #map1}, {transform_indices = #map1}, {transform_indices = #map2}, {transform_indices = #map1}]} {
    %mul3A = arith.constant 2 : i32
    %mul3A_0 = arith.muli %arg1, %mul3A : i32
    %add3A = arith.addi %mul3A_0, %arg0 : i32
    %mul3A_1 = arith.constant 320 : i32
    %mul3A_2 = arith.muli %add3A, %mul3A_1 : i32
    %run_scoped3A = arith.constant 0 : i32
    "tpu.region"() ({
      %run_scoped3A_15 = tpu.sem_alloc : memref<!tpu.dma_semaphore, #tpu.memory_space<semaphore_mem>>
      %dma_start3A = arith.constant 0 : i32
      %dma_start3A_16 = tpu.memref_slice %arg2[%run_scoped3A, %mul3A_2, %dma_start3A] : memref<2x10240x16xf32, #tpu.memory_space<hbm>> -> memref<1x320x16xf32, #tpu.memory_space<hbm>>
      %dma_start3A_17 = tpu.memref_squeeze %dma_start3A_16 : memref<1x320x16xf32, #tpu.memory_space<hbm>> -> memref<320x16xf32, #tpu.memory_space<hbm>>
      %dma_start3A_18 = arith.constant 0 : i32
      %dma_start3A_19 = tpu.memref_slice %arg2[%run_scoped3A, %mul3A_2, %dma_start3A_18] : memref<2x10240x16xf32, #tpu.memory_space<hbm>> -> memref<1x320x16xf32, #tpu.memory_space<hbm>>
      %dma_start3A_20 = tpu.memref_squeeze %dma_start3A_19 : memref<1x320x16xf32, #tpu.memory_space<hbm>> -> memref<320x16xf32, #tpu.memory_space<hbm>>
      tpu.enqueue_dma source(%dma_start3A_20 : memref<320x16xf32, #tpu.memory_space<hbm>>) target(%arg7 : memref<320x16xf32, #tpu.memory_space<vmem>>) target_semaphore(%run_scoped3A_15 : memref<!tpu.dma_semaphore, #tpu.memory_space<semaphore_mem>>)
      %dma_wait3A = arith.constant 0 : i32
      %dma_wait3A_21 = tpu.memref_slice %arg2[%run_scoped3A, %mul3A_2, %dma_wait3A] : memref<2x10240x16xf32, #tpu.memory_space<hbm>> -> memref<1x320x16xf32, #tpu.memory_space<hbm>>
      %dma_wait3A_22 = tpu.memref_squeeze %dma_wait3A_21 : memref<1x320x16xf32, #tpu.memory_space<hbm>> -> memref<320x16xf32, #tpu.memory_space<hbm>>
      %dma_wait3A_23 = arith.constant 0 : i32
      %dma_wait3A_24 = tpu.memref_slice %arg2[%run_scoped3A, %mul3A_2, %dma_wait3A_23] : memref<2x10240x16xf32, #tpu.memory_space<hbm>> -> memref<1x320x16xf32, #tpu.memory_space<hbm>>
      %dma_wait3A_25 = tpu.memref_squeeze %dma_wait3A_24 : memref<1x320x16xf32, #tpu.memory_space<hbm>> -> memref<320x16xf32, #tpu.memory_space<hbm>>
      tpu.wait_dma2 semaphore(%run_scoped3A_15 : memref<!tpu.dma_semaphore, #tpu.memory_space<semaphore_mem>>) src(%dma_wait3A_25 : memref<320x16xf32, #tpu.memory_space<hbm>>) dst(%arg7 : memref<320x16xf32, #tpu.memory_space<vmem>>)
      tpu.yield
    }) : () -> ()
    %run_scoped3A_3 = arith.constant 1 : i32
    "tpu.region"() ({
      %run_scoped3A_15 = tpu.sem_alloc : memref<!tpu.dma_semaphore, #tpu.memory_space<semaphore_mem>>
      %dma_start3A = arith.constant 0 : i32
      %dma_start3A_16 = tpu.memref_slice %arg2[%run_scoped3A_3, %mul3A_2, %dma_start3A] : memref<2x10240x16xf32, #tpu.memory_space<hbm>> -> memref<1x320x16xf32, #tpu.memory_space<hbm>>
      %dma_start3A_17 = tpu.memref_squeeze %dma_start3A_16 : memref<1x320x16xf32, #tpu.memory_space<hbm>> -> memref<320x16xf32, #tpu.memory_space<hbm>>
      %dma_start3A_18 = arith.constant 0 : i32
      %dma_start3A_19 = tpu.memref_slice %arg2[%run_scoped3A_3, %mul3A_2, %dma_start3A_18] : memref<2x10240x16xf32, #tpu.memory_space<hbm>> -> memref<1x320x16xf32, #tpu.memory_space<hbm>>
      %dma_start3A_20 = tpu.memref_squeeze %dma_start3A_19 : memref<1x320x16xf32, #tpu.memory_space<hbm>> -> memref<320x16xf32, #tpu.memory_space<hbm>>
      tpu.enqueue_dma source(%dma_start3A_20 : memref<320x16xf32, #tpu.memory_space<hbm>>) target(%arg8 : memref<320x16xf32, #tpu.memory_space<vmem>>) target_semaphore(%run_scoped3A_15 : memref<!tpu.dma_semaphore, #tpu.memory_space<semaphore_mem>>)
      %dma_wait3A = arith.constant 0 : i32
      %dma_wait3A_21 = tpu.memref_slice %arg2[%run_scoped3A_3, %mul3A_2, %dma_wait3A] : memref<2x10240x16xf32, #tpu.memory_space<hbm>> -> memref<1x320x16xf32, #tpu.memory_space<hbm>>
      %dma_wait3A_22 = tpu.memref_squeeze %dma_wait3A_21 : memref<1x320x16xf32, #tpu.memory_space<hbm>> -> memref<320x16xf32, #tpu.memory_space<hbm>>
      %dma_wait3A_23 = arith.constant 0 : i32
      %dma_wait3A_24 = tpu.memref_slice %arg2[%run_scoped3A_3, %mul3A_2, %dma_wait3A_23] : memref<2x10240x16xf32, #tpu.memory_space<hbm>> -> memref<1x320x16xf32, #tpu.memory_space<hbm>>
      %dma_wait3A_25 = tpu.memref_squeeze %dma_wait3A_24 : memref<1x320x16xf32, #tpu.memory_space<hbm>> -> memref<320x16xf32, #tpu.memory_space<hbm>>
      tpu.wait_dma2 semaphore(%run_scoped3A_15 : memref<!tpu.dma_semaphore, #tpu.memory_space<semaphore_mem>>) src(%dma_wait3A_25 : memref<320x16xf32, #tpu.memory_space<hbm>>) dst(%arg8 : memref<320x16xf32, #tpu.memory_space<vmem>>)
      tpu.yield
    }) : () -> ()
    "tpu.region"() ({
      %run_scoped3A_15 = tpu.sem_alloc : memref<!tpu.dma_semaphore, #tpu.memory_space<semaphore_mem>>
      %dma_start3A = arith.constant 0 : i32
      %dma_start3A_16 = tpu.memref_slice %arg3[%mul3A_2, %dma_start3A] : memref<10240x16xf32, #tpu.memory_space<hbm>> -> memref<320x16xf32, #tpu.memory_space<hbm>>
      %dma_start3A_17 = arith.constant 0 : i32
      %dma_start3A_18 = tpu.memref_slice %arg3[%mul3A_2, %dma_start3A_17] : memref<10240x16xf32, #tpu.memory_space<hbm>> -> memref<320x16xf32, #tpu.memory_space<hbm>>
      tpu.enqueue_dma source(%dma_start3A_18 : memref<320x16xf32, #tpu.memory_space<hbm>>) target(%arg9 : memref<320x16xf32, #tpu.memory_space<vmem>>) target_semaphore(%run_scoped3A_15 : memref<!tpu.dma_semaphore, #tpu.memory_space<semaphore_mem>>)
      %dma_wait3A = arith.constant 0 : i32
      %dma_wait3A_19 = tpu.memref_slice %arg3[%mul3A_2, %dma_wait3A] : memref<10240x16xf32, #tpu.memory_space<hbm>> -> memref<320x16xf32, #tpu.memory_space<hbm>>
      %dma_wait3A_20 = arith.constant 0 : i32
      %dma_wait3A_21 = tpu.memref_slice %arg3[%mul3A_2, %dma_wait3A_20] : memref<10240x16xf32, #tpu.memory_space<hbm>> -> memref<320x16xf32, #tpu.memory_space<hbm>>
      tpu.wait_dma2 semaphore(%run_scoped3A_15 : memref<!tpu.dma_semaphore, #tpu.memory_space<semaphore_mem>>) src(%dma_wait3A_21 : memref<320x16xf32, #tpu.memory_space<hbm>>) dst(%arg9 : memref<320x16xf32, #tpu.memory_space<vmem>>)
      tpu.yield
    }) : () -> ()
    "tpu.region"() ({
      %run_scoped3A_15 = tpu.sem_alloc : memref<!tpu.dma_semaphore, #tpu.memory_space<semaphore_mem>>
      %dma_start3A = arith.constant 0 : i32
      %dma_start3A_16 = tpu.memref_slice %arg4[%mul3A_2, %dma_start3A] : memref<10240x16xf32, #tpu.memory_space<hbm>> -> memref<320x16xf32, #tpu.memory_space<hbm>>
      %dma_start3A_17 = arith.constant 0 : i32
      %dma_start3A_18 = tpu.memref_slice %arg4[%mul3A_2, %dma_start3A_17] : memref<10240x16xf32, #tpu.memory_space<hbm>> -> memref<320x16xf32, #tpu.memory_space<hbm>>
      tpu.enqueue_dma source(%dma_start3A_18 : memref<320x16xf32, #tpu.memory_space<hbm>>) target(%arg10 : memref<320x16xf32, #tpu.memory_space<vmem>>) target_semaphore(%run_scoped3A_15 : memref<!tpu.dma_semaphore, #tpu.memory_space<semaphore_mem>>)
      %dma_wait3A = arith.constant 0 : i32
      %dma_wait3A_19 = tpu.memref_slice %arg4[%mul3A_2, %dma_wait3A] : memref<10240x16xf32, #tpu.memory_space<hbm>> -> memref<320x16xf32, #tpu.memory_space<hbm>>
      %dma_wait3A_20 = arith.constant 0 : i32
      %dma_wait3A_21 = tpu.memref_slice %arg4[%mul3A_2, %dma_wait3A_20] : memref<10240x16xf32, #tpu.memory_space<hbm>> -> memref<320x16xf32, #tpu.memory_space<hbm>>
      tpu.wait_dma2 semaphore(%run_scoped3A_15 : memref<!tpu.dma_semaphore, #tpu.memory_space<semaphore_mem>>) src(%dma_wait3A_21 : memref<320x16xf32, #tpu.memory_space<hbm>>) dst(%arg10 : memref<320x16xf32, #tpu.memory_space<vmem>>)
      tpu.yield
    }) : () -> ()
    "tpu.region"() ({
      %run_scoped3A_15 = tpu.sem_alloc : memref<!tpu.dma_semaphore, #tpu.memory_space<semaphore_mem>>
      tpu.enqueue_dma source(%arg5 : memref<16xf32, #tpu.memory_space<hbm>>) target(%arg11 : memref<16xf32, #tpu.memory_space<vmem>>) target_semaphore(%run_scoped3A_15 : memref<!tpu.dma_semaphore, #tpu.memory_space<semaphore_mem>>)
      tpu.wait_dma2 semaphore(%run_scoped3A_15 : memref<!tpu.dma_semaphore, #tpu.memory_space<semaphore_mem>>) src(%arg5 : memref<16xf32, #tpu.memory_space<hbm>>) dst(%arg11 : memref<16xf32, #tpu.memory_space<vmem>>)
      tpu.yield
    }) : () -> ()
    %get3A = arith.constant 0 : index
    %get3A_4 = tpu.vector_load %arg11[%get3A] {strides = array<i32>} : memref<16xf32, #tpu.memory_space<vmem>>, vector<16xf32>,
    %iota3A = tpu.iota {dimensions = array<i32: 0>} : vector<16xi32>
    %add3A_5 = arith.constant 8 : i32
    %add3A_6 = vector.broadcast %add3A_5 : i32 to vector<16xi32>
    %add3A_7 = arith.addi %iota3A, %add3A_6 : vector<16xi32>
    %min3A = arith.constant 15 : i32
    %min3A_8 = vector.broadcast %min3A : i32 to vector<16xi32>
    %min3A_9 = arith.minsi %add3A_7, %min3A_8 : vector<16xi32>
    %scan3A = arith.constant 0 : i32
    %scan3A_10 = arith.constant 0 : i32
    %scan3A_11 = arith.constant 320 : i32
    %scan3A_12 = arith.addi %scan3A_10, %scan3A_11 : i32
    %scan3A_13 = arith.constant 1 : i32
    scf.for %scan3A_15 = %scan3A_10 to %scan3A_12 step %scan3A_13  : i32 {
      %broadcast_in_dim3A = arith.constant 0 : i32
      %broadcast_in_dim3A_16 = vector.broadcast %broadcast_in_dim3A : i32 to vector<16xi32>
      %add3A_17 = vector.broadcast %scan3A_15 : i32 to vector<16xi32>
      %add3A_18 = arith.addi %broadcast_in_dim3A_16, %add3A_17 : vector<16xi32>
      %get3A_19 = arith.index_cast %scan3A_15 : i32 to index
      %get3A_20 = arith.constant 0 : index
      %get3A_21 = tpu.vector_load %arg7[%get3A_19, %get3A_20] {strides = array<i32>} : memref<320x16xf32, #tpu.memory_space<vmem>>, vector<16xf32>,
      %get3A_22 = arith.index_cast %scan3A_15 : i32 to index
      %get3A_23 = arith.constant 0 : index
      %get3A_24 = tpu.vector_load %arg8[%get3A_22, %get3A_23] {strides = array<i32>} : memref<320x16xf32, #tpu.memory_space<vmem>>, vector<16xf32>,
      %add3A_25 = arith.addf %get3A_21, %get3A_24 : vector<16xf32>
      %gather3A = tpu.vector_load_idx %arg9[%add3A_18, %min3A_9] : memref<320x16xf32, #tpu.memory_space<vmem>>[vector<16xi32>, vector<16xi32>], vector<16xf32>,
      %get3A_26 = arith.index_cast %scan3A_15 : i32 to index
      %get3A_27 = arith.constant 0 : index
      %get3A_28 = tpu.vector_load %arg10[%get3A_26, %get3A_27] {strides = array<i32>} : memref<320x16xf32, #tpu.memory_space<vmem>>, vector<16xf32>,
      %mul3A_29 = arith.mulf %add3A_25, %get3A_28 : vector<16xf32>
      %add3A_30 = arith.addf %mul3A_29, %get3A_4 : vector<16xf32>
      %add3A_31 = arith.addf %add3A_30, %gather3A : vector<16xf32>
      %swap3A = arith.index_cast %scan3A_15 : i32 to index
      %swap3A_32 = arith.constant 0 : index
      %swap3A_33 = tpu.vector_load %arg12[%swap3A, %swap3A_32] {strides = array<i32>} : memref<320x16xf32, #tpu.memory_space<vmem>>, vector<16xf32>,
      tpu.vector_store %arg12[%swap3A, %swap3A_32], %add3A_31 {strides = array<i32>} : memref<320x16xf32, #tpu.memory_space<vmem>>, vector<16xf32>,
    }
    %scan3A_14 = arith.constant 320 : i32
    "tpu.region"() ({
      %run_scoped3A_15 = tpu.sem_alloc : memref<!tpu.dma_semaphore, #tpu.memory_space<semaphore_mem>>
      %dma_start3A = arith.constant 0 : i32
      %dma_start3A_16 = tpu.memref_slice %arg6[%mul3A_2, %dma_start3A] : memref<10240x16xf32, #tpu.memory_space<hbm>> -> memref<320x16xf32, #tpu.memory_space<hbm>>
      %dma_start3A_17 = arith.constant 0 : i32
      %dma_start3A_18 = tpu.memref_slice %arg6[%mul3A_2, %dma_start3A_17] : memref<10240x16xf32, #tpu.memory_space<hbm>> -> memref<320x16xf32, #tpu.memory_space<hbm>>
      tpu.enqueue_dma source(%arg12 : memref<320x16xf32, #tpu.memory_space<vmem>>) target(%dma_start3A_18 : memref<320x16xf32, #tpu.memory_space<hbm>>) target_semaphore(%run_scoped3A_15 : memref<!tpu.dma_semaphore, #tpu.memory_space<semaphore_mem>>)
      %dma_wait3A = arith.constant 0 : i32
      %dma_wait3A_19 = tpu.memref_slice %arg6[%mul3A_2, %dma_wait3A] : memref<10240x16xf32, #tpu.memory_space<hbm>> -> memref<320x16xf32, #tpu.memory_space<hbm>>
      %dma_wait3A_20 = arith.constant 0 : i32
      %dma_wait3A_21 = tpu.memref_slice %arg6[%mul3A_2, %dma_wait3A_20] : memref<10240x16xf32, #tpu.memory_space<hbm>> -> memref<320x16xf32, #tpu.memory_space<hbm>>
      tpu.wait_dma2 semaphore(%run_scoped3A_15 : memref<!tpu.dma_semaphore, #tpu.memory_space<semaphore_mem>>) src(%arg12 : memref<320x16xf32, #tpu.memory_space<vmem>>) dst(%dma_wait3A_21 : memref<320x16xf32, #tpu.memory_space<hbm>>)
      tpu.yield
    }) : () -> ()
    return
  }
}

#map = affine_map<(d0, d1) -> (0, 0)>
#map1 = affine_map<(d0, d1) -> (0, 0, 0)>
module attributes {stable_mosaic.version = 14 : i64} {
  func.func @seg_sum(%arg0: i32, %arg1: i32, %arg2: memref<10240x24xf32, #tpu.memory_space<hbm>>, %arg3: memref<32x80x125xi32, #tpu.memory_space<hbm>>, %arg4: memref<32x80x125xi32, #tpu.memory_space<hbm>>, %arg5: memref<640x24xf32, #tpu.memory_space<hbm>>, %arg6: memref<2x10240x24xf32, #tpu.memory_space<hbm>>, %arg7: memref<80x125xi32, #tpu.memory_space<vmem>>, %arg8: memref<80x125xi32, #tpu.memory_space<vmem>>, %arg9: memref<4x125x24xf32, #tpu.memory_space<vmem>>, %arg10: memref<640x24xf32, #tpu.memory_space<vmem>>, %arg11: memref<10240x24xf32, #tpu.memory_space<vmem_shared>>, %arg12: memref<4x!tpu.dma_semaphore, #tpu.memory_space<semaphore_mem>>, %arg13: memref<4x!tpu.dma_semaphore, #tpu.memory_space<semaphore_mem>>) attributes {dimension_semantics = [#tpu.dimension_semantics<core_parallel>, #tpu.dimension_semantics<subcore_parallel>], iteration_bounds = array<i64: 2, 16>, scalar_prefetch = 0 : i64, scratch_operands = 7 : i64, tpu.core_type = #tpu.core_type<sc_vector_subcore>, window_params = [{transform_indices = #map}, {transform_indices = #map1}, {transform_indices = #map1}, {transform_indices = #map}, {transform_indices = #map1}]} {
    %mul3A = arith.constant 2 : i32
    %mul3A_0 = arith.muli %arg1, %mul3A : i32
    %add3A = arith.addi %mul3A_0, %arg0 : i32
    "tpu.region"() ({
      %run_scoped3A = tpu.sem_alloc : memref<!tpu.dma_semaphore, #tpu.memory_space<semaphore_mem>>
      %dma_start3A_131 = arith.constant 0 : i32
      %dma_start3A_132 = arith.constant 0 : i32
      %dma_start3A_133 = tpu.memref_slice %arg3[%add3A, %dma_start3A_131, %dma_start3A_132] : memref<32x80x125xi32, #tpu.memory_space<hbm>> -> memref<1x80x125xi32, #tpu.memory_space<hbm>>
      %dma_start3A_134 = tpu.memref_squeeze %dma_start3A_133 : memref<1x80x125xi32, #tpu.memory_space<hbm>> -> memref<80x125xi32, #tpu.memory_space<hbm>>
      %dma_start3A_135 = arith.constant 0 : i32
      %dma_start3A_136 = arith.constant 0 : i32
      %dma_start3A_137 = tpu.memref_slice %arg3[%add3A, %dma_start3A_135, %dma_start3A_136] : memref<32x80x125xi32, #tpu.memory_space<hbm>> -> memref<1x80x125xi32, #tpu.memory_space<hbm>>
      %dma_start3A_138 = tpu.memref_squeeze %dma_start3A_137 : memref<1x80x125xi32, #tpu.memory_space<hbm>> -> memref<80x125xi32, #tpu.memory_space<hbm>>
      tpu.enqueue_dma source(%dma_start3A_138 : memref<80x125xi32, #tpu.memory_space<hbm>>) target(%arg7 : memref<80x125xi32, #tpu.memory_space<vmem>>) target_semaphore(%run_scoped3A : memref<!tpu.dma_semaphore, #tpu.memory_space<semaphore_mem>>)
      %dma_wait3A_139 = arith.constant 0 : i32
      %dma_wait3A_140 = arith.constant 0 : i32
      %dma_wait3A_141 = tpu.memref_slice %arg3[%add3A, %dma_wait3A_139, %dma_wait3A_140] : memref<32x80x125xi32, #tpu.memory_space<hbm>> -> memref<1x80x125xi32, #tpu.memory_space<hbm>>
      %dma_wait3A_142 = tpu.memref_squeeze %dma_wait3A_141 : memref<1x80x125xi32, #tpu.memory_space<hbm>> -> memref<80x125xi32, #tpu.memory_space<hbm>>
      %dma_wait3A_143 = arith.constant 0 : i32
      %dma_wait3A_144 = arith.constant 0 : i32
      %dma_wait3A_145 = tpu.memref_slice %arg3[%add3A, %dma_wait3A_143, %dma_wait3A_144] : memref<32x80x125xi32, #tpu.memory_space<hbm>> -> memref<1x80x125xi32, #tpu.memory_space<hbm>>
      %dma_wait3A_146 = tpu.memref_squeeze %dma_wait3A_145 : memref<1x80x125xi32, #tpu.memory_space<hbm>> -> memref<80x125xi32, #tpu.memory_space<hbm>>
      tpu.wait_dma2 semaphore(%run_scoped3A : memref<!tpu.dma_semaphore, #tpu.memory_space<semaphore_mem>>) src(%dma_wait3A_146 : memref<80x125xi32, #tpu.memory_space<hbm>>) dst(%arg7 : memref<80x125xi32, #tpu.memory_space<vmem>>)
      tpu.yield
    }) : () -> ()
    "tpu.region"() ({
      %run_scoped3A = tpu.sem_alloc : memref<!tpu.dma_semaphore, #tpu.memory_space<semaphore_mem>>
      %dma_start3A_131 = arith.constant 0 : i32
      %dma_start3A_132 = arith.constant 0 : i32
      %dma_start3A_133 = tpu.memref_slice %arg4[%add3A, %dma_start3A_131, %dma_start3A_132] : memref<32x80x125xi32, #tpu.memory_space<hbm>> -> memref<1x80x125xi32, #tpu.memory_space<hbm>>
      %dma_start3A_134 = tpu.memref_squeeze %dma_start3A_133 : memref<1x80x125xi32, #tpu.memory_space<hbm>> -> memref<80x125xi32, #tpu.memory_space<hbm>>
      %dma_start3A_135 = arith.constant 0 : i32
      %dma_start3A_136 = arith.constant 0 : i32
      %dma_start3A_137 = tpu.memref_slice %arg4[%add3A, %dma_start3A_135, %dma_start3A_136] : memref<32x80x125xi32, #tpu.memory_space<hbm>> -> memref<1x80x125xi32, #tpu.memory_space<hbm>>
      %dma_start3A_138 = tpu.memref_squeeze %dma_start3A_137 : memref<1x80x125xi32, #tpu.memory_space<hbm>> -> memref<80x125xi32, #tpu.memory_space<hbm>>
      tpu.enqueue_dma source(%dma_start3A_138 : memref<80x125xi32, #tpu.memory_space<hbm>>) target(%arg8 : memref<80x125xi32, #tpu.memory_space<vmem>>) target_semaphore(%run_scoped3A : memref<!tpu.dma_semaphore, #tpu.memory_space<semaphore_mem>>)
      %dma_wait3A_139 = arith.constant 0 : i32
      %dma_wait3A_140 = arith.constant 0 : i32
      %dma_wait3A_141 = tpu.memref_slice %arg4[%add3A, %dma_wait3A_139, %dma_wait3A_140] : memref<32x80x125xi32, #tpu.memory_space<hbm>> -> memref<1x80x125xi32, #tpu.memory_space<hbm>>
      %dma_wait3A_142 = tpu.memref_squeeze %dma_wait3A_141 : memref<1x80x125xi32, #tpu.memory_space<hbm>> -> memref<80x125xi32, #tpu.memory_space<hbm>>
      %dma_wait3A_143 = arith.constant 0 : i32
      %dma_wait3A_144 = arith.constant 0 : i32
      %dma_wait3A_145 = tpu.memref_slice %arg4[%add3A, %dma_wait3A_143, %dma_wait3A_144] : memref<32x80x125xi32, #tpu.memory_space<hbm>> -> memref<1x80x125xi32, #tpu.memory_space<hbm>>
      %dma_wait3A_146 = tpu.memref_squeeze %dma_wait3A_145 : memref<1x80x125xi32, #tpu.memory_space<hbm>> -> memref<80x125xi32, #tpu.memory_space<hbm>>
      tpu.wait_dma2 semaphore(%run_scoped3A : memref<!tpu.dma_semaphore, #tpu.memory_space<semaphore_mem>>) src(%dma_wait3A_146 : memref<80x125xi32, #tpu.memory_space<hbm>>) dst(%arg8 : memref<80x125xi32, #tpu.memory_space<vmem>>)
      tpu.yield
    }) : () -> ()
    "tpu.region"() ({
      %run_scoped3A = tpu.sem_alloc : memref<!tpu.dma_semaphore, #tpu.memory_space<semaphore_mem>>
      tpu.enqueue_dma source(%arg5 : memref<640x24xf32, #tpu.memory_space<hbm>>) target(%arg10 : memref<640x24xf32, #tpu.memory_space<vmem>>) target_semaphore(%run_scoped3A : memref<!tpu.dma_semaphore, #tpu.memory_space<semaphore_mem>>)
      tpu.wait_dma2 semaphore(%run_scoped3A : memref<!tpu.dma_semaphore, #tpu.memory_space<semaphore_mem>>) src(%arg5 : memref<640x24xf32, #tpu.memory_space<hbm>>) dst(%arg10 : memref<640x24xf32, #tpu.memory_space<vmem>>)
      tpu.yield
    }) : () -> ()
    %mul3A_1 = arith.constant 640 : i32
    %mul3A_2 = arith.muli %arg1, %mul3A_1 : i32
    "tpu.region"() ({
      %run_scoped3A = tpu.sem_alloc : memref<!tpu.dma_semaphore, #tpu.memory_space<semaphore_mem>>
      %dma_start3A_131 = arith.constant 0 : i32
      %dma_start3A_132 = tpu.memref_slice %arg11[%mul3A_2, %dma_start3A_131] : memref<10240x24xf32, #tpu.memory_space<vmem_shared>> -> memref<640x24xf32, #tpu.memory_space<vmem_shared>>
      %dma_start3A_133 = arith.constant 0 : i32
      %dma_start3A_134 = tpu.memref_slice %arg11[%mul3A_2, %dma_start3A_133] : memref<10240x24xf32, #tpu.memory_space<vmem_shared>> -> memref<640x24xf32, #tpu.memory_space<vmem_shared>>
      tpu.enqueue_dma source(%arg10 : memref<640x24xf32, #tpu.memory_space<vmem>>) target(%dma_start3A_134 : memref<640x24xf32, #tpu.memory_space<vmem_shared>>) target_semaphore(%run_scoped3A : memref<!tpu.dma_semaphore, #tpu.memory_space<semaphore_mem>>)
      %dma_wait3A_135 = arith.constant 0 : i32
      %dma_wait3A_136 = tpu.memref_slice %arg11[%mul3A_2, %dma_wait3A_135] : memref<10240x24xf32, #tpu.memory_space<vmem_shared>> -> memref<640x24xf32, #tpu.memory_space<vmem_shared>>
      %dma_wait3A_137 = arith.constant 0 : i32
      %dma_wait3A_138 = tpu.memref_slice %arg11[%mul3A_2, %dma_wait3A_137] : memref<10240x24xf32, #tpu.memory_space<vmem_shared>> -> memref<640x24xf32, #tpu.memory_space<vmem_shared>>
      tpu.wait_dma2 semaphore(%run_scoped3A : memref<!tpu.dma_semaphore, #tpu.memory_space<semaphore_mem>>) src(%arg10 : memref<640x24xf32, #tpu.memory_space<vmem>>) dst(%dma_wait3A_138 : memref<640x24xf32, #tpu.memory_space<vmem_shared>>)
      tpu.yield
    }) : () -> ()
    %barrier3A = arith.constant 0 : index
    tpu.barrier barrier_id(%barrier3A)
    %dma_start3A = arith.constant 0 : i32
    %dma_start3A_3 = arith.constant 0 : i32
    %dma_start3A_4 = arith.constant 0 : i32
    %dma_start3A_5 = arith.constant 0 : i32
    %dma_start3A_6 = arith.constant 0 : i32
    %dma_start3A_7 = tpu.memref_slice %arg9[%dma_start3A_3, %dma_start3A_5, %dma_start3A_6] : memref<4x125x24xf32, #tpu.memory_space<vmem>> -> memref<1x125x24xf32, #tpu.memory_space<vmem>>
    %dma_start3A_8 = tpu.memref_squeeze %dma_start3A_7 : memref<1x125x24xf32, #tpu.memory_space<vmem>> -> memref<125x24xf32, #tpu.memory_space<vmem>>
    %dma_start3A_9 = arith.constant 0 : i32
    %dma_start3A_10 = tpu.memref_slice %arg7[%dma_start3A, %dma_start3A_9] : memref<80x125xi32, #tpu.memory_space<vmem>> -> memref<1x125xi32, #tpu.memory_space<vmem>>
    %dma_start3A_11 = tpu.memref_squeeze %dma_start3A_10 : memref<1x125xi32, #tpu.memory_space<vmem>> -> memref<125xi32, #tpu.memory_space<vmem>>
    %dma_start3A_12 = arith.constant 0 : i32
    %dma_start3A_13 = arith.constant 0 : i32
    %dma_start3A_14 = tpu.memref_slice %arg2[%dma_start3A_12, %dma_start3A_13] : memref<10240x24xf32, #tpu.memory_space<hbm>> -> memref<10240x24xf32, #tpu.memory_space<hbm>>
    %dma_start3A_15 = tpu.memref_slice %arg12[%dma_start3A_4] : memref<4x!tpu.dma_semaphore, #tpu.memory_space<semaphore_mem>> -> memref<1x!tpu.dma_semaphore, #tpu.memory_space<semaphore_mem>>
    %dma_start3A_16 = tpu.memref_squeeze %dma_start3A_15 : memref<1x!tpu.dma_semaphore, #tpu.memory_space<semaphore_mem>> -> memref<!tpu.dma_semaphore, #tpu.memory_space<semaphore_mem>>
    tpu.enqueue_indirect_dma source(%dma_start3A_14 : memref<10240x24xf32, #tpu.memory_space<hbm>>) target(%dma_start3A_8 : memref<125x24xf32, #tpu.memory_space<vmem>>) offsets(%dma_start3A_11 : memref<125xi32, #tpu.memory_space<vmem>>) semaphore(%dma_start3A_16 : memref<!tpu.dma_semaphore, #tpu.memory_space<semaphore_mem>>)
    %dma_start3A_17 = arith.constant 1 : i32
    %dma_start3A_18 = arith.constant 1 : i32
    %dma_start3A_19 = arith.constant 1 : i32
    %dma_start3A_20 = arith.constant 0 : i32
    %dma_start3A_21 = arith.constant 0 : i32
    %dma_start3A_22 = tpu.memref_slice %arg9[%dma_start3A_18, %dma_start3A_20, %dma_start3A_21] : memref<4x125x24xf32, #tpu.memory_space<vmem>> -> memref<1x125x24xf32, #tpu.memory_space<vmem>>
    %dma_start3A_23 = tpu.memref_squeeze %dma_start3A_22 : memref<1x125x24xf32, #tpu.memory_space<vmem>> -> memref<125x24xf32, #tpu.memory_space<vmem>>
    %dma_start3A_24 = arith.constant 0 : i32
    %dma_start3A_25 = tpu.memref_slice %arg7[%dma_start3A_17, %dma_start3A_24] : memref<80x125xi32, #tpu.memory_space<vmem>> -> memref<1x125xi32, #tpu.memory_space<vmem>>
    %dma_start3A_26 = tpu.memref_squeeze %dma_start3A_25 : memref<1x125xi32, #tpu.memory_space<vmem>> -> memref<125xi32, #tpu.memory_space<vmem>>
    %dma_start3A_27 = arith.constant 0 : i32
    %dma_start3A_28 = arith.constant 0 : i32
    %dma_start3A_29 = tpu.memref_slice %arg2[%dma_start3A_27, %dma_start3A_28] : memref<10240x24xf32, #tpu.memory_space<hbm>> -> memref<10240x24xf32, #tpu.memory_space<hbm>>
    %dma_start3A_30 = tpu.memref_slice %arg12[%dma_start3A_19] : memref<4x!tpu.dma_semaphore, #tpu.memory_space<semaphore_mem>> -> memref<1x!tpu.dma_semaphore, #tpu.memory_space<semaphore_mem>>
    %dma_start3A_31 = tpu.memref_squeeze %dma_start3A_30 : memref<1x!tpu.dma_semaphore, #tpu.memory_space<semaphore_mem>> -> memref<!tpu.dma_semaphore, #tpu.memory_space<semaphore_mem>>
    tpu.enqueue_indirect_dma source(%dma_start3A_29 : memref<10240x24xf32, #tpu.memory_space<hbm>>) target(%dma_start3A_23 : memref<125x24xf32, #tpu.memory_space<vmem>>) offsets(%dma_start3A_26 : memref<125xi32, #tpu.memory_space<vmem>>) semaphore(%dma_start3A_31 : memref<!tpu.dma_semaphore, #tpu.memory_space<semaphore_mem>>)
    %dma_start3A_32 = arith.constant 2 : i32
    %dma_start3A_33 = arith.constant 2 : i32
    %dma_start3A_34 = arith.constant 2 : i32
    %dma_start3A_35 = arith.constant 0 : i32
    %dma_start3A_36 = arith.constant 0 : i32
    %dma_start3A_37 = tpu.memref_slice %arg9[%dma_start3A_33, %dma_start3A_35, %dma_start3A_36] : memref<4x125x24xf32, #tpu.memory_space<vmem>> -> memref<1x125x24xf32, #tpu.memory_space<vmem>>
    %dma_start3A_38 = tpu.memref_squeeze %dma_start3A_37 : memref<1x125x24xf32, #tpu.memory_space<vmem>> -> memref<125x24xf32, #tpu.memory_space<vmem>>
    %dma_start3A_39 = arith.constant 0 : i32
    %dma_start3A_40 = tpu.memref_slice %arg7[%dma_start3A_32, %dma_start3A_39] : memref<80x125xi32, #tpu.memory_space<vmem>> -> memref<1x125xi32, #tpu.memory_space<vmem>>
    %dma_start3A_41 = tpu.memref_squeeze %dma_start3A_40 : memref<1x125xi32, #tpu.memory_space<vmem>> -> memref<125xi32, #tpu.memory_space<vmem>>
    %dma_start3A_42 = arith.constant 0 : i32
    %dma_start3A_43 = arith.constant 0 : i32
    %dma_start3A_44 = tpu.memref_slice %arg2[%dma_start3A_42, %dma_start3A_43] : memref<10240x24xf32, #tpu.memory_space<hbm>> -> memref<10240x24xf32, #tpu.memory_space<hbm>>
    %dma_start3A_45 = tpu.memref_slice %arg12[%dma_start3A_34] : memref<4x!tpu.dma_semaphore, #tpu.memory_space<semaphore_mem>> -> memref<1x!tpu.dma_semaphore, #tpu.memory_space<semaphore_mem>>
    %dma_start3A_46 = tpu.memref_squeeze %dma_start3A_45 : memref<1x!tpu.dma_semaphore, #tpu.memory_space<semaphore_mem>> -> memref<!tpu.dma_semaphore, #tpu.memory_space<semaphore_mem>>
    tpu.enqueue_indirect_dma source(%dma_start3A_44 : memref<10240x24xf32, #tpu.memory_space<hbm>>) target(%dma_start3A_38 : memref<125x24xf32, #tpu.memory_space<vmem>>) offsets(%dma_start3A_41 : memref<125xi32, #tpu.memory_space<vmem>>) semaphore(%dma_start3A_46 : memref<!tpu.dma_semaphore, #tpu.memory_space<semaphore_mem>>)
    %dma_start3A_47 = arith.constant 3 : i32
    %dma_start3A_48 = arith.constant 3 : i32
    %dma_start3A_49 = arith.constant 3 : i32
    %dma_start3A_50 = arith.constant 0 : i32
    %dma_start3A_51 = arith.constant 0 : i32
    %dma_start3A_52 = tpu.memref_slice %arg9[%dma_start3A_48, %dma_start3A_50, %dma_start3A_51] : memref<4x125x24xf32, #tpu.memory_space<vmem>> -> memref<1x125x24xf32, #tpu.memory_space<vmem>>
    %dma_start3A_53 = tpu.memref_squeeze %dma_start3A_52 : memref<1x125x24xf32, #tpu.memory_space<vmem>> -> memref<125x24xf32, #tpu.memory_space<vmem>>
    %dma_start3A_54 = arith.constant 0 : i32
    %dma_start3A_55 = tpu.memref_slice %arg7[%dma_start3A_47, %dma_start3A_54] : memref<80x125xi32, #tpu.memory_space<vmem>> -> memref<1x125xi32, #tpu.memory_space<vmem>>
    %dma_start3A_56 = tpu.memref_squeeze %dma_start3A_55 : memref<1x125xi32, #tpu.memory_space<vmem>> -> memref<125xi32, #tpu.memory_space<vmem>>
    %dma_start3A_57 = arith.constant 0 : i32
    %dma_start3A_58 = arith.constant 0 : i32
    %dma_start3A_59 = tpu.memref_slice %arg2[%dma_start3A_57, %dma_start3A_58] : memref<10240x24xf32, #tpu.memory_space<hbm>> -> memref<10240x24xf32, #tpu.memory_space<hbm>>
    %dma_start3A_60 = tpu.memref_slice %arg12[%dma_start3A_49] : memref<4x!tpu.dma_semaphore, #tpu.memory_space<semaphore_mem>> -> memref<1x!tpu.dma_semaphore, #tpu.memory_space<semaphore_mem>>
    %dma_start3A_61 = tpu.memref_squeeze %dma_start3A_60 : memref<1x!tpu.dma_semaphore, #tpu.memory_space<semaphore_mem>> -> memref<!tpu.dma_semaphore, #tpu.memory_space<semaphore_mem>>
    tpu.enqueue_indirect_dma source(%dma_start3A_59 : memref<10240x24xf32, #tpu.memory_space<hbm>>) target(%dma_start3A_53 : memref<125x24xf32, #tpu.memory_space<vmem>>) offsets(%dma_start3A_56 : memref<125xi32, #tpu.memory_space<vmem>>) semaphore(%dma_start3A_61 : memref<!tpu.dma_semaphore, #tpu.memory_space<semaphore_mem>>)
    %scan3A = arith.constant 0 : i32
    %scan3A_62 = arith.constant 0 : i32
    %scan3A_63 = arith.constant 80 : i32
    %scan3A_64 = arith.addi %scan3A_62, %scan3A_63 : i32
    %scan3A_65 = arith.constant 1 : i32
    scf.for %scan3A_131 = %scan3A_62 to %scan3A_64 step %scan3A_65  : i32 {
      %rem3A = arith.constant 4 : i32
      %rem3A_132 = arith.remsi %scan3A_131, %rem3A : i32
      %dma_wait3A_133 = arith.constant 0 : i32
      %dma_wait3A_134 = arith.constant 0 : i32
      %dma_wait3A_135 = tpu.memref_slice %arg9[%rem3A_132, %dma_wait3A_133, %dma_wait3A_134] : memref<4x125x24xf32, #tpu.memory_space<vmem>> -> memref<1x125x24xf32, #tpu.memory_space<vmem>>
      %dma_wait3A_136 = tpu.memref_squeeze %dma_wait3A_135 : memref<1x125x24xf32, #tpu.memory_space<vmem>> -> memref<125x24xf32, #tpu.memory_space<vmem>>
      %dma_wait3A_137 = arith.constant 0 : i32
      %dma_wait3A_138 = tpu.memref_slice %arg7[%scan3A_131, %dma_wait3A_137] : memref<80x125xi32, #tpu.memory_space<vmem>> -> memref<1x125xi32, #tpu.memory_space<vmem>>
      %dma_wait3A_139 = tpu.memref_squeeze %dma_wait3A_138 : memref<1x125xi32, #tpu.memory_space<vmem>> -> memref<125xi32, #tpu.memory_space<vmem>>
      %dma_wait3A_140 = arith.constant 0 : i32
      %dma_wait3A_141 = arith.constant 0 : i32
      %dma_wait3A_142 = tpu.memref_slice %arg2[%dma_wait3A_140, %dma_wait3A_141] : memref<10240x24xf32, #tpu.memory_space<hbm>> -> memref<10240x24xf32, #tpu.memory_space<hbm>>
      %dma_wait3A_143 = tpu.memref_slice %arg12[%rem3A_132] : memref<4x!tpu.dma_semaphore, #tpu.memory_space<semaphore_mem>> -> memref<1x!tpu.dma_semaphore, #tpu.memory_space<semaphore_mem>>
      %dma_wait3A_144 = tpu.memref_squeeze %dma_wait3A_143 : memref<1x!tpu.dma_semaphore, #tpu.memory_space<semaphore_mem>> -> memref<!tpu.dma_semaphore, #tpu.memory_space<semaphore_mem>>
      tpu.wait_indirect_dma semaphore(%dma_wait3A_144 : memref<!tpu.dma_semaphore, #tpu.memory_space<semaphore_mem>>) src(%dma_wait3A_142 : memref<10240x24xf32, #tpu.memory_space<hbm>>) dst(%dma_wait3A_136 : memref<125x24xf32, #tpu.memory_space<vmem>>)
      %dma_start3A_145 = arith.constant 0 : i32
      %dma_start3A_146 = arith.constant 0 : i32
      %dma_start3A_147 = tpu.memref_slice %arg9[%rem3A_132, %dma_start3A_145, %dma_start3A_146] : memref<4x125x24xf32, #tpu.memory_space<vmem>> -> memref<1x125x24xf32, #tpu.memory_space<vmem>>
      %dma_start3A_148 = tpu.memref_squeeze %dma_start3A_147 : memref<1x125x24xf32, #tpu.memory_space<vmem>> -> memref<125x24xf32, #tpu.memory_space<vmem>>
      %dma_start3A_149 = arith.constant 0 : i32
      %dma_start3A_150 = tpu.memref_slice %arg8[%scan3A_131, %dma_start3A_149] : memref<80x125xi32, #tpu.memory_space<vmem>> -> memref<1x125xi32, #tpu.memory_space<vmem>>
      %dma_start3A_151 = tpu.memref_squeeze %dma_start3A_150 : memref<1x125xi32, #tpu.memory_space<vmem>> -> memref<125xi32, #tpu.memory_space<vmem>>
      %dma_start3A_152 = arith.constant 0 : i32
      %dma_start3A_153 = arith.constant 0 : i32
      %dma_start3A_154 = tpu.memref_slice %arg11[%dma_start3A_152, %dma_start3A_153] : memref<10240x24xf32, #tpu.memory_space<vmem_shared>> -> memref<10240x24xf32, #tpu.memory_space<vmem_shared>>
      %dma_start3A_155 = tpu.memref_slice %arg13[%rem3A_132] : memref<4x!tpu.dma_semaphore, #tpu.memory_space<semaphore_mem>> -> memref<1x!tpu.dma_semaphore, #tpu.memory_space<semaphore_mem>>
      %dma_start3A_156 = tpu.memref_squeeze %dma_start3A_155 : memref<1x!tpu.dma_semaphore, #tpu.memory_space<semaphore_mem>> -> memref<!tpu.dma_semaphore, #tpu.memory_space<semaphore_mem>>
      tpu.enqueue_indirect_dma source(%dma_start3A_148 : memref<125x24xf32, #tpu.memory_space<vmem>>) target(%dma_start3A_154 : memref<10240x24xf32, #tpu.memory_space<vmem_shared>>) offsets(%dma_start3A_151 : memref<125xi32, #tpu.memory_space<vmem>>) semaphore(%dma_start3A_156 : memref<!tpu.dma_semaphore, #tpu.memory_space<semaphore_mem>>) {add = true}
      %add3A_157 = arith.constant 4 : i32
      %add3A_158 = arith.addi %scan3A_131, %add3A_157 : i32
      %lt3A = arith.constant 80 : i32
      %lt3A_159 = arith.cmpi slt, %add3A_158, %lt3A : i32
      %convert_element_type3A = arith.extui %lt3A_159 : i1 to i32
      %cond3A = arith.constant 0 : i32
      %cond3A_160 = arith.cmpi ne, %convert_element_type3A, %cond3A : i32
      scf.if %cond3A_160 {
        %dma_wait3A_161 = arith.constant 0 : i32
        %dma_wait3A_162 = arith.constant 0 : i32
        %dma_wait3A_163 = tpu.memref_slice %arg9[%rem3A_132, %dma_wait3A_161, %dma_wait3A_162] : memref<4x125x24xf32, #tpu.memory_space<vmem>> -> memref<1x125x24xf32, #tpu.memory_space<vmem>>
        %dma_wait3A_164 = tpu.memref_squeeze %dma_wait3A_163 : memref<1x125x24xf32, #tpu.memory_space<vmem>> -> memref<125x24xf32, #tpu.memory_space<vmem>>
        %dma_wait3A_165 = arith.constant 0 : i32
        %dma_wait3A_166 = tpu.memref_slice %arg8[%scan3A_131, %dma_wait3A_165] : memref<80x125xi32, #tpu.memory_space<vmem>> -> memref<1x125xi32, #tpu.memory_space<vmem>>
        %dma_wait3A_167 = tpu.memref_squeeze %dma_wait3A_166 : memref<1x125xi32, #tpu.memory_space<vmem>> -> memref<125xi32, #tpu.memory_space<vmem>>
        %dma_wait3A_168 = arith.constant 0 : i32
        %dma_wait3A_169 = arith.constant 0 : i32
        %dma_wait3A_170 = tpu.memref_slice %arg11[%dma_wait3A_168, %dma_wait3A_169] : memref<10240x24xf32, #tpu.memory_space<vmem_shared>> -> memref<10240x24xf32, #tpu.memory_space<vmem_shared>>
        %dma_wait3A_171 = tpu.memref_slice %arg13[%rem3A_132] : memref<4x!tpu.dma_semaphore, #tpu.memory_space<semaphore_mem>> -> memref<1x!tpu.dma_semaphore, #tpu.memory_space<semaphore_mem>>
        %dma_wait3A_172 = tpu.memref_squeeze %dma_wait3A_171 : memref<1x!tpu.dma_semaphore, #tpu.memory_space<semaphore_mem>> -> memref<!tpu.dma_semaphore, #tpu.memory_space<semaphore_mem>>
        tpu.wait_indirect_dma semaphore(%dma_wait3A_172 : memref<!tpu.dma_semaphore, #tpu.memory_space<semaphore_mem>>) src(%dma_wait3A_164 : memref<125x24xf32, #tpu.memory_space<vmem>>) dst(%dma_wait3A_170 : memref<10240x24xf32, #tpu.memory_space<vmem_shared>>)
        %dma_start3A_173 = arith.constant 0 : i32
        %dma_start3A_174 = arith.constant 0 : i32
        %dma_start3A_175 = tpu.memref_slice %arg9[%rem3A_132, %dma_start3A_173, %dma_start3A_174] : memref<4x125x24xf32, #tpu.memory_space<vmem>> -> memref<1x125x24xf32, #tpu.memory_space<vmem>>
        %dma_start3A_176 = tpu.memref_squeeze %dma_start3A_175 : memref<1x125x24xf32, #tpu.memory_space<vmem>> -> memref<125x24xf32, #tpu.memory_space<vmem>>
        %dma_start3A_177 = arith.constant 0 : i32
        %dma_start3A_178 = tpu.memref_slice %arg7[%add3A_158, %dma_start3A_177] : memref<80x125xi32, #tpu.memory_space<vmem>> -> memref<1x125xi32, #tpu.memory_space<vmem>>
        %dma_start3A_179 = tpu.memref_squeeze %dma_start3A_178 : memref<1x125xi32, #tpu.memory_space<vmem>> -> memref<125xi32, #tpu.memory_space<vmem>>
        %dma_start3A_180 = arith.constant 0 : i32
        %dma_start3A_181 = arith.constant 0 : i32
        %dma_start3A_182 = tpu.memref_slice %arg2[%dma_start3A_180, %dma_start3A_181] : memref<10240x24xf32, #tpu.memory_space<hbm>> -> memref<10240x24xf32, #tpu.memory_space<hbm>>
        %dma_start3A_183 = tpu.memref_slice %arg12[%rem3A_132] : memref<4x!tpu.dma_semaphore, #tpu.memory_space<semaphore_mem>> -> memref<1x!tpu.dma_semaphore, #tpu.memory_space<semaphore_mem>>
        %dma_start3A_184 = tpu.memref_squeeze %dma_start3A_183 : memref<1x!tpu.dma_semaphore, #tpu.memory_space<semaphore_mem>> -> memref<!tpu.dma_semaphore, #tpu.memory_space<semaphore_mem>>
        tpu.enqueue_indirect_dma source(%dma_start3A_182 : memref<10240x24xf32, #tpu.memory_space<hbm>>) target(%dma_start3A_176 : memref<125x24xf32, #tpu.memory_space<vmem>>) offsets(%dma_start3A_179 : memref<125xi32, #tpu.memory_space<vmem>>) semaphore(%dma_start3A_184 : memref<!tpu.dma_semaphore, #tpu.memory_space<semaphore_mem>>)
      } else {
      }
    }
    %scan3A_66 = arith.constant 80 : i32
    %dma_wait3A = arith.constant 0 : i32
    %dma_wait3A_67 = arith.constant 76 : i32
    %dma_wait3A_68 = arith.constant 0 : i32
    %dma_wait3A_69 = arith.constant 0 : i32
    %dma_wait3A_70 = arith.constant 0 : i32
    %dma_wait3A_71 = tpu.memref_slice %arg9[%dma_wait3A, %dma_wait3A_69, %dma_wait3A_70] : memref<4x125x24xf32, #tpu.memory_space<vmem>> -> memref<1x125x24xf32, #tpu.memory_space<vmem>>
    %dma_wait3A_72 = tpu.memref_squeeze %dma_wait3A_71 : memref<1x125x24xf32, #tpu.memory_space<vmem>> -> memref<125x24xf32, #tpu.memory_space<vmem>>
    %dma_wait3A_73 = arith.constant 0 : i32
    %dma_wait3A_74 = tpu.memref_slice %arg8[%dma_wait3A_67, %dma_wait3A_73] : memref<80x125xi32, #tpu.memory_space<vmem>> -> memref<1x125xi32, #tpu.memory_space<vmem>>
    %dma_wait3A_75 = tpu.memref_squeeze %dma_wait3A_74 : memref<1x125xi32, #tpu.memory_space<vmem>> -> memref<125xi32, #tpu.memory_space<vmem>>
    %dma_wait3A_76 = arith.constant 0 : i32
    %dma_wait3A_77 = arith.constant 0 : i32
    %dma_wait3A_78 = tpu.memref_slice %arg11[%dma_wait3A_76, %dma_wait3A_77] : memref<10240x24xf32, #tpu.memory_space<vmem_shared>> -> memref<10240x24xf32, #tpu.memory_space<vmem_shared>>
    %dma_wait3A_79 = tpu.memref_slice %arg13[%dma_wait3A_68] : memref<4x!tpu.dma_semaphore, #tpu.memory_space<semaphore_mem>> -> memref<1x!tpu.dma_semaphore, #tpu.memory_space<semaphore_mem>>
    %dma_wait3A_80 = tpu.memref_squeeze %dma_wait3A_79 : memref<1x!tpu.dma_semaphore, #tpu.memory_space<semaphore_mem>> -> memref<!tpu.dma_semaphore, #tpu.memory_space<semaphore_mem>>
    tpu.wait_indirect_dma semaphore(%dma_wait3A_80 : memref<!tpu.dma_semaphore, #tpu.memory_space<semaphore_mem>>) src(%dma_wait3A_72 : memref<125x24xf32, #tpu.memory_space<vmem>>) dst(%dma_wait3A_78 : memref<10240x24xf32, #tpu.memory_space<vmem_shared>>)
    %dma_wait3A_81 = arith.constant 1 : i32
    %dma_wait3A_82 = arith.constant 77 : i32
    %dma_wait3A_83 = arith.constant 1 : i32
    %dma_wait3A_84 = arith.constant 0 : i32
    %dma_wait3A_85 = arith.constant 0 : i32
    %dma_wait3A_86 = tpu.memref_slice %arg9[%dma_wait3A_81, %dma_wait3A_84, %dma_wait3A_85] : memref<4x125x24xf32, #tpu.memory_space<vmem>> -> memref<1x125x24xf32, #tpu.memory_space<vmem>>
    %dma_wait3A_87 = tpu.memref_squeeze %dma_wait3A_86 : memref<1x125x24xf32, #tpu.memory_space<vmem>> -> memref<125x24xf32, #tpu.memory_space<vmem>>
    %dma_wait3A_88 = arith.constant 0 : i32
    %dma_wait3A_89 = tpu.memref_slice %arg8[%dma_wait3A_82, %dma_wait3A_88] : memref<80x125xi32, #tpu.memory_space<vmem>> -> memref<1x125xi32, #tpu.memory_space<vmem>>
    %dma_wait3A_90 = tpu.memref_squeeze %dma_wait3A_89 : memref<1x125xi32, #tpu.memory_space<vmem>> -> memref<125xi32, #tpu.memory_space<vmem>>
    %dma_wait3A_91 = arith.constant 0 : i32
    %dma_wait3A_92 = arith.constant 0 : i32
    %dma_wait3A_93 = tpu.memref_slice %arg11[%dma_wait3A_91, %dma_wait3A_92] : memref<10240x24xf32, #tpu.memory_space<vmem_shared>> -> memref<10240x24xf32, #tpu.memory_space<vmem_shared>>
    %dma_wait3A_94 = tpu.memref_slice %arg13[%dma_wait3A_83] : memref<4x!tpu.dma_semaphore, #tpu.memory_space<semaphore_mem>> -> memref<1x!tpu.dma_semaphore, #tpu.memory_space<semaphore_mem>>
    %dma_wait3A_95 = tpu.memref_squeeze %dma_wait3A_94 : memref<1x!tpu.dma_semaphore, #tpu.memory_space<semaphore_mem>> -> memref<!tpu.dma_semaphore, #tpu.memory_space<semaphore_mem>>
    tpu.wait_indirect_dma semaphore(%dma_wait3A_95 : memref<!tpu.dma_semaphore, #tpu.memory_space<semaphore_mem>>) src(%dma_wait3A_87 : memref<125x24xf32, #tpu.memory_space<vmem>>) dst(%dma_wait3A_93 : memref<10240x24xf32, #tpu.memory_space<vmem_shared>>)
    %dma_wait3A_96 = arith.constant 2 : i32
    %dma_wait3A_97 = arith.constant 78 : i32
    %dma_wait3A_98 = arith.constant 2 : i32
    %dma_wait3A_99 = arith.constant 0 : i32
    %dma_wait3A_100 = arith.constant 0 : i32
    %dma_wait3A_101 = tpu.memref_slice %arg9[%dma_wait3A_96, %dma_wait3A_99, %dma_wait3A_100] : memref<4x125x24xf32, #tpu.memory_space<vmem>> -> memref<1x125x24xf32, #tpu.memory_space<vmem>>
    %dma_wait3A_102 = tpu.memref_squeeze %dma_wait3A_101 : memref<1x125x24xf32, #tpu.memory_space<vmem>> -> memref<125x24xf32, #tpu.memory_space<vmem>>
    %dma_wait3A_103 = arith.constant 0 : i32
    %dma_wait3A_104 = tpu.memref_slice %arg8[%dma_wait3A_97, %dma_wait3A_103] : memref<80x125xi32, #tpu.memory_space<vmem>> -> memref<1x125xi32, #tpu.memory_space<vmem>>
    %dma_wait3A_105 = tpu.memref_squeeze %dma_wait3A_104 : memref<1x125xi32, #tpu.memory_space<vmem>> -> memref<125xi32, #tpu.memory_space<vmem>>
    %dma_wait3A_106 = arith.constant 0 : i32
    %dma_wait3A_107 = arith.constant 0 : i32
    %dma_wait3A_108 = tpu.memref_slice %arg11[%dma_wait3A_106, %dma_wait3A_107] : memref<10240x24xf32, #tpu.memory_space<vmem_shared>> -> memref<10240x24xf32, #tpu.memory_space<vmem_shared>>
    %dma_wait3A_109 = tpu.memref_slice %arg13[%dma_wait3A_98] : memref<4x!tpu.dma_semaphore, #tpu.memory_space<semaphore_mem>> -> memref<1x!tpu.dma_semaphore, #tpu.memory_space<semaphore_mem>>
    %dma_wait3A_110 = tpu.memref_squeeze %dma_wait3A_109 : memref<1x!tpu.dma_semaphore, #tpu.memory_space<semaphore_mem>> -> memref<!tpu.dma_semaphore, #tpu.memory_space<semaphore_mem>>
    tpu.wait_indirect_dma semaphore(%dma_wait3A_110 : memref<!tpu.dma_semaphore, #tpu.memory_space<semaphore_mem>>) src(%dma_wait3A_102 : memref<125x24xf32, #tpu.memory_space<vmem>>) dst(%dma_wait3A_108 : memref<10240x24xf32, #tpu.memory_space<vmem_shared>>)
    %dma_wait3A_111 = arith.constant 3 : i32
    %dma_wait3A_112 = arith.constant 79 : i32
    %dma_wait3A_113 = arith.constant 3 : i32
    %dma_wait3A_114 = arith.constant 0 : i32
    %dma_wait3A_115 = arith.constant 0 : i32
    %dma_wait3A_116 = tpu.memref_slice %arg9[%dma_wait3A_111, %dma_wait3A_114, %dma_wait3A_115] : memref<4x125x24xf32, #tpu.memory_space<vmem>> -> memref<1x125x24xf32, #tpu.memory_space<vmem>>
    %dma_wait3A_117 = tpu.memref_squeeze %dma_wait3A_116 : memref<1x125x24xf32, #tpu.memory_space<vmem>> -> memref<125x24xf32, #tpu.memory_space<vmem>>
    %dma_wait3A_118 = arith.constant 0 : i32
    %dma_wait3A_119 = tpu.memref_slice %arg8[%dma_wait3A_112, %dma_wait3A_118] : memref<80x125xi32, #tpu.memory_space<vmem>> -> memref<1x125xi32, #tpu.memory_space<vmem>>
    %dma_wait3A_120 = tpu.memref_squeeze %dma_wait3A_119 : memref<1x125xi32, #tpu.memory_space<vmem>> -> memref<125xi32, #tpu.memory_space<vmem>>
    %dma_wait3A_121 = arith.constant 0 : i32
    %dma_wait3A_122 = arith.constant 0 : i32
    %dma_wait3A_123 = tpu.memref_slice %arg11[%dma_wait3A_121, %dma_wait3A_122] : memref<10240x24xf32, #tpu.memory_space<vmem_shared>> -> memref<10240x24xf32, #tpu.memory_space<vmem_shared>>
    %dma_wait3A_124 = tpu.memref_slice %arg13[%dma_wait3A_113] : memref<4x!tpu.dma_semaphore, #tpu.memory_space<semaphore_mem>> -> memref<1x!tpu.dma_semaphore, #tpu.memory_space<semaphore_mem>>
    %dma_wait3A_125 = tpu.memref_squeeze %dma_wait3A_124 : memref<1x!tpu.dma_semaphore, #tpu.memory_space<semaphore_mem>> -> memref<!tpu.dma_semaphore, #tpu.memory_space<semaphore_mem>>
    tpu.wait_indirect_dma semaphore(%dma_wait3A_125 : memref<!tpu.dma_semaphore, #tpu.memory_space<semaphore_mem>>) src(%dma_wait3A_117 : memref<125x24xf32, #tpu.memory_space<vmem>>) dst(%dma_wait3A_123 : memref<10240x24xf32, #tpu.memory_space<vmem_shared>>)
    %barrier3A_126 = arith.constant 0 : index
    tpu.barrier barrier_id(%barrier3A_126)
    %mul3A_127 = arith.constant 640 : i32
    %mul3A_128 = arith.muli %arg1, %mul3A_127 : i32
    "tpu.region"() ({
      %run_scoped3A = tpu.sem_alloc : memref<!tpu.dma_semaphore, #tpu.memory_space<semaphore_mem>>
      %dma_start3A_131 = arith.constant 0 : i32
      %dma_start3A_132 = tpu.memref_slice %arg11[%mul3A_128, %dma_start3A_131] : memref<10240x24xf32, #tpu.memory_space<vmem_shared>> -> memref<640x24xf32, #tpu.memory_space<vmem_shared>>
      %dma_start3A_133 = arith.constant 0 : i32
      %dma_start3A_134 = tpu.memref_slice %arg11[%mul3A_128, %dma_start3A_133] : memref<10240x24xf32, #tpu.memory_space<vmem_shared>> -> memref<640x24xf32, #tpu.memory_space<vmem_shared>>
      tpu.enqueue_dma source(%dma_start3A_134 : memref<640x24xf32, #tpu.memory_space<vmem_shared>>) target(%arg10 : memref<640x24xf32, #tpu.memory_space<vmem>>) target_semaphore(%run_scoped3A : memref<!tpu.dma_semaphore, #tpu.memory_space<semaphore_mem>>)
      %dma_wait3A_135 = arith.constant 0 : i32
      %dma_wait3A_136 = tpu.memref_slice %arg11[%mul3A_128, %dma_wait3A_135] : memref<10240x24xf32, #tpu.memory_space<vmem_shared>> -> memref<640x24xf32, #tpu.memory_space<vmem_shared>>
      %dma_wait3A_137 = arith.constant 0 : i32
      %dma_wait3A_138 = tpu.memref_slice %arg11[%mul3A_128, %dma_wait3A_137] : memref<10240x24xf32, #tpu.memory_space<vmem_shared>> -> memref<640x24xf32, #tpu.memory_space<vmem_shared>>
      tpu.wait_dma2 semaphore(%run_scoped3A : memref<!tpu.dma_semaphore, #tpu.memory_space<semaphore_mem>>) src(%dma_wait3A_138 : memref<640x24xf32, #tpu.memory_space<vmem_shared>>) dst(%arg10 : memref<640x24xf32, #tpu.memory_space<vmem>>)
      tpu.yield
    }) : () -> ()
    %mul3A_129 = arith.constant 640 : i32
    %mul3A_130 = arith.muli %arg1, %mul3A_129 : i32
    "tpu.region"() ({
      %run_scoped3A = tpu.sem_alloc : memref<!tpu.dma_semaphore, #tpu.memory_space<semaphore_mem>>
      %dma_start3A_131 = arith.constant 0 : i32
      %dma_start3A_132 = tpu.memref_slice %arg6[%arg0, %mul3A_130, %dma_start3A_131] : memref<2x10240x24xf32, #tpu.memory_space<hbm>> -> memref<1x640x24xf32, #tpu.memory_space<hbm>>
      %dma_start3A_133 = tpu.memref_squeeze %dma_start3A_132 : memref<1x640x24xf32, #tpu.memory_space<hbm>> -> memref<640x24xf32, #tpu.memory_space<hbm>>
      %dma_start3A_134 = arith.constant 0 : i32
      %dma_start3A_135 = tpu.memref_slice %arg6[%arg0, %mul3A_130, %dma_start3A_134] : memref<2x10240x24xf32, #tpu.memory_space<hbm>> -> memref<1x640x24xf32, #tpu.memory_space<hbm>>
      %dma_start3A_136 = tpu.memref_squeeze %dma_start3A_135 : memref<1x640x24xf32, #tpu.memory_space<hbm>> -> memref<640x24xf32, #tpu.memory_space<hbm>>
      tpu.enqueue_dma source(%arg10 : memref<640x24xf32, #tpu.memory_space<vmem>>) target(%dma_start3A_136 : memref<640x24xf32, #tpu.memory_space<hbm>>) target_semaphore(%run_scoped3A : memref<!tpu.dma_semaphore, #tpu.memory_space<semaphore_mem>>)
      %dma_wait3A_137 = arith.constant 0 : i32
      %dma_wait3A_138 = tpu.memref_slice %arg6[%arg0, %mul3A_130, %dma_wait3A_137] : memref<2x10240x24xf32, #tpu.memory_space<hbm>> -> memref<1x640x24xf32, #tpu.memory_space<hbm>>
      %dma_wait3A_139 = tpu.memref_squeeze %dma_wait3A_138 : memref<1x640x24xf32, #tpu.memory_space<hbm>> -> memref<640x24xf32, #tpu.memory_space<hbm>>
      %dma_wait3A_140 = arith.constant 0 : i32
      %dma_wait3A_141 = tpu.memref_slice %arg6[%arg0, %mul3A_130, %dma_wait3A_140] : memref<2x10240x24xf32, #tpu.memory_space<hbm>> -> memref<1x640x24xf32, #tpu.memory_space<hbm>>
      %dma_wait3A_142 = tpu.memref_squeeze %dma_wait3A_141 : memref<1x640x24xf32, #tpu.memory_space<hbm>> -> memref<640x24xf32, #tpu.memory_space<hbm>>
      tpu.wait_dma2 semaphore(%run_scoped3A : memref<!tpu.dma_semaphore, #tpu.memory_space<semaphore_mem>>) src(%arg10 : memref<640x24xf32, #tpu.memory_space<vmem>>) dst(%dma_wait3A_142 : memref<640x24xf32, #tpu.memory_space<hbm>>)
      tpu.yield
    }) : () -> ()
    return
  }
}

#map = affine_map<(d0, d1) -> (0, 0, 0)>
#map1 = affine_map<(d0, d1) -> (0, 0)>
#map2 = affine_map<(d0, d1) -> (0)>
module attributes {stable_mosaic.version = 14 : i64} {
  func.func @epi1(%arg0: i32, %arg1: i32, %arg2: memref<2x10240x24xf32, #tpu.memory_space<hbm>>, %arg3: memref<10240x16xf32, #tpu.memory_space<hbm>>, %arg4: memref<16x16xf32, #tpu.memory_space<hbm>>, %arg5: memref<16xf32, #tpu.memory_space<hbm>>, %arg6: memref<10240x16xf32, #tpu.memory_space<hbm>>, %arg7: memref<10240x16xf32, #tpu.memory_space<hbm>>, %arg8: memref<320x24xf32, #tpu.memory_space<vmem>>, %arg9: memref<320x24xf32, #tpu.memory_space<vmem>>, %arg10: memref<320x16xf32, #tpu.memory_space<vmem>>, %arg11: memref<16x16xf32, #tpu.memory_space<vmem>>, %arg12: memref<16xf32, #tpu.memory_space<vmem>>, %arg13: memref<320x16xf32, #tpu.memory_space<vmem>>, %arg14: memref<320x16xf32, #tpu.memory_space<vmem>>) attributes {dimension_semantics = [#tpu.dimension_semantics<core_parallel>, #tpu.dimension_semantics<subcore_parallel>], iteration_bounds = array<i64: 2, 16>, scalar_prefetch = 0 : i64, scratch_operands = 7 : i64, tpu.core_type = #tpu.core_type<sc_vector_subcore>, window_params = [{transform_indices = #map}, {transform_indices = #map1}, {transform_indices = #map1}, {transform_indices = #map2}, {transform_indices = #map1}, {transform_indices = #map1}]} {
    %mul3A = arith.constant 2 : i32
    %mul3A_0 = arith.muli %arg1, %mul3A : i32
    %add3A = arith.addi %mul3A_0, %arg0 : i32
    %mul3A_1 = arith.constant 320 : i32
    %mul3A_2 = arith.muli %add3A, %mul3A_1 : i32
    %run_scoped3A = arith.constant 0 : i32
    "tpu.region"() ({
      %run_scoped3A_74 = tpu.sem_alloc : memref<!tpu.dma_semaphore, #tpu.memory_space<semaphore_mem>>
      %dma_start3A = arith.constant 0 : i32
      %dma_start3A_75 = tpu.memref_slice %arg2[%run_scoped3A, %mul3A_2, %dma_start3A] : memref<2x10240x24xf32, #tpu.memory_space<hbm>> -> memref<1x320x24xf32, #tpu.memory_space<hbm>>
      %dma_start3A_76 = tpu.memref_squeeze %dma_start3A_75 : memref<1x320x24xf32, #tpu.memory_space<hbm>> -> memref<320x24xf32, #tpu.memory_space<hbm>>
      %dma_start3A_77 = arith.constant 0 : i32
      %dma_start3A_78 = tpu.memref_slice %arg2[%run_scoped3A, %mul3A_2, %dma_start3A_77] : memref<2x10240x24xf32, #tpu.memory_space<hbm>> -> memref<1x320x24xf32, #tpu.memory_space<hbm>>
      %dma_start3A_79 = tpu.memref_squeeze %dma_start3A_78 : memref<1x320x24xf32, #tpu.memory_space<hbm>> -> memref<320x24xf32, #tpu.memory_space<hbm>>
      tpu.enqueue_dma source(%dma_start3A_79 : memref<320x24xf32, #tpu.memory_space<hbm>>) target(%arg8 : memref<320x24xf32, #tpu.memory_space<vmem>>) target_semaphore(%run_scoped3A_74 : memref<!tpu.dma_semaphore, #tpu.memory_space<semaphore_mem>>)
      %dma_wait3A = arith.constant 0 : i32
      %dma_wait3A_80 = tpu.memref_slice %arg2[%run_scoped3A, %mul3A_2, %dma_wait3A] : memref<2x10240x24xf32, #tpu.memory_space<hbm>> -> memref<1x320x24xf32, #tpu.memory_space<hbm>>
      %dma_wait3A_81 = tpu.memref_squeeze %dma_wait3A_80 : memref<1x320x24xf32, #tpu.memory_space<hbm>> -> memref<320x24xf32, #tpu.memory_space<hbm>>
      %dma_wait3A_82 = arith.constant 0 : i32
      %dma_wait3A_83 = tpu.memref_slice %arg2[%run_scoped3A, %mul3A_2, %dma_wait3A_82] : memref<2x10240x24xf32, #tpu.memory_space<hbm>> -> memref<1x320x24xf32, #tpu.memory_space<hbm>>
      %dma_wait3A_84 = tpu.memref_squeeze %dma_wait3A_83 : memref<1x320x24xf32, #tpu.memory_space<hbm>> -> memref<320x24xf32, #tpu.memory_space<hbm>>
      tpu.wait_dma2 semaphore(%run_scoped3A_74 : memref<!tpu.dma_semaphore, #tpu.memory_space<semaphore_mem>>) src(%dma_wait3A_84 : memref<320x24xf32, #tpu.memory_space<hbm>>) dst(%arg8 : memref<320x24xf32, #tpu.memory_space<vmem>>)
      tpu.yield
    }) : () -> ()
    %run_scoped3A_3 = arith.constant 1 : i32
    "tpu.region"() ({
      %run_scoped3A_74 = tpu.sem_alloc : memref<!tpu.dma_semaphore, #tpu.memory_space<semaphore_mem>>
      %dma_start3A = arith.constant 0 : i32
      %dma_start3A_75 = tpu.memref_slice %arg2[%run_scoped3A_3, %mul3A_2, %dma_start3A] : memref<2x10240x24xf32, #tpu.memory_space<hbm>> -> memref<1x320x24xf32, #tpu.memory_space<hbm>>
      %dma_start3A_76 = tpu.memref_squeeze %dma_start3A_75 : memref<1x320x24xf32, #tpu.memory_space<hbm>> -> memref<320x24xf32, #tpu.memory_space<hbm>>
      %dma_start3A_77 = arith.constant 0 : i32
      %dma_start3A_78 = tpu.memref_slice %arg2[%run_scoped3A_3, %mul3A_2, %dma_start3A_77] : memref<2x10240x24xf32, #tpu.memory_space<hbm>> -> memref<1x320x24xf32, #tpu.memory_space<hbm>>
      %dma_start3A_79 = tpu.memref_squeeze %dma_start3A_78 : memref<1x320x24xf32, #tpu.memory_space<hbm>> -> memref<320x24xf32, #tpu.memory_space<hbm>>
      tpu.enqueue_dma source(%dma_start3A_79 : memref<320x24xf32, #tpu.memory_space<hbm>>) target(%arg9 : memref<320x24xf32, #tpu.memory_space<vmem>>) target_semaphore(%run_scoped3A_74 : memref<!tpu.dma_semaphore, #tpu.memory_space<semaphore_mem>>)
      %dma_wait3A = arith.constant 0 : i32
      %dma_wait3A_80 = tpu.memref_slice %arg2[%run_scoped3A_3, %mul3A_2, %dma_wait3A] : memref<2x10240x24xf32, #tpu.memory_space<hbm>> -> memref<1x320x24xf32, #tpu.memory_space<hbm>>
      %dma_wait3A_81 = tpu.memref_squeeze %dma_wait3A_80 : memref<1x320x24xf32, #tpu.memory_space<hbm>> -> memref<320x24xf32, #tpu.memory_space<hbm>>
      %dma_wait3A_82 = arith.constant 0 : i32
      %dma_wait3A_83 = tpu.memref_slice %arg2[%run_scoped3A_3, %mul3A_2, %dma_wait3A_82] : memref<2x10240x24xf32, #tpu.memory_space<hbm>> -> memref<1x320x24xf32, #tpu.memory_space<hbm>>
      %dma_wait3A_84 = tpu.memref_squeeze %dma_wait3A_83 : memref<1x320x24xf32, #tpu.memory_space<hbm>> -> memref<320x24xf32, #tpu.memory_space<hbm>>
      tpu.wait_dma2 semaphore(%run_scoped3A_74 : memref<!tpu.dma_semaphore, #tpu.memory_space<semaphore_mem>>) src(%dma_wait3A_84 : memref<320x24xf32, #tpu.memory_space<hbm>>) dst(%arg9 : memref<320x24xf32, #tpu.memory_space<vmem>>)
      tpu.yield
    }) : () -> ()
    "tpu.region"() ({
      %run_scoped3A_74 = tpu.sem_alloc : memref<!tpu.dma_semaphore, #tpu.memory_space<semaphore_mem>>
      %dma_start3A = arith.constant 0 : i32
      %dma_start3A_75 = tpu.memref_slice %arg3[%mul3A_2, %dma_start3A] : memref<10240x16xf32, #tpu.memory_space<hbm>> -> memref<320x16xf32, #tpu.memory_space<hbm>>
      %dma_start3A_76 = arith.constant 0 : i32
      %dma_start3A_77 = tpu.memref_slice %arg3[%mul3A_2, %dma_start3A_76] : memref<10240x16xf32, #tpu.memory_space<hbm>> -> memref<320x16xf32, #tpu.memory_space<hbm>>
      tpu.enqueue_dma source(%dma_start3A_77 : memref<320x16xf32, #tpu.memory_space<hbm>>) target(%arg10 : memref<320x16xf32, #tpu.memory_space<vmem>>) target_semaphore(%run_scoped3A_74 : memref<!tpu.dma_semaphore, #tpu.memory_space<semaphore_mem>>)
      %dma_wait3A = arith.constant 0 : i32
      %dma_wait3A_78 = tpu.memref_slice %arg3[%mul3A_2, %dma_wait3A] : memref<10240x16xf32, #tpu.memory_space<hbm>> -> memref<320x16xf32, #tpu.memory_space<hbm>>
      %dma_wait3A_79 = arith.constant 0 : i32
      %dma_wait3A_80 = tpu.memref_slice %arg3[%mul3A_2, %dma_wait3A_79] : memref<10240x16xf32, #tpu.memory_space<hbm>> -> memref<320x16xf32, #tpu.memory_space<hbm>>
      tpu.wait_dma2 semaphore(%run_scoped3A_74 : memref<!tpu.dma_semaphore, #tpu.memory_space<semaphore_mem>>) src(%dma_wait3A_80 : memref<320x16xf32, #tpu.memory_space<hbm>>) dst(%arg10 : memref<320x16xf32, #tpu.memory_space<vmem>>)
      tpu.yield
    }) : () -> ()
    "tpu.region"() ({
      %run_scoped3A_74 = tpu.sem_alloc : memref<!tpu.dma_semaphore, #tpu.memory_space<semaphore_mem>>
      tpu.enqueue_dma source(%arg4 : memref<16x16xf32, #tpu.memory_space<hbm>>) target(%arg11 : memref<16x16xf32, #tpu.memory_space<vmem>>) target_semaphore(%run_scoped3A_74 : memref<!tpu.dma_semaphore, #tpu.memory_space<semaphore_mem>>)
      tpu.wait_dma2 semaphore(%run_scoped3A_74 : memref<!tpu.dma_semaphore, #tpu.memory_space<semaphore_mem>>) src(%arg4 : memref<16x16xf32, #tpu.memory_space<hbm>>) dst(%arg11 : memref<16x16xf32, #tpu.memory_space<vmem>>)
      tpu.yield
    }) : () -> ()
    "tpu.region"() ({
      %run_scoped3A_74 = tpu.sem_alloc : memref<!tpu.dma_semaphore, #tpu.memory_space<semaphore_mem>>
      tpu.enqueue_dma source(%arg5 : memref<16xf32, #tpu.memory_space<hbm>>) target(%arg12 : memref<16xf32, #tpu.memory_space<vmem>>) target_semaphore(%run_scoped3A_74 : memref<!tpu.dma_semaphore, #tpu.memory_space<semaphore_mem>>)
      tpu.wait_dma2 semaphore(%run_scoped3A_74 : memref<!tpu.dma_semaphore, #tpu.memory_space<semaphore_mem>>) src(%arg5 : memref<16xf32, #tpu.memory_space<hbm>>) dst(%arg12 : memref<16xf32, #tpu.memory_space<vmem>>)
      tpu.yield
    }) : () -> ()
    %get3A = arith.constant 0 : index
    %get3A_4 = tpu.vector_load %arg12[%get3A] {strides = array<i32>} : memref<16xf32, #tpu.memory_space<vmem>>, vector<16xf32>,
    %get3A_5 = arith.constant 0 : i32
    %get3A_6 = arith.index_cast %get3A_5 : i32 to index
    %get3A_7 = arith.constant 0 : index
    %get3A_8 = tpu.vector_load %arg11[%get3A_6, %get3A_7] {strides = array<i32>} : memref<16x16xf32, #tpu.memory_space<vmem>>, vector<16xf32>,
    %get3A_9 = arith.constant 1 : i32
    %get3A_10 = arith.index_cast %get3A_9 : i32 to index
    %get3A_11 = arith.constant 0 : index
    %get3A_12 = tpu.vector_load %arg11[%get3A_10, %get3A_11] {strides = array<i32>} : memref<16x16xf32, #tpu.memory_space<vmem>>, vector<16xf32>,
    %get3A_13 = arith.constant 2 : i32
    %get3A_14 = arith.index_cast %get3A_13 : i32 to index
    %get3A_15 = arith.constant 0 : index
    %get3A_16 = tpu.vector_load %arg11[%get3A_14, %get3A_15] {strides = array<i32>} : memref<16x16xf32, #tpu.memory_space<vmem>>, vector<16xf32>,
    %get3A_17 = arith.constant 3 : i32
    %get3A_18 = arith.index_cast %get3A_17 : i32 to index
    %get3A_19 = arith.constant 0 : index
    %get3A_20 = tpu.vector_load %arg11[%get3A_18, %get3A_19] {strides = array<i32>} : memref<16x16xf32, #tpu.memory_space<vmem>>, vector<16xf32>,
    %get3A_21 = arith.constant 4 : i32
    %get3A_22 = arith.index_cast %get3A_21 : i32 to index
    %get3A_23 = arith.constant 0 : index
    %get3A_24 = tpu.vector_load %arg11[%get3A_22, %get3A_23] {strides = array<i32>} : memref<16x16xf32, #tpu.memory_space<vmem>>, vector<16xf32>,
    %get3A_25 = arith.constant 5 : i32
    %get3A_26 = arith.index_cast %get3A_25 : i32 to index
    %get3A_27 = arith.constant 0 : index
    %get3A_28 = tpu.vector_load %arg11[%get3A_26, %get3A_27] {strides = array<i32>} : memref<16x16xf32, #tpu.memory_space<vmem>>, vector<16xf32>,
    %get3A_29 = arith.constant 6 : i32
    %get3A_30 = arith.index_cast %get3A_29 : i32 to index
    %get3A_31 = arith.constant 0 : index
    %get3A_32 = tpu.vector_load %arg11[%get3A_30, %get3A_31] {strides = array<i32>} : memref<16x16xf32, #tpu.memory_space<vmem>>, vector<16xf32>,
    %get3A_33 = arith.constant 7 : i32
    %get3A_34 = arith.index_cast %get3A_33 : i32 to index
    %get3A_35 = arith.constant 0 : index
    %get3A_36 = tpu.vector_load %arg11[%get3A_34, %get3A_35] {strides = array<i32>} : memref<16x16xf32, #tpu.memory_space<vmem>>, vector<16xf32>,
    %get3A_37 = arith.constant 8 : i32
    %get3A_38 = arith.index_cast %get3A_37 : i32 to index
    %get3A_39 = arith.constant 0 : index
    %get3A_40 = tpu.vector_load %arg11[%get3A_38, %get3A_39] {strides = array<i32>} : memref<16x16xf32, #tpu.memory_space<vmem>>, vector<16xf32>,
    %get3A_41 = arith.constant 9 : i32
    %get3A_42 = arith.index_cast %get3A_41 : i32 to index
    %get3A_43 = arith.constant 0 : index
    %get3A_44 = tpu.vector_load %arg11[%get3A_42, %get3A_43] {strides = array<i32>} : memref<16x16xf32, #tpu.memory_space<vmem>>, vector<16xf32>,
    %get3A_45 = arith.constant 10 : i32
    %get3A_46 = arith.index_cast %get3A_45 : i32 to index
    %get3A_47 = arith.constant 0 : index
    %get3A_48 = tpu.vector_load %arg11[%get3A_46, %get3A_47] {strides = array<i32>} : memref<16x16xf32, #tpu.memory_space<vmem>>, vector<16xf32>,
    %get3A_49 = arith.constant 11 : i32
    %get3A_50 = arith.index_cast %get3A_49 : i32 to index
    %get3A_51 = arith.constant 0 : index
    %get3A_52 = tpu.vector_load %arg11[%get3A_50, %get3A_51] {strides = array<i32>} : memref<16x16xf32, #tpu.memory_space<vmem>>, vector<16xf32>,
    %get3A_53 = arith.constant 12 : i32
    %get3A_54 = arith.index_cast %get3A_53 : i32 to index
    %get3A_55 = arith.constant 0 : index
    %get3A_56 = tpu.vector_load %arg11[%get3A_54, %get3A_55] {strides = array<i32>} : memref<16x16xf32, #tpu.memory_space<vmem>>, vector<16xf32>,
    %get3A_57 = arith.constant 13 : i32
    %get3A_58 = arith.index_cast %get3A_57 : i32 to index
    %get3A_59 = arith.constant 0 : index
    %get3A_60 = tpu.vector_load %arg11[%get3A_58, %get3A_59] {strides = array<i32>} : memref<16x16xf32, #tpu.memory_space<vmem>>, vector<16xf32>,
    %get3A_61 = arith.constant 14 : i32
    %get3A_62 = arith.index_cast %get3A_61 : i32 to index
    %get3A_63 = arith.constant 0 : index
    %get3A_64 = tpu.vector_load %arg11[%get3A_62, %get3A_63] {strides = array<i32>} : memref<16x16xf32, #tpu.memory_space<vmem>>, vector<16xf32>,
    %get3A_65 = arith.constant 15 : i32
    %get3A_66 = arith.index_cast %get3A_65 : i32 to index
    %get3A_67 = arith.constant 0 : index
    %get3A_68 = tpu.vector_load %arg11[%get3A_66, %get3A_67] {strides = array<i32>} : memref<16x16xf32, #tpu.memory_space<vmem>>, vector<16xf32>,
    %iota3A = tpu.iota {dimensions = array<i32: 0>} : vector<16xi32>
    %scan3A = arith.constant 0 : i32
    %scan3A_69 = arith.constant 0 : i32
    %scan3A_70 = arith.constant 320 : i32
    %scan3A_71 = arith.addi %scan3A_69, %scan3A_70 : i32
    %scan3A_72 = arith.constant 1 : i32
    scf.for %scan3A_74 = %scan3A_69 to %scan3A_71 step %scan3A_72  : i32 {
      %broadcast_in_dim3A = arith.constant 0 : i32
      %broadcast_in_dim3A_75 = vector.broadcast %broadcast_in_dim3A : i32 to vector<16xi32>
      %add3A_76 = vector.broadcast %scan3A_74 : i32 to vector<16xi32>
      %add3A_77 = arith.addi %broadcast_in_dim3A_75, %add3A_76 : vector<16xi32>
      %broadcast_in_dim3A_78 = arith.constant 16 : i32
      %broadcast_in_dim3A_79 = vector.broadcast %broadcast_in_dim3A_78 : i32 to vector<16xi32>
      %gather3A = tpu.vector_load_idx %arg8[%add3A_77, %broadcast_in_dim3A_79] : memref<320x24xf32, #tpu.memory_space<vmem>>[vector<16xi32>, vector<16xi32>], vector<16xf32>,
      %broadcast_in_dim3A_80 = arith.constant 16 : i32
      %broadcast_in_dim3A_81 = vector.broadcast %broadcast_in_dim3A_80 : i32 to vector<16xi32>
      %gather3A_82 = tpu.vector_load_idx %arg9[%add3A_77, %broadcast_in_dim3A_81] : memref<320x24xf32, #tpu.memory_space<vmem>>[vector<16xi32>, vector<16xi32>], vector<16xf32>,
      %add3A_83 = arith.addf %gather3A, %gather3A_82 : vector<16xf32>
      %max3A = arith.constant 1.000000e+00 : f32
      %max3A_84 = vector.broadcast %max3A : f32 to vector<16xf32>
      %max3A_85 = arith.maximumf %add3A_83, %max3A_84 : vector<16xf32>
      %div3A = arith.constant 1.000000e+00 : f32
      %div3A_86 = vector.broadcast %div3A : f32 to vector<16xf32>
      %div3A_87 = arith.divf %div3A_86, %max3A_85 : vector<16xf32>
      %gather3A_88 = tpu.vector_load_idx %arg8[%add3A_77, %iota3A] : memref<320x24xf32, #tpu.memory_space<vmem>>[vector<16xi32>, vector<16xi32>], vector<16xf32>,
      %gather3A_89 = tpu.vector_load_idx %arg9[%add3A_77, %iota3A] : memref<320x24xf32, #tpu.memory_space<vmem>>[vector<16xi32>, vector<16xi32>], vector<16xf32>,
      %get3A_90 = arith.index_cast %scan3A_74 : i32 to index
      %get3A_91 = arith.constant 0 : index
      %get3A_92 = tpu.vector_load %arg10[%get3A_90, %get3A_91] {strides = array<i32>} : memref<320x16xf32, #tpu.memory_space<vmem>>, vector<16xf32>,
      %add3A_93 = arith.addf %gather3A_88, %gather3A_89 : vector<16xf32>
      %mul3A_94 = arith.mulf %add3A_93, %div3A_87 : vector<16xf32>
      %add3A_95 = arith.addf %mul3A_94, %get3A_4 : vector<16xf32>
      %add3A_96 = arith.addf %add3A_95, %get3A_92 : vector<16xf32>
      %max3A_97 = arith.constant 0.000000e+00 : f32
      %max3A_98 = vector.broadcast %max3A_97 : f32 to vector<16xf32>
      %max3A_99 = arith.maximumf %add3A_96, %max3A_98 : vector<16xf32>
      %broadcast_in_dim3A_100 = arith.constant 0.000000e+00 : f32
      %broadcast_in_dim3A_101 = vector.broadcast %broadcast_in_dim3A_100 : f32 to vector<16xf32>
      %broadcast_in_dim3A_102 = arith.constant 0 : i32
      %broadcast_in_dim3A_103 = vector.broadcast %broadcast_in_dim3A_102 : i32 to vector<16x1xi32>
      %gather3A_104 = vector.shape_cast %broadcast_in_dim3A_103 : vector<16x1xi32> to vector<16xi32>
      %gather3A_105 = tpu.dynamic_gather %max3A_99[%gather3A_104] in [0] : vector<16xf32>, vector<16xi32> -> vector<16xf32>
      %mul3A_106 = arith.mulf %gather3A_105, %get3A_8 : vector<16xf32>
      %add3A_107 = arith.addf %broadcast_in_dim3A_101, %mul3A_106 : vector<16xf32>
      %broadcast_in_dim3A_108 = arith.constant 1 : i32
      %broadcast_in_dim3A_109 = vector.broadcast %broadcast_in_dim3A_108 : i32 to vector<16x1xi32>
      %gather3A_110 = vector.shape_cast %broadcast_in_dim3A_109 : vector<16x1xi32> to vector<16xi32>
      %gather3A_111 = tpu.dynamic_gather %max3A_99[%gather3A_110] in [0] : vector<16xf32>, vector<16xi32> -> vector<16xf32>
      %mul3A_112 = arith.mulf %gather3A_111, %get3A_12 : vector<16xf32>
      %add3A_113 = arith.addf %add3A_107, %mul3A_112 : vector<16xf32>
      %broadcast_in_dim3A_114 = arith.constant 2 : i32
      %broadcast_in_dim3A_115 = vector.broadcast %broadcast_in_dim3A_114 : i32 to vector<16x1xi32>
      %gather3A_116 = vector.shape_cast %broadcast_in_dim3A_115 : vector<16x1xi32> to vector<16xi32>
      %gather3A_117 = tpu.dynamic_gather %max3A_99[%gather3A_116] in [0] : vector<16xf32>, vector<16xi32> -> vector<16xf32>
      %mul3A_118 = arith.mulf %gather3A_117, %get3A_16 : vector<16xf32>
      %add3A_119 = arith.addf %add3A_113, %mul3A_118 : vector<16xf32>
      %broadcast_in_dim3A_120 = arith.constant 3 : i32
      %broadcast_in_dim3A_121 = vector.broadcast %broadcast_in_dim3A_120 : i32 to vector<16x1xi32>
      %gather3A_122 = vector.shape_cast %broadcast_in_dim3A_121 : vector<16x1xi32> to vector<16xi32>
      %gather3A_123 = tpu.dynamic_gather %max3A_99[%gather3A_122] in [0] : vector<16xf32>, vector<16xi32> -> vector<16xf32>
      %mul3A_124 = arith.mulf %gather3A_123, %get3A_20 : vector<16xf32>
      %add3A_125 = arith.addf %add3A_119, %mul3A_124 : vector<16xf32>
      %broadcast_in_dim3A_126 = arith.constant 4 : i32
      %broadcast_in_dim3A_127 = vector.broadcast %broadcast_in_dim3A_126 : i32 to vector<16x1xi32>
      %gather3A_128 = vector.shape_cast %broadcast_in_dim3A_127 : vector<16x1xi32> to vector<16xi32>
      %gather3A_129 = tpu.dynamic_gather %max3A_99[%gather3A_128] in [0] : vector<16xf32>, vector<16xi32> -> vector<16xf32>
      %mul3A_130 = arith.mulf %gather3A_129, %get3A_24 : vector<16xf32>
      %add3A_131 = arith.addf %add3A_125, %mul3A_130 : vector<16xf32>
      %broadcast_in_dim3A_132 = arith.constant 5 : i32
      %broadcast_in_dim3A_133 = vector.broadcast %broadcast_in_dim3A_132 : i32 to vector<16x1xi32>
      %gather3A_134 = vector.shape_cast %broadcast_in_dim3A_133 : vector<16x1xi32> to vector<16xi32>
      %gather3A_135 = tpu.dynamic_gather %max3A_99[%gather3A_134] in [0] : vector<16xf32>, vector<16xi32> -> vector<16xf32>
      %mul3A_136 = arith.mulf %gather3A_135, %get3A_28 : vector<16xf32>
      %add3A_137 = arith.addf %add3A_131, %mul3A_136 : vector<16xf32>
      %broadcast_in_dim3A_138 = arith.constant 6 : i32
      %broadcast_in_dim3A_139 = vector.broadcast %broadcast_in_dim3A_138 : i32 to vector<16x1xi32>
      %gather3A_140 = vector.shape_cast %broadcast_in_dim3A_139 : vector<16x1xi32> to vector<16xi32>
      %gather3A_141 = tpu.dynamic_gather %max3A_99[%gather3A_140] in [0] : vector<16xf32>, vector<16xi32> -> vector<16xf32>
      %mul3A_142 = arith.mulf %gather3A_141, %get3A_32 : vector<16xf32>
      %add3A_143 = arith.addf %add3A_137, %mul3A_142 : vector<16xf32>
      %broadcast_in_dim3A_144 = arith.constant 7 : i32
      %broadcast_in_dim3A_145 = vector.broadcast %broadcast_in_dim3A_144 : i32 to vector<16x1xi32>
      %gather3A_146 = vector.shape_cast %broadcast_in_dim3A_145 : vector<16x1xi32> to vector<16xi32>
      %gather3A_147 = tpu.dynamic_gather %max3A_99[%gather3A_146] in [0] : vector<16xf32>, vector<16xi32> -> vector<16xf32>
      %mul3A_148 = arith.mulf %gather3A_147, %get3A_36 : vector<16xf32>
      %add3A_149 = arith.addf %add3A_143, %mul3A_148 : vector<16xf32>
      %broadcast_in_dim3A_150 = arith.constant 8 : i32
      %broadcast_in_dim3A_151 = vector.broadcast %broadcast_in_dim3A_150 : i32 to vector<16x1xi32>
      %gather3A_152 = vector.shape_cast %broadcast_in_dim3A_151 : vector<16x1xi32> to vector<16xi32>
      %gather3A_153 = tpu.dynamic_gather %max3A_99[%gather3A_152] in [0] : vector<16xf32>, vector<16xi32> -> vector<16xf32>
      %mul3A_154 = arith.mulf %gather3A_153, %get3A_40 : vector<16xf32>
      %add3A_155 = arith.addf %add3A_149, %mul3A_154 : vector<16xf32>
      %broadcast_in_dim3A_156 = arith.constant 9 : i32
      %broadcast_in_dim3A_157 = vector.broadcast %broadcast_in_dim3A_156 : i32 to vector<16x1xi32>
      %gather3A_158 = vector.shape_cast %broadcast_in_dim3A_157 : vector<16x1xi32> to vector<16xi32>
      %gather3A_159 = tpu.dynamic_gather %max3A_99[%gather3A_158] in [0] : vector<16xf32>, vector<16xi32> -> vector<16xf32>
      %mul3A_160 = arith.mulf %gather3A_159, %get3A_44 : vector<16xf32>
      %add3A_161 = arith.addf %add3A_155, %mul3A_160 : vector<16xf32>
      %broadcast_in_dim3A_162 = arith.constant 10 : i32
      %broadcast_in_dim3A_163 = vector.broadcast %broadcast_in_dim3A_162 : i32 to vector<16x1xi32>
      %gather3A_164 = vector.shape_cast %broadcast_in_dim3A_163 : vector<16x1xi32> to vector<16xi32>
      %gather3A_165 = tpu.dynamic_gather %max3A_99[%gather3A_164] in [0] : vector<16xf32>, vector<16xi32> -> vector<16xf32>
      %mul3A_166 = arith.mulf %gather3A_165, %get3A_48 : vector<16xf32>
      %add3A_167 = arith.addf %add3A_161, %mul3A_166 : vector<16xf32>
      %broadcast_in_dim3A_168 = arith.constant 11 : i32
      %broadcast_in_dim3A_169 = vector.broadcast %broadcast_in_dim3A_168 : i32 to vector<16x1xi32>
      %gather3A_170 = vector.shape_cast %broadcast_in_dim3A_169 : vector<16x1xi32> to vector<16xi32>
      %gather3A_171 = tpu.dynamic_gather %max3A_99[%gather3A_170] in [0] : vector<16xf32>, vector<16xi32> -> vector<16xf32>
      %mul3A_172 = arith.mulf %gather3A_171, %get3A_52 : vector<16xf32>
      %add3A_173 = arith.addf %add3A_167, %mul3A_172 : vector<16xf32>
      %broadcast_in_dim3A_174 = arith.constant 12 : i32
      %broadcast_in_dim3A_175 = vector.broadcast %broadcast_in_dim3A_174 : i32 to vector<16x1xi32>
      %gather3A_176 = vector.shape_cast %broadcast_in_dim3A_175 : vector<16x1xi32> to vector<16xi32>
      %gather3A_177 = tpu.dynamic_gather %max3A_99[%gather3A_176] in [0] : vector<16xf32>, vector<16xi32> -> vector<16xf32>
      %mul3A_178 = arith.mulf %gather3A_177, %get3A_56 : vector<16xf32>
      %add3A_179 = arith.addf %add3A_173, %mul3A_178 : vector<16xf32>
      %broadcast_in_dim3A_180 = arith.constant 13 : i32
      %broadcast_in_dim3A_181 = vector.broadcast %broadcast_in_dim3A_180 : i32 to vector<16x1xi32>
      %gather3A_182 = vector.shape_cast %broadcast_in_dim3A_181 : vector<16x1xi32> to vector<16xi32>
      %gather3A_183 = tpu.dynamic_gather %max3A_99[%gather3A_182] in [0] : vector<16xf32>, vector<16xi32> -> vector<16xf32>
      %mul3A_184 = arith.mulf %gather3A_183, %get3A_60 : vector<16xf32>
      %add3A_185 = arith.addf %add3A_179, %mul3A_184 : vector<16xf32>
      %broadcast_in_dim3A_186 = arith.constant 14 : i32
      %broadcast_in_dim3A_187 = vector.broadcast %broadcast_in_dim3A_186 : i32 to vector<16x1xi32>
      %gather3A_188 = vector.shape_cast %broadcast_in_dim3A_187 : vector<16x1xi32> to vector<16xi32>
      %gather3A_189 = tpu.dynamic_gather %max3A_99[%gather3A_188] in [0] : vector<16xf32>, vector<16xi32> -> vector<16xf32>
      %mul3A_190 = arith.mulf %gather3A_189, %get3A_64 : vector<16xf32>
      %add3A_191 = arith.addf %add3A_185, %mul3A_190 : vector<16xf32>
      %broadcast_in_dim3A_192 = arith.constant 15 : i32
      %broadcast_in_dim3A_193 = vector.broadcast %broadcast_in_dim3A_192 : i32 to vector<16x1xi32>
      %gather3A_194 = vector.shape_cast %broadcast_in_dim3A_193 : vector<16x1xi32> to vector<16xi32>
      %gather3A_195 = tpu.dynamic_gather %max3A_99[%gather3A_194] in [0] : vector<16xf32>, vector<16xi32> -> vector<16xf32>
      %mul3A_196 = arith.mulf %gather3A_195, %get3A_68 : vector<16xf32>
      %add3A_197 = arith.addf %add3A_191, %mul3A_196 : vector<16xf32>
      %swap3A = arith.index_cast %scan3A_74 : i32 to index
      %swap3A_198 = arith.constant 0 : index
      %swap3A_199 = tpu.vector_load %arg13[%swap3A, %swap3A_198] {strides = array<i32>} : memref<320x16xf32, #tpu.memory_space<vmem>>, vector<16xf32>,
      tpu.vector_store %arg13[%swap3A, %swap3A_198], %add3A_197 {strides = array<i32>} : memref<320x16xf32, #tpu.memory_space<vmem>>, vector<16xf32>,
      %swap3A_200 = arith.index_cast %scan3A_74 : i32 to index
      %swap3A_201 = arith.constant 0 : index
      %swap3A_202 = tpu.vector_load %arg14[%swap3A_200, %swap3A_201] {strides = array<i32>} : memref<320x16xf32, #tpu.memory_space<vmem>>, vector<16xf32>,
      tpu.vector_store %arg14[%swap3A_200, %swap3A_201], %div3A_87 {strides = array<i32>} : memref<320x16xf32, #tpu.memory_space<vmem>>, vector<16xf32>,
    }
    %scan3A_73 = arith.constant 320 : i32
    "tpu.region"() ({
      %run_scoped3A_74 = tpu.sem_alloc : memref<!tpu.dma_semaphore, #tpu.memory_space<semaphore_mem>>
      %dma_start3A = arith.constant 0 : i32
      %dma_start3A_75 = tpu.memref_slice %arg6[%mul3A_2, %dma_start3A] : memref<10240x16xf32, #tpu.memory_space<hbm>> -> memref<320x16xf32, #tpu.memory_space<hbm>>
      %dma_start3A_76 = arith.constant 0 : i32
      %dma_start3A_77 = tpu.memref_slice %arg6[%mul3A_2, %dma_start3A_76] : memref<10240x16xf32, #tpu.memory_space<hbm>> -> memref<320x16xf32, #tpu.memory_space<hbm>>
      tpu.enqueue_dma source(%arg13 : memref<320x16xf32, #tpu.memory_space<vmem>>) target(%dma_start3A_77 : memref<320x16xf32, #tpu.memory_space<hbm>>) target_semaphore(%run_scoped3A_74 : memref<!tpu.dma_semaphore, #tpu.memory_space<semaphore_mem>>)
      %dma_wait3A = arith.constant 0 : i32
      %dma_wait3A_78 = tpu.memref_slice %arg6[%mul3A_2, %dma_wait3A] : memref<10240x16xf32, #tpu.memory_space<hbm>> -> memref<320x16xf32, #tpu.memory_space<hbm>>
      %dma_wait3A_79 = arith.constant 0 : i32
      %dma_wait3A_80 = tpu.memref_slice %arg6[%mul3A_2, %dma_wait3A_79] : memref<10240x16xf32, #tpu.memory_space<hbm>> -> memref<320x16xf32, #tpu.memory_space<hbm>>
      tpu.wait_dma2 semaphore(%run_scoped3A_74 : memref<!tpu.dma_semaphore, #tpu.memory_space<semaphore_mem>>) src(%arg13 : memref<320x16xf32, #tpu.memory_space<vmem>>) dst(%dma_wait3A_80 : memref<320x16xf32, #tpu.memory_space<hbm>>)
      tpu.yield
    }) : () -> ()
    "tpu.region"() ({
      %run_scoped3A_74 = tpu.sem_alloc : memref<!tpu.dma_semaphore, #tpu.memory_space<semaphore_mem>>
      %dma_start3A = arith.constant 0 : i32
      %dma_start3A_75 = tpu.memref_slice %arg7[%mul3A_2, %dma_start3A] : memref<10240x16xf32, #tpu.memory_space<hbm>> -> memref<320x16xf32, #tpu.memory_space<hbm>>
      %dma_start3A_76 = arith.constant 0 : i32
      %dma_start3A_77 = tpu.memref_slice %arg7[%mul3A_2, %dma_start3A_76] : memref<10240x16xf32, #tpu.memory_space<hbm>> -> memref<320x16xf32, #tpu.memory_space<hbm>>
      tpu.enqueue_dma source(%arg14 : memref<320x16xf32, #tpu.memory_space<vmem>>) target(%dma_start3A_77 : memref<320x16xf32, #tpu.memory_space<hbm>>) target_semaphore(%run_scoped3A_74 : memref<!tpu.dma_semaphore, #tpu.memory_space<semaphore_mem>>)
      %dma_wait3A = arith.constant 0 : i32
      %dma_wait3A_78 = tpu.memref_slice %arg7[%mul3A_2, %dma_wait3A] : memref<10240x16xf32, #tpu.memory_space<hbm>> -> memref<320x16xf32, #tpu.memory_space<hbm>>
      %dma_wait3A_79 = arith.constant 0 : i32
      %dma_wait3A_80 = tpu.memref_slice %arg7[%mul3A_2, %dma_wait3A_79] : memref<10240x16xf32, #tpu.memory_space<hbm>> -> memref<320x16xf32, #tpu.memory_space<hbm>>
      tpu.wait_dma2 semaphore(%run_scoped3A_74 : memref<!tpu.dma_semaphore, #tpu.memory_space<semaphore_mem>>) src(%arg14 : memref<320x16xf32, #tpu.memory_space<vmem>>) dst(%dma_wait3A_80 : memref<320x16xf32, #tpu.memory_space<hbm>>)
      tpu.yield
    }) : () -> ()
    return
  }
}

#map = affine_map<(d0, d1) -> (0, 0)>
#map1 = affine_map<(d0, d1) -> (0, 0, 0)>
module attributes {stable_mosaic.version = 14 : i64} {
  func.func @seg_sum(%arg0: i32, %arg1: i32, %arg2: memref<10240x16xf32, #tpu.memory_space<hbm>>, %arg3: memref<32x80x125xi32, #tpu.memory_space<hbm>>, %arg4: memref<32x80x125xi32, #tpu.memory_space<hbm>>, %arg5: memref<640x16xf32, #tpu.memory_space<hbm>>, %arg6: memref<2x10240x16xf32, #tpu.memory_space<hbm>>, %arg7: memref<80x125xi32, #tpu.memory_space<vmem>>, %arg8: memref<80x125xi32, #tpu.memory_space<vmem>>, %arg9: memref<4x125x16xf32, #tpu.memory_space<vmem>>, %arg10: memref<640x16xf32, #tpu.memory_space<vmem>>, %arg11: memref<10240x16xf32, #tpu.memory_space<vmem_shared>>, %arg12: memref<4x!tpu.dma_semaphore, #tpu.memory_space<semaphore_mem>>, %arg13: memref<4x!tpu.dma_semaphore, #tpu.memory_space<semaphore_mem>>) attributes {dimension_semantics = [#tpu.dimension_semantics<core_parallel>, #tpu.dimension_semantics<subcore_parallel>], iteration_bounds = array<i64: 2, 16>, scalar_prefetch = 0 : i64, scratch_operands = 7 : i64, tpu.core_type = #tpu.core_type<sc_vector_subcore>, window_params = [{transform_indices = #map}, {transform_indices = #map1}, {transform_indices = #map1}, {transform_indices = #map}, {transform_indices = #map1}]} {
    %mul3A = arith.constant 2 : i32
    %mul3A_0 = arith.muli %arg1, %mul3A : i32
    %add3A = arith.addi %mul3A_0, %arg0 : i32
    "tpu.region"() ({
      %run_scoped3A = tpu.sem_alloc : memref<!tpu.dma_semaphore, #tpu.memory_space<semaphore_mem>>
      %dma_start3A_131 = arith.constant 0 : i32
      %dma_start3A_132 = arith.constant 0 : i32
      %dma_start3A_133 = tpu.memref_slice %arg3[%add3A, %dma_start3A_131, %dma_start3A_132] : memref<32x80x125xi32, #tpu.memory_space<hbm>> -> memref<1x80x125xi32, #tpu.memory_space<hbm>>
      %dma_start3A_134 = tpu.memref_squeeze %dma_start3A_133 : memref<1x80x125xi32, #tpu.memory_space<hbm>> -> memref<80x125xi32, #tpu.memory_space<hbm>>
      %dma_start3A_135 = arith.constant 0 : i32
      %dma_start3A_136 = arith.constant 0 : i32
      %dma_start3A_137 = tpu.memref_slice %arg3[%add3A, %dma_start3A_135, %dma_start3A_136] : memref<32x80x125xi32, #tpu.memory_space<hbm>> -> memref<1x80x125xi32, #tpu.memory_space<hbm>>
      %dma_start3A_138 = tpu.memref_squeeze %dma_start3A_137 : memref<1x80x125xi32, #tpu.memory_space<hbm>> -> memref<80x125xi32, #tpu.memory_space<hbm>>
      tpu.enqueue_dma source(%dma_start3A_138 : memref<80x125xi32, #tpu.memory_space<hbm>>) target(%arg7 : memref<80x125xi32, #tpu.memory_space<vmem>>) target_semaphore(%run_scoped3A : memref<!tpu.dma_semaphore, #tpu.memory_space<semaphore_mem>>)
      %dma_wait3A_139 = arith.constant 0 : i32
      %dma_wait3A_140 = arith.constant 0 : i32
      %dma_wait3A_141 = tpu.memref_slice %arg3[%add3A, %dma_wait3A_139, %dma_wait3A_140] : memref<32x80x125xi32, #tpu.memory_space<hbm>> -> memref<1x80x125xi32, #tpu.memory_space<hbm>>
      %dma_wait3A_142 = tpu.memref_squeeze %dma_wait3A_141 : memref<1x80x125xi32, #tpu.memory_space<hbm>> -> memref<80x125xi32, #tpu.memory_space<hbm>>
      %dma_wait3A_143 = arith.constant 0 : i32
      %dma_wait3A_144 = arith.constant 0 : i32
      %dma_wait3A_145 = tpu.memref_slice %arg3[%add3A, %dma_wait3A_143, %dma_wait3A_144] : memref<32x80x125xi32, #tpu.memory_space<hbm>> -> memref<1x80x125xi32, #tpu.memory_space<hbm>>
      %dma_wait3A_146 = tpu.memref_squeeze %dma_wait3A_145 : memref<1x80x125xi32, #tpu.memory_space<hbm>> -> memref<80x125xi32, #tpu.memory_space<hbm>>
      tpu.wait_dma2 semaphore(%run_scoped3A : memref<!tpu.dma_semaphore, #tpu.memory_space<semaphore_mem>>) src(%dma_wait3A_146 : memref<80x125xi32, #tpu.memory_space<hbm>>) dst(%arg7 : memref<80x125xi32, #tpu.memory_space<vmem>>)
      tpu.yield
    }) : () -> ()
    "tpu.region"() ({
      %run_scoped3A = tpu.sem_alloc : memref<!tpu.dma_semaphore, #tpu.memory_space<semaphore_mem>>
      %dma_start3A_131 = arith.constant 0 : i32
      %dma_start3A_132 = arith.constant 0 : i32
      %dma_start3A_133 = tpu.memref_slice %arg4[%add3A, %dma_start3A_131, %dma_start3A_132] : memref<32x80x125xi32, #tpu.memory_space<hbm>> -> memref<1x80x125xi32, #tpu.memory_space<hbm>>
      %dma_start3A_134 = tpu.memref_squeeze %dma_start3A_133 : memref<1x80x125xi32, #tpu.memory_space<hbm>> -> memref<80x125xi32, #tpu.memory_space<hbm>>
      %dma_start3A_135 = arith.constant 0 : i32
      %dma_start3A_136 = arith.constant 0 : i32
      %dma_start3A_137 = tpu.memref_slice %arg4[%add3A, %dma_start3A_135, %dma_start3A_136] : memref<32x80x125xi32, #tpu.memory_space<hbm>> -> memref<1x80x125xi32, #tpu.memory_space<hbm>>
      %dma_start3A_138 = tpu.memref_squeeze %dma_start3A_137 : memref<1x80x125xi32, #tpu.memory_space<hbm>> -> memref<80x125xi32, #tpu.memory_space<hbm>>
      tpu.enqueue_dma source(%dma_start3A_138 : memref<80x125xi32, #tpu.memory_space<hbm>>) target(%arg8 : memref<80x125xi32, #tpu.memory_space<vmem>>) target_semaphore(%run_scoped3A : memref<!tpu.dma_semaphore, #tpu.memory_space<semaphore_mem>>)
      %dma_wait3A_139 = arith.constant 0 : i32
      %dma_wait3A_140 = arith.constant 0 : i32
      %dma_wait3A_141 = tpu.memref_slice %arg4[%add3A, %dma_wait3A_139, %dma_wait3A_140] : memref<32x80x125xi32, #tpu.memory_space<hbm>> -> memref<1x80x125xi32, #tpu.memory_space<hbm>>
      %dma_wait3A_142 = tpu.memref_squeeze %dma_wait3A_141 : memref<1x80x125xi32, #tpu.memory_space<hbm>> -> memref<80x125xi32, #tpu.memory_space<hbm>>
      %dma_wait3A_143 = arith.constant 0 : i32
      %dma_wait3A_144 = arith.constant 0 : i32
      %dma_wait3A_145 = tpu.memref_slice %arg4[%add3A, %dma_wait3A_143, %dma_wait3A_144] : memref<32x80x125xi32, #tpu.memory_space<hbm>> -> memref<1x80x125xi32, #tpu.memory_space<hbm>>
      %dma_wait3A_146 = tpu.memref_squeeze %dma_wait3A_145 : memref<1x80x125xi32, #tpu.memory_space<hbm>> -> memref<80x125xi32, #tpu.memory_space<hbm>>
      tpu.wait_dma2 semaphore(%run_scoped3A : memref<!tpu.dma_semaphore, #tpu.memory_space<semaphore_mem>>) src(%dma_wait3A_146 : memref<80x125xi32, #tpu.memory_space<hbm>>) dst(%arg8 : memref<80x125xi32, #tpu.memory_space<vmem>>)
      tpu.yield
    }) : () -> ()
    "tpu.region"() ({
      %run_scoped3A = tpu.sem_alloc : memref<!tpu.dma_semaphore, #tpu.memory_space<semaphore_mem>>
      tpu.enqueue_dma source(%arg5 : memref<640x16xf32, #tpu.memory_space<hbm>>) target(%arg10 : memref<640x16xf32, #tpu.memory_space<vmem>>) target_semaphore(%run_scoped3A : memref<!tpu.dma_semaphore, #tpu.memory_space<semaphore_mem>>)
      tpu.wait_dma2 semaphore(%run_scoped3A : memref<!tpu.dma_semaphore, #tpu.memory_space<semaphore_mem>>) src(%arg5 : memref<640x16xf32, #tpu.memory_space<hbm>>) dst(%arg10 : memref<640x16xf32, #tpu.memory_space<vmem>>)
      tpu.yield
    }) : () -> ()
    %mul3A_1 = arith.constant 640 : i32
    %mul3A_2 = arith.muli %arg1, %mul3A_1 : i32
    "tpu.region"() ({
      %run_scoped3A = tpu.sem_alloc : memref<!tpu.dma_semaphore, #tpu.memory_space<semaphore_mem>>
      %dma_start3A_131 = arith.constant 0 : i32
      %dma_start3A_132 = tpu.memref_slice %arg11[%mul3A_2, %dma_start3A_131] : memref<10240x16xf32, #tpu.memory_space<vmem_shared>> -> memref<640x16xf32, #tpu.memory_space<vmem_shared>>
      %dma_start3A_133 = arith.constant 0 : i32
      %dma_start3A_134 = tpu.memref_slice %arg11[%mul3A_2, %dma_start3A_133] : memref<10240x16xf32, #tpu.memory_space<vmem_shared>> -> memref<640x16xf32, #tpu.memory_space<vmem_shared>>
      tpu.enqueue_dma source(%arg10 : memref<640x16xf32, #tpu.memory_space<vmem>>) target(%dma_start3A_134 : memref<640x16xf32, #tpu.memory_space<vmem_shared>>) target_semaphore(%run_scoped3A : memref<!tpu.dma_semaphore, #tpu.memory_space<semaphore_mem>>)
      %dma_wait3A_135 = arith.constant 0 : i32
      %dma_wait3A_136 = tpu.memref_slice %arg11[%mul3A_2, %dma_wait3A_135] : memref<10240x16xf32, #tpu.memory_space<vmem_shared>> -> memref<640x16xf32, #tpu.memory_space<vmem_shared>>
      %dma_wait3A_137 = arith.constant 0 : i32
      %dma_wait3A_138 = tpu.memref_slice %arg11[%mul3A_2, %dma_wait3A_137] : memref<10240x16xf32, #tpu.memory_space<vmem_shared>> -> memref<640x16xf32, #tpu.memory_space<vmem_shared>>
      tpu.wait_dma2 semaphore(%run_scoped3A : memref<!tpu.dma_semaphore, #tpu.memory_space<semaphore_mem>>) src(%arg10 : memref<640x16xf32, #tpu.memory_space<vmem>>) dst(%dma_wait3A_138 : memref<640x16xf32, #tpu.memory_space<vmem_shared>>)
      tpu.yield
    }) : () -> ()
    %barrier3A = arith.constant 0 : index
    tpu.barrier barrier_id(%barrier3A)
    %dma_start3A = arith.constant 0 : i32
    %dma_start3A_3 = arith.constant 0 : i32
    %dma_start3A_4 = arith.constant 0 : i32
    %dma_start3A_5 = arith.constant 0 : i32
    %dma_start3A_6 = arith.constant 0 : i32
    %dma_start3A_7 = tpu.memref_slice %arg9[%dma_start3A_3, %dma_start3A_5, %dma_start3A_6] : memref<4x125x16xf32, #tpu.memory_space<vmem>> -> memref<1x125x16xf32, #tpu.memory_space<vmem>>
    %dma_start3A_8 = tpu.memref_squeeze %dma_start3A_7 : memref<1x125x16xf32, #tpu.memory_space<vmem>> -> memref<125x16xf32, #tpu.memory_space<vmem>>
    %dma_start3A_9 = arith.constant 0 : i32
    %dma_start3A_10 = tpu.memref_slice %arg7[%dma_start3A, %dma_start3A_9] : memref<80x125xi32, #tpu.memory_space<vmem>> -> memref<1x125xi32, #tpu.memory_space<vmem>>
    %dma_start3A_11 = tpu.memref_squeeze %dma_start3A_10 : memref<1x125xi32, #tpu.memory_space<vmem>> -> memref<125xi32, #tpu.memory_space<vmem>>
    %dma_start3A_12 = arith.constant 0 : i32
    %dma_start3A_13 = arith.constant 0 : i32
    %dma_start3A_14 = tpu.memref_slice %arg2[%dma_start3A_12, %dma_start3A_13] : memref<10240x16xf32, #tpu.memory_space<hbm>> -> memref<10240x16xf32, #tpu.memory_space<hbm>>
    %dma_start3A_15 = tpu.memref_slice %arg12[%dma_start3A_4] : memref<4x!tpu.dma_semaphore, #tpu.memory_space<semaphore_mem>> -> memref<1x!tpu.dma_semaphore, #tpu.memory_space<semaphore_mem>>
    %dma_start3A_16 = tpu.memref_squeeze %dma_start3A_15 : memref<1x!tpu.dma_semaphore, #tpu.memory_space<semaphore_mem>> -> memref<!tpu.dma_semaphore, #tpu.memory_space<semaphore_mem>>
    tpu.enqueue_indirect_dma source(%dma_start3A_14 : memref<10240x16xf32, #tpu.memory_space<hbm>>) target(%dma_start3A_8 : memref<125x16xf32, #tpu.memory_space<vmem>>) offsets(%dma_start3A_11 : memref<125xi32, #tpu.memory_space<vmem>>) semaphore(%dma_start3A_16 : memref<!tpu.dma_semaphore, #tpu.memory_space<semaphore_mem>>)
    %dma_start3A_17 = arith.constant 1 : i32
    %dma_start3A_18 = arith.constant 1 : i32
    %dma_start3A_19 = arith.constant 1 : i32
    %dma_start3A_20 = arith.constant 0 : i32
    %dma_start3A_21 = arith.constant 0 : i32
    %dma_start3A_22 = tpu.memref_slice %arg9[%dma_start3A_18, %dma_start3A_20, %dma_start3A_21] : memref<4x125x16xf32, #tpu.memory_space<vmem>> -> memref<1x125x16xf32, #tpu.memory_space<vmem>>
    %dma_start3A_23 = tpu.memref_squeeze %dma_start3A_22 : memref<1x125x16xf32, #tpu.memory_space<vmem>> -> memref<125x16xf32, #tpu.memory_space<vmem>>
    %dma_start3A_24 = arith.constant 0 : i32
    %dma_start3A_25 = tpu.memref_slice %arg7[%dma_start3A_17, %dma_start3A_24] : memref<80x125xi32, #tpu.memory_space<vmem>> -> memref<1x125xi32, #tpu.memory_space<vmem>>
    %dma_start3A_26 = tpu.memref_squeeze %dma_start3A_25 : memref<1x125xi32, #tpu.memory_space<vmem>> -> memref<125xi32, #tpu.memory_space<vmem>>
    %dma_start3A_27 = arith.constant 0 : i32
    %dma_start3A_28 = arith.constant 0 : i32
    %dma_start3A_29 = tpu.memref_slice %arg2[%dma_start3A_27, %dma_start3A_28] : memref<10240x16xf32, #tpu.memory_space<hbm>> -> memref<10240x16xf32, #tpu.memory_space<hbm>>
    %dma_start3A_30 = tpu.memref_slice %arg12[%dma_start3A_19] : memref<4x!tpu.dma_semaphore, #tpu.memory_space<semaphore_mem>> -> memref<1x!tpu.dma_semaphore, #tpu.memory_space<semaphore_mem>>
    %dma_start3A_31 = tpu.memref_squeeze %dma_start3A_30 : memref<1x!tpu.dma_semaphore, #tpu.memory_space<semaphore_mem>> -> memref<!tpu.dma_semaphore, #tpu.memory_space<semaphore_mem>>
    tpu.enqueue_indirect_dma source(%dma_start3A_29 : memref<10240x16xf32, #tpu.memory_space<hbm>>) target(%dma_start3A_23 : memref<125x16xf32, #tpu.memory_space<vmem>>) offsets(%dma_start3A_26 : memref<125xi32, #tpu.memory_space<vmem>>) semaphore(%dma_start3A_31 : memref<!tpu.dma_semaphore, #tpu.memory_space<semaphore_mem>>)
    %dma_start3A_32 = arith.constant 2 : i32
    %dma_start3A_33 = arith.constant 2 : i32
    %dma_start3A_34 = arith.constant 2 : i32
    %dma_start3A_35 = arith.constant 0 : i32
    %dma_start3A_36 = arith.constant 0 : i32
    %dma_start3A_37 = tpu.memref_slice %arg9[%dma_start3A_33, %dma_start3A_35, %dma_start3A_36] : memref<4x125x16xf32, #tpu.memory_space<vmem>> -> memref<1x125x16xf32, #tpu.memory_space<vmem>>
    %dma_start3A_38 = tpu.memref_squeeze %dma_start3A_37 : memref<1x125x16xf32, #tpu.memory_space<vmem>> -> memref<125x16xf32, #tpu.memory_space<vmem>>
    %dma_start3A_39 = arith.constant 0 : i32
    %dma_start3A_40 = tpu.memref_slice %arg7[%dma_start3A_32, %dma_start3A_39] : memref<80x125xi32, #tpu.memory_space<vmem>> -> memref<1x125xi32, #tpu.memory_space<vmem>>
    %dma_start3A_41 = tpu.memref_squeeze %dma_start3A_40 : memref<1x125xi32, #tpu.memory_space<vmem>> -> memref<125xi32, #tpu.memory_space<vmem>>
    %dma_start3A_42 = arith.constant 0 : i32
    %dma_start3A_43 = arith.constant 0 : i32
    %dma_start3A_44 = tpu.memref_slice %arg2[%dma_start3A_42, %dma_start3A_43] : memref<10240x16xf32, #tpu.memory_space<hbm>> -> memref<10240x16xf32, #tpu.memory_space<hbm>>
    %dma_start3A_45 = tpu.memref_slice %arg12[%dma_start3A_34] : memref<4x!tpu.dma_semaphore, #tpu.memory_space<semaphore_mem>> -> memref<1x!tpu.dma_semaphore, #tpu.memory_space<semaphore_mem>>
    %dma_start3A_46 = tpu.memref_squeeze %dma_start3A_45 : memref<1x!tpu.dma_semaphore, #tpu.memory_space<semaphore_mem>> -> memref<!tpu.dma_semaphore, #tpu.memory_space<semaphore_mem>>
    tpu.enqueue_indirect_dma source(%dma_start3A_44 : memref<10240x16xf32, #tpu.memory_space<hbm>>) target(%dma_start3A_38 : memref<125x16xf32, #tpu.memory_space<vmem>>) offsets(%dma_start3A_41 : memref<125xi32, #tpu.memory_space<vmem>>) semaphore(%dma_start3A_46 : memref<!tpu.dma_semaphore, #tpu.memory_space<semaphore_mem>>)
    %dma_start3A_47 = arith.constant 3 : i32
    %dma_start3A_48 = arith.constant 3 : i32
    %dma_start3A_49 = arith.constant 3 : i32
    %dma_start3A_50 = arith.constant 0 : i32
    %dma_start3A_51 = arith.constant 0 : i32
    %dma_start3A_52 = tpu.memref_slice %arg9[%dma_start3A_48, %dma_start3A_50, %dma_start3A_51] : memref<4x125x16xf32, #tpu.memory_space<vmem>> -> memref<1x125x16xf32, #tpu.memory_space<vmem>>
    %dma_start3A_53 = tpu.memref_squeeze %dma_start3A_52 : memref<1x125x16xf32, #tpu.memory_space<vmem>> -> memref<125x16xf32, #tpu.memory_space<vmem>>
    %dma_start3A_54 = arith.constant 0 : i32
    %dma_start3A_55 = tpu.memref_slice %arg7[%dma_start3A_47, %dma_start3A_54] : memref<80x125xi32, #tpu.memory_space<vmem>> -> memref<1x125xi32, #tpu.memory_space<vmem>>
    %dma_start3A_56 = tpu.memref_squeeze %dma_start3A_55 : memref<1x125xi32, #tpu.memory_space<vmem>> -> memref<125xi32, #tpu.memory_space<vmem>>
    %dma_start3A_57 = arith.constant 0 : i32
    %dma_start3A_58 = arith.constant 0 : i32
    %dma_start3A_59 = tpu.memref_slice %arg2[%dma_start3A_57, %dma_start3A_58] : memref<10240x16xf32, #tpu.memory_space<hbm>> -> memref<10240x16xf32, #tpu.memory_space<hbm>>
    %dma_start3A_60 = tpu.memref_slice %arg12[%dma_start3A_49] : memref<4x!tpu.dma_semaphore, #tpu.memory_space<semaphore_mem>> -> memref<1x!tpu.dma_semaphore, #tpu.memory_space<semaphore_mem>>
    %dma_start3A_61 = tpu.memref_squeeze %dma_start3A_60 : memref<1x!tpu.dma_semaphore, #tpu.memory_space<semaphore_mem>> -> memref<!tpu.dma_semaphore, #tpu.memory_space<semaphore_mem>>
    tpu.enqueue_indirect_dma source(%dma_start3A_59 : memref<10240x16xf32, #tpu.memory_space<hbm>>) target(%dma_start3A_53 : memref<125x16xf32, #tpu.memory_space<vmem>>) offsets(%dma_start3A_56 : memref<125xi32, #tpu.memory_space<vmem>>) semaphore(%dma_start3A_61 : memref<!tpu.dma_semaphore, #tpu.memory_space<semaphore_mem>>)
    %scan3A = arith.constant 0 : i32
    %scan3A_62 = arith.constant 0 : i32
    %scan3A_63 = arith.constant 80 : i32
    %scan3A_64 = arith.addi %scan3A_62, %scan3A_63 : i32
    %scan3A_65 = arith.constant 1 : i32
    scf.for %scan3A_131 = %scan3A_62 to %scan3A_64 step %scan3A_65  : i32 {
      %rem3A = arith.constant 4 : i32
      %rem3A_132 = arith.remsi %scan3A_131, %rem3A : i32
      %dma_wait3A_133 = arith.constant 0 : i32
      %dma_wait3A_134 = arith.constant 0 : i32
      %dma_wait3A_135 = tpu.memref_slice %arg9[%rem3A_132, %dma_wait3A_133, %dma_wait3A_134] : memref<4x125x16xf32, #tpu.memory_space<vmem>> -> memref<1x125x16xf32, #tpu.memory_space<vmem>>
      %dma_wait3A_136 = tpu.memref_squeeze %dma_wait3A_135 : memref<1x125x16xf32, #tpu.memory_space<vmem>> -> memref<125x16xf32, #tpu.memory_space<vmem>>
      %dma_wait3A_137 = arith.constant 0 : i32
      %dma_wait3A_138 = tpu.memref_slice %arg7[%scan3A_131, %dma_wait3A_137] : memref<80x125xi32, #tpu.memory_space<vmem>> -> memref<1x125xi32, #tpu.memory_space<vmem>>
      %dma_wait3A_139 = tpu.memref_squeeze %dma_wait3A_138 : memref<1x125xi32, #tpu.memory_space<vmem>> -> memref<125xi32, #tpu.memory_space<vmem>>
      %dma_wait3A_140 = arith.constant 0 : i32
      %dma_wait3A_141 = arith.constant 0 : i32
      %dma_wait3A_142 = tpu.memref_slice %arg2[%dma_wait3A_140, %dma_wait3A_141] : memref<10240x16xf32, #tpu.memory_space<hbm>> -> memref<10240x16xf32, #tpu.memory_space<hbm>>
      %dma_wait3A_143 = tpu.memref_slice %arg12[%rem3A_132] : memref<4x!tpu.dma_semaphore, #tpu.memory_space<semaphore_mem>> -> memref<1x!tpu.dma_semaphore, #tpu.memory_space<semaphore_mem>>
      %dma_wait3A_144 = tpu.memref_squeeze %dma_wait3A_143 : memref<1x!tpu.dma_semaphore, #tpu.memory_space<semaphore_mem>> -> memref<!tpu.dma_semaphore, #tpu.memory_space<semaphore_mem>>
      tpu.wait_indirect_dma semaphore(%dma_wait3A_144 : memref<!tpu.dma_semaphore, #tpu.memory_space<semaphore_mem>>) src(%dma_wait3A_142 : memref<10240x16xf32, #tpu.memory_space<hbm>>) dst(%dma_wait3A_136 : memref<125x16xf32, #tpu.memory_space<vmem>>)
      %dma_start3A_145 = arith.constant 0 : i32
      %dma_start3A_146 = arith.constant 0 : i32
      %dma_start3A_147 = tpu.memref_slice %arg9[%rem3A_132, %dma_start3A_145, %dma_start3A_146] : memref<4x125x16xf32, #tpu.memory_space<vmem>> -> memref<1x125x16xf32, #tpu.memory_space<vmem>>
      %dma_start3A_148 = tpu.memref_squeeze %dma_start3A_147 : memref<1x125x16xf32, #tpu.memory_space<vmem>> -> memref<125x16xf32, #tpu.memory_space<vmem>>
      %dma_start3A_149 = arith.constant 0 : i32
      %dma_start3A_150 = tpu.memref_slice %arg8[%scan3A_131, %dma_start3A_149] : memref<80x125xi32, #tpu.memory_space<vmem>> -> memref<1x125xi32, #tpu.memory_space<vmem>>
      %dma_start3A_151 = tpu.memref_squeeze %dma_start3A_150 : memref<1x125xi32, #tpu.memory_space<vmem>> -> memref<125xi32, #tpu.memory_space<vmem>>
      %dma_start3A_152 = arith.constant 0 : i32
      %dma_start3A_153 = arith.constant 0 : i32
      %dma_start3A_154 = tpu.memref_slice %arg11[%dma_start3A_152, %dma_start3A_153] : memref<10240x16xf32, #tpu.memory_space<vmem_shared>> -> memref<10240x16xf32, #tpu.memory_space<vmem_shared>>
      %dma_start3A_155 = tpu.memref_slice %arg13[%rem3A_132] : memref<4x!tpu.dma_semaphore, #tpu.memory_space<semaphore_mem>> -> memref<1x!tpu.dma_semaphore, #tpu.memory_space<semaphore_mem>>
      %dma_start3A_156 = tpu.memref_squeeze %dma_start3A_155 : memref<1x!tpu.dma_semaphore, #tpu.memory_space<semaphore_mem>> -> memref<!tpu.dma_semaphore, #tpu.memory_space<semaphore_mem>>
      tpu.enqueue_indirect_dma source(%dma_start3A_148 : memref<125x16xf32, #tpu.memory_space<vmem>>) target(%dma_start3A_154 : memref<10240x16xf32, #tpu.memory_space<vmem_shared>>) offsets(%dma_start3A_151 : memref<125xi32, #tpu.memory_space<vmem>>) semaphore(%dma_start3A_156 : memref<!tpu.dma_semaphore, #tpu.memory_space<semaphore_mem>>) {add = true}
      %add3A_157 = arith.constant 4 : i32
      %add3A_158 = arith.addi %scan3A_131, %add3A_157 : i32
      %lt3A = arith.constant 80 : i32
      %lt3A_159 = arith.cmpi slt, %add3A_158, %lt3A : i32
      %convert_element_type3A = arith.extui %lt3A_159 : i1 to i32
      %cond3A = arith.constant 0 : i32
      %cond3A_160 = arith.cmpi ne, %convert_element_type3A, %cond3A : i32
      scf.if %cond3A_160 {
        %dma_wait3A_161 = arith.constant 0 : i32
        %dma_wait3A_162 = arith.constant 0 : i32
        %dma_wait3A_163 = tpu.memref_slice %arg9[%rem3A_132, %dma_wait3A_161, %dma_wait3A_162] : memref<4x125x16xf32, #tpu.memory_space<vmem>> -> memref<1x125x16xf32, #tpu.memory_space<vmem>>
        %dma_wait3A_164 = tpu.memref_squeeze %dma_wait3A_163 : memref<1x125x16xf32, #tpu.memory_space<vmem>> -> memref<125x16xf32, #tpu.memory_space<vmem>>
        %dma_wait3A_165 = arith.constant 0 : i32
        %dma_wait3A_166 = tpu.memref_slice %arg8[%scan3A_131, %dma_wait3A_165] : memref<80x125xi32, #tpu.memory_space<vmem>> -> memref<1x125xi32, #tpu.memory_space<vmem>>
        %dma_wait3A_167 = tpu.memref_squeeze %dma_wait3A_166 : memref<1x125xi32, #tpu.memory_space<vmem>> -> memref<125xi32, #tpu.memory_space<vmem>>
        %dma_wait3A_168 = arith.constant 0 : i32
        %dma_wait3A_169 = arith.constant 0 : i32
        %dma_wait3A_170 = tpu.memref_slice %arg11[%dma_wait3A_168, %dma_wait3A_169] : memref<10240x16xf32, #tpu.memory_space<vmem_shared>> -> memref<10240x16xf32, #tpu.memory_space<vmem_shared>>
        %dma_wait3A_171 = tpu.memref_slice %arg13[%rem3A_132] : memref<4x!tpu.dma_semaphore, #tpu.memory_space<semaphore_mem>> -> memref<1x!tpu.dma_semaphore, #tpu.memory_space<semaphore_mem>>
        %dma_wait3A_172 = tpu.memref_squeeze %dma_wait3A_171 : memref<1x!tpu.dma_semaphore, #tpu.memory_space<semaphore_mem>> -> memref<!tpu.dma_semaphore, #tpu.memory_space<semaphore_mem>>
        tpu.wait_indirect_dma semaphore(%dma_wait3A_172 : memref<!tpu.dma_semaphore, #tpu.memory_space<semaphore_mem>>) src(%dma_wait3A_164 : memref<125x16xf32, #tpu.memory_space<vmem>>) dst(%dma_wait3A_170 : memref<10240x16xf32, #tpu.memory_space<vmem_shared>>)
        %dma_start3A_173 = arith.constant 0 : i32
        %dma_start3A_174 = arith.constant 0 : i32
        %dma_start3A_175 = tpu.memref_slice %arg9[%rem3A_132, %dma_start3A_173, %dma_start3A_174] : memref<4x125x16xf32, #tpu.memory_space<vmem>> -> memref<1x125x16xf32, #tpu.memory_space<vmem>>
        %dma_start3A_176 = tpu.memref_squeeze %dma_start3A_175 : memref<1x125x16xf32, #tpu.memory_space<vmem>> -> memref<125x16xf32, #tpu.memory_space<vmem>>
        %dma_start3A_177 = arith.constant 0 : i32
        %dma_start3A_178 = tpu.memref_slice %arg7[%add3A_158, %dma_start3A_177] : memref<80x125xi32, #tpu.memory_space<vmem>> -> memref<1x125xi32, #tpu.memory_space<vmem>>
        %dma_start3A_179 = tpu.memref_squeeze %dma_start3A_178 : memref<1x125xi32, #tpu.memory_space<vmem>> -> memref<125xi32, #tpu.memory_space<vmem>>
        %dma_start3A_180 = arith.constant 0 : i32
        %dma_start3A_181 = arith.constant 0 : i32
        %dma_start3A_182 = tpu.memref_slice %arg2[%dma_start3A_180, %dma_start3A_181] : memref<10240x16xf32, #tpu.memory_space<hbm>> -> memref<10240x16xf32, #tpu.memory_space<hbm>>
        %dma_start3A_183 = tpu.memref_slice %arg12[%rem3A_132] : memref<4x!tpu.dma_semaphore, #tpu.memory_space<semaphore_mem>> -> memref<1x!tpu.dma_semaphore, #tpu.memory_space<semaphore_mem>>
        %dma_start3A_184 = tpu.memref_squeeze %dma_start3A_183 : memref<1x!tpu.dma_semaphore, #tpu.memory_space<semaphore_mem>> -> memref<!tpu.dma_semaphore, #tpu.memory_space<semaphore_mem>>
        tpu.enqueue_indirect_dma source(%dma_start3A_182 : memref<10240x16xf32, #tpu.memory_space<hbm>>) target(%dma_start3A_176 : memref<125x16xf32, #tpu.memory_space<vmem>>) offsets(%dma_start3A_179 : memref<125xi32, #tpu.memory_space<vmem>>) semaphore(%dma_start3A_184 : memref<!tpu.dma_semaphore, #tpu.memory_space<semaphore_mem>>)
      } else {
      }
    }
    %scan3A_66 = arith.constant 80 : i32
    %dma_wait3A = arith.constant 0 : i32
    %dma_wait3A_67 = arith.constant 76 : i32
    %dma_wait3A_68 = arith.constant 0 : i32
    %dma_wait3A_69 = arith.constant 0 : i32
    %dma_wait3A_70 = arith.constant 0 : i32
    %dma_wait3A_71 = tpu.memref_slice %arg9[%dma_wait3A, %dma_wait3A_69, %dma_wait3A_70] : memref<4x125x16xf32, #tpu.memory_space<vmem>> -> memref<1x125x16xf32, #tpu.memory_space<vmem>>
    %dma_wait3A_72 = tpu.memref_squeeze %dma_wait3A_71 : memref<1x125x16xf32, #tpu.memory_space<vmem>> -> memref<125x16xf32, #tpu.memory_space<vmem>>
    %dma_wait3A_73 = arith.constant 0 : i32
    %dma_wait3A_74 = tpu.memref_slice %arg8[%dma_wait3A_67, %dma_wait3A_73] : memref<80x125xi32, #tpu.memory_space<vmem>> -> memref<1x125xi32, #tpu.memory_space<vmem>>
    %dma_wait3A_75 = tpu.memref_squeeze %dma_wait3A_74 : memref<1x125xi32, #tpu.memory_space<vmem>> -> memref<125xi32, #tpu.memory_space<vmem>>
    %dma_wait3A_76 = arith.constant 0 : i32
    %dma_wait3A_77 = arith.constant 0 : i32
    %dma_wait3A_78 = tpu.memref_slice %arg11[%dma_wait3A_76, %dma_wait3A_77] : memref<10240x16xf32, #tpu.memory_space<vmem_shared>> -> memref<10240x16xf32, #tpu.memory_space<vmem_shared>>
    %dma_wait3A_79 = tpu.memref_slice %arg13[%dma_wait3A_68] : memref<4x!tpu.dma_semaphore, #tpu.memory_space<semaphore_mem>> -> memref<1x!tpu.dma_semaphore, #tpu.memory_space<semaphore_mem>>
    %dma_wait3A_80 = tpu.memref_squeeze %dma_wait3A_79 : memref<1x!tpu.dma_semaphore, #tpu.memory_space<semaphore_mem>> -> memref<!tpu.dma_semaphore, #tpu.memory_space<semaphore_mem>>
    tpu.wait_indirect_dma semaphore(%dma_wait3A_80 : memref<!tpu.dma_semaphore, #tpu.memory_space<semaphore_mem>>) src(%dma_wait3A_72 : memref<125x16xf32, #tpu.memory_space<vmem>>) dst(%dma_wait3A_78 : memref<10240x16xf32, #tpu.memory_space<vmem_shared>>)
    %dma_wait3A_81 = arith.constant 1 : i32
    %dma_wait3A_82 = arith.constant 77 : i32
    %dma_wait3A_83 = arith.constant 1 : i32
    %dma_wait3A_84 = arith.constant 0 : i32
    %dma_wait3A_85 = arith.constant 0 : i32
    %dma_wait3A_86 = tpu.memref_slice %arg9[%dma_wait3A_81, %dma_wait3A_84, %dma_wait3A_85] : memref<4x125x16xf32, #tpu.memory_space<vmem>> -> memref<1x125x16xf32, #tpu.memory_space<vmem>>
    %dma_wait3A_87 = tpu.memref_squeeze %dma_wait3A_86 : memref<1x125x16xf32, #tpu.memory_space<vmem>> -> memref<125x16xf32, #tpu.memory_space<vmem>>
    %dma_wait3A_88 = arith.constant 0 : i32
    %dma_wait3A_89 = tpu.memref_slice %arg8[%dma_wait3A_82, %dma_wait3A_88] : memref<80x125xi32, #tpu.memory_space<vmem>> -> memref<1x125xi32, #tpu.memory_space<vmem>>
    %dma_wait3A_90 = tpu.memref_squeeze %dma_wait3A_89 : memref<1x125xi32, #tpu.memory_space<vmem>> -> memref<125xi32, #tpu.memory_space<vmem>>
    %dma_wait3A_91 = arith.constant 0 : i32
    %dma_wait3A_92 = arith.constant 0 : i32
    %dma_wait3A_93 = tpu.memref_slice %arg11[%dma_wait3A_91, %dma_wait3A_92] : memref<10240x16xf32, #tpu.memory_space<vmem_shared>> -> memref<10240x16xf32, #tpu.memory_space<vmem_shared>>
    %dma_wait3A_94 = tpu.memref_slice %arg13[%dma_wait3A_83] : memref<4x!tpu.dma_semaphore, #tpu.memory_space<semaphore_mem>> -> memref<1x!tpu.dma_semaphore, #tpu.memory_space<semaphore_mem>>
    %dma_wait3A_95 = tpu.memref_squeeze %dma_wait3A_94 : memref<1x!tpu.dma_semaphore, #tpu.memory_space<semaphore_mem>> -> memref<!tpu.dma_semaphore, #tpu.memory_space<semaphore_mem>>
    tpu.wait_indirect_dma semaphore(%dma_wait3A_95 : memref<!tpu.dma_semaphore, #tpu.memory_space<semaphore_mem>>) src(%dma_wait3A_87 : memref<125x16xf32, #tpu.memory_space<vmem>>) dst(%dma_wait3A_93 : memref<10240x16xf32, #tpu.memory_space<vmem_shared>>)
    %dma_wait3A_96 = arith.constant 2 : i32
    %dma_wait3A_97 = arith.constant 78 : i32
    %dma_wait3A_98 = arith.constant 2 : i32
    %dma_wait3A_99 = arith.constant 0 : i32
    %dma_wait3A_100 = arith.constant 0 : i32
    %dma_wait3A_101 = tpu.memref_slice %arg9[%dma_wait3A_96, %dma_wait3A_99, %dma_wait3A_100] : memref<4x125x16xf32, #tpu.memory_space<vmem>> -> memref<1x125x16xf32, #tpu.memory_space<vmem>>
    %dma_wait3A_102 = tpu.memref_squeeze %dma_wait3A_101 : memref<1x125x16xf32, #tpu.memory_space<vmem>> -> memref<125x16xf32, #tpu.memory_space<vmem>>
    %dma_wait3A_103 = arith.constant 0 : i32
    %dma_wait3A_104 = tpu.memref_slice %arg8[%dma_wait3A_97, %dma_wait3A_103] : memref<80x125xi32, #tpu.memory_space<vmem>> -> memref<1x125xi32, #tpu.memory_space<vmem>>
    %dma_wait3A_105 = tpu.memref_squeeze %dma_wait3A_104 : memref<1x125xi32, #tpu.memory_space<vmem>> -> memref<125xi32, #tpu.memory_space<vmem>>
    %dma_wait3A_106 = arith.constant 0 : i32
    %dma_wait3A_107 = arith.constant 0 : i32
    %dma_wait3A_108 = tpu.memref_slice %arg11[%dma_wait3A_106, %dma_wait3A_107] : memref<10240x16xf32, #tpu.memory_space<vmem_shared>> -> memref<10240x16xf32, #tpu.memory_space<vmem_shared>>
    %dma_wait3A_109 = tpu.memref_slice %arg13[%dma_wait3A_98] : memref<4x!tpu.dma_semaphore, #tpu.memory_space<semaphore_mem>> -> memref<1x!tpu.dma_semaphore, #tpu.memory_space<semaphore_mem>>
    %dma_wait3A_110 = tpu.memref_squeeze %dma_wait3A_109 : memref<1x!tpu.dma_semaphore, #tpu.memory_space<semaphore_mem>> -> memref<!tpu.dma_semaphore, #tpu.memory_space<semaphore_mem>>
    tpu.wait_indirect_dma semaphore(%dma_wait3A_110 : memref<!tpu.dma_semaphore, #tpu.memory_space<semaphore_mem>>) src(%dma_wait3A_102 : memref<125x16xf32, #tpu.memory_space<vmem>>) dst(%dma_wait3A_108 : memref<10240x16xf32, #tpu.memory_space<vmem_shared>>)
    %dma_wait3A_111 = arith.constant 3 : i32
    %dma_wait3A_112 = arith.constant 79 : i32
    %dma_wait3A_113 = arith.constant 3 : i32
    %dma_wait3A_114 = arith.constant 0 : i32
    %dma_wait3A_115 = arith.constant 0 : i32
    %dma_wait3A_116 = tpu.memref_slice %arg9[%dma_wait3A_111, %dma_wait3A_114, %dma_wait3A_115] : memref<4x125x16xf32, #tpu.memory_space<vmem>> -> memref<1x125x16xf32, #tpu.memory_space<vmem>>
    %dma_wait3A_117 = tpu.memref_squeeze %dma_wait3A_116 : memref<1x125x16xf32, #tpu.memory_space<vmem>> -> memref<125x16xf32, #tpu.memory_space<vmem>>
    %dma_wait3A_118 = arith.constant 0 : i32
    %dma_wait3A_119 = tpu.memref_slice %arg8[%dma_wait3A_112, %dma_wait3A_118] : memref<80x125xi32, #tpu.memory_space<vmem>> -> memref<1x125xi32, #tpu.memory_space<vmem>>
    %dma_wait3A_120 = tpu.memref_squeeze %dma_wait3A_119 : memref<1x125xi32, #tpu.memory_space<vmem>> -> memref<125xi32, #tpu.memory_space<vmem>>
    %dma_wait3A_121 = arith.constant 0 : i32
    %dma_wait3A_122 = arith.constant 0 : i32
    %dma_wait3A_123 = tpu.memref_slice %arg11[%dma_wait3A_121, %dma_wait3A_122] : memref<10240x16xf32, #tpu.memory_space<vmem_shared>> -> memref<10240x16xf32, #tpu.memory_space<vmem_shared>>
    %dma_wait3A_124 = tpu.memref_slice %arg13[%dma_wait3A_113] : memref<4x!tpu.dma_semaphore, #tpu.memory_space<semaphore_mem>> -> memref<1x!tpu.dma_semaphore, #tpu.memory_space<semaphore_mem>>
    %dma_wait3A_125 = tpu.memref_squeeze %dma_wait3A_124 : memref<1x!tpu.dma_semaphore, #tpu.memory_space<semaphore_mem>> -> memref<!tpu.dma_semaphore, #tpu.memory_space<semaphore_mem>>
    tpu.wait_indirect_dma semaphore(%dma_wait3A_125 : memref<!tpu.dma_semaphore, #tpu.memory_space<semaphore_mem>>) src(%dma_wait3A_117 : memref<125x16xf32, #tpu.memory_space<vmem>>) dst(%dma_wait3A_123 : memref<10240x16xf32, #tpu.memory_space<vmem_shared>>)
    %barrier3A_126 = arith.constant 0 : index
    tpu.barrier barrier_id(%barrier3A_126)
    %mul3A_127 = arith.constant 640 : i32
    %mul3A_128 = arith.muli %arg1, %mul3A_127 : i32
    "tpu.region"() ({
      %run_scoped3A = tpu.sem_alloc : memref<!tpu.dma_semaphore, #tpu.memory_space<semaphore_mem>>
      %dma_start3A_131 = arith.constant 0 : i32
      %dma_start3A_132 = tpu.memref_slice %arg11[%mul3A_128, %dma_start3A_131] : memref<10240x16xf32, #tpu.memory_space<vmem_shared>> -> memref<640x16xf32, #tpu.memory_space<vmem_shared>>
      %dma_start3A_133 = arith.constant 0 : i32
      %dma_start3A_134 = tpu.memref_slice %arg11[%mul3A_128, %dma_start3A_133] : memref<10240x16xf32, #tpu.memory_space<vmem_shared>> -> memref<640x16xf32, #tpu.memory_space<vmem_shared>>
      tpu.enqueue_dma source(%dma_start3A_134 : memref<640x16xf32, #tpu.memory_space<vmem_shared>>) target(%arg10 : memref<640x16xf32, #tpu.memory_space<vmem>>) target_semaphore(%run_scoped3A : memref<!tpu.dma_semaphore, #tpu.memory_space<semaphore_mem>>)
      %dma_wait3A_135 = arith.constant 0 : i32
      %dma_wait3A_136 = tpu.memref_slice %arg11[%mul3A_128, %dma_wait3A_135] : memref<10240x16xf32, #tpu.memory_space<vmem_shared>> -> memref<640x16xf32, #tpu.memory_space<vmem_shared>>
      %dma_wait3A_137 = arith.constant 0 : i32
      %dma_wait3A_138 = tpu.memref_slice %arg11[%mul3A_128, %dma_wait3A_137] : memref<10240x16xf32, #tpu.memory_space<vmem_shared>> -> memref<640x16xf32, #tpu.memory_space<vmem_shared>>
      tpu.wait_dma2 semaphore(%run_scoped3A : memref<!tpu.dma_semaphore, #tpu.memory_space<semaphore_mem>>) src(%dma_wait3A_138 : memref<640x16xf32, #tpu.memory_space<vmem_shared>>) dst(%arg10 : memref<640x16xf32, #tpu.memory_space<vmem>>)
      tpu.yield
    }) : () -> ()
    %mul3A_129 = arith.constant 640 : i32
    %mul3A_130 = arith.muli %arg1, %mul3A_129 : i32
    "tpu.region"() ({
      %run_scoped3A = tpu.sem_alloc : memref<!tpu.dma_semaphore, #tpu.memory_space<semaphore_mem>>
      %dma_start3A_131 = arith.constant 0 : i32
      %dma_start3A_132 = tpu.memref_slice %arg6[%arg0, %mul3A_130, %dma_start3A_131] : memref<2x10240x16xf32, #tpu.memory_space<hbm>> -> memref<1x640x16xf32, #tpu.memory_space<hbm>>
      %dma_start3A_133 = tpu.memref_squeeze %dma_start3A_132 : memref<1x640x16xf32, #tpu.memory_space<hbm>> -> memref<640x16xf32, #tpu.memory_space<hbm>>
      %dma_start3A_134 = arith.constant 0 : i32
      %dma_start3A_135 = tpu.memref_slice %arg6[%arg0, %mul3A_130, %dma_start3A_134] : memref<2x10240x16xf32, #tpu.memory_space<hbm>> -> memref<1x640x16xf32, #tpu.memory_space<hbm>>
      %dma_start3A_136 = tpu.memref_squeeze %dma_start3A_135 : memref<1x640x16xf32, #tpu.memory_space<hbm>> -> memref<640x16xf32, #tpu.memory_space<hbm>>
      tpu.enqueue_dma source(%arg10 : memref<640x16xf32, #tpu.memory_space<vmem>>) target(%dma_start3A_136 : memref<640x16xf32, #tpu.memory_space<hbm>>) target_semaphore(%run_scoped3A : memref<!tpu.dma_semaphore, #tpu.memory_space<semaphore_mem>>)
      %dma_wait3A_137 = arith.constant 0 : i32
      %dma_wait3A_138 = tpu.memref_slice %arg6[%arg0, %mul3A_130, %dma_wait3A_137] : memref<2x10240x16xf32, #tpu.memory_space<hbm>> -> memref<1x640x16xf32, #tpu.memory_space<hbm>>
      %dma_wait3A_139 = tpu.memref_squeeze %dma_wait3A_138 : memref<1x640x16xf32, #tpu.memory_space<hbm>> -> memref<640x16xf32, #tpu.memory_space<hbm>>
      %dma_wait3A_140 = arith.constant 0 : i32
      %dma_wait3A_141 = tpu.memref_slice %arg6[%arg0, %mul3A_130, %dma_wait3A_140] : memref<2x10240x16xf32, #tpu.memory_space<hbm>> -> memref<1x640x16xf32, #tpu.memory_space<hbm>>
      %dma_wait3A_142 = tpu.memref_squeeze %dma_wait3A_141 : memref<1x640x16xf32, #tpu.memory_space<hbm>> -> memref<640x16xf32, #tpu.memory_space<hbm>>
      tpu.wait_dma2 semaphore(%run_scoped3A : memref<!tpu.dma_semaphore, #tpu.memory_space<semaphore_mem>>) src(%arg10 : memref<640x16xf32, #tpu.memory_space<vmem>>) dst(%dma_wait3A_142 : memref<640x16xf32, #tpu.memory_space<hbm>>)
      tpu.yield
    }) : () -> ()
    return
  }
}

module attributes {stable_mosaic.version = 14 : i64} {
  func.func @_mm_a_body(%arg0: i32, %arg1: memref<1024x128xf32, #tpu.memory_space<vmem>>, %arg2: memref<128x32xf32, #tpu.memory_space<vmem>>, %arg3: memref<1024x24xf32, #tpu.memory_space<vmem>>, %arg4: memref<1024x16xf32, #tpu.memory_space<vmem>>) attributes {dimension_semantics = [#tpu.dimension_semantics<arbitrary>], iteration_bounds = array<i64: 10>, scalar_prefetch = 0 : i64, scratch_operands = 0 : i64, tpu.core_type = #tpu.core_type<tc>, window_params = [{transform_indices = @transform_0, window_bounds = array<i64: 1024, 128>}, {pipeline_mode = #tpu.pipeline_mode<synchronous>, transform_indices = @transform_1, window_bounds = array<i64: 128, 32>}, {transform_indices = @transform_2, window_bounds = array<i64: 1024, 24>}, {transform_indices = @transform_3, window_bounds = array<i64: 1024, 16>}]} {
    %get3A = arith.constant 0 : index
    %get3A_0 = arith.constant 0 : index
    %get3A_1 = vector.load %arg1[%get3A, %get3A_0] : memref<1024x128xf32, #tpu.memory_space<vmem>>, vector<1024x128xf32>
    %get3A_2 = arith.constant 0 : index
    %get3A_3 = arith.constant 0 : index
    %get3A_4 = vector.load %arg2[%get3A_2, %get3A_3] : memref<128x32xf32, #tpu.memory_space<vmem>>, vector<128x32xf32>
    %dot_general3A = arith.constant dense<0.000000e+00> : vector<1024x32xf32>
    %dot_general3A_5 = tpu.matmul %get3A_1, %get3A_4, %dot_general3A {dimension_numbers = #tpu.dot_dimension_numbers<[1], [0], [0], [1], [0, 0, 1, 1], [], []>, transpose_lhs_hint = false} : vector<1024x128xf32>, vector<128x32xf32>, vector<1024x32xf32> -> vector<1024x32xf32>
    %slice3A = vector.extract_strided_slice %dot_general3A_5 {offsets = [0, 0], sizes = [1024, 16], strides = [1, 1]} : vector<1024x32xf32> to vector<1024x16xf32>
    %broadcast_in_dim3A = arith.constant 1.000000e+00 : f32
    %broadcast_in_dim3A_6 = vector.broadcast %broadcast_in_dim3A : f32 to vector<1024x1xf32>
    %broadcast_in_dim3A_7 = arith.constant 0.000000e+00 : f32
    %broadcast_in_dim3A_8 = vector.broadcast %broadcast_in_dim3A_7 : f32 to vector<1024x7xf32>
    %concatenate3A = tpu.concatenate %slice3A, %broadcast_in_dim3A_6, %broadcast_in_dim3A_8 in 1 : vector<1024x16xf32>, vector<1024x1xf32>, vector<1024x7xf32> -> vector<1024x24xf32>
    %swap3A = arith.constant 0 : index
    %swap3A_9 = arith.constant 0 : index
    %swap3A_10 = vector.load %arg3[%swap3A, %swap3A_9] : memref<1024x24xf32, #tpu.memory_space<vmem>>, vector<1024x24xf32>
    tpu.vector_store %arg3[%swap3A, %swap3A_9], %concatenate3A {strides = array<i32>} : memref<1024x24xf32, #tpu.memory_space<vmem>>, vector<1024x24xf32>,
    %slice3A_11 = vector.extract_strided_slice %dot_general3A_5 {offsets = [0, 16], sizes = [1024, 16], strides = [1, 1]} : vector<1024x32xf32> to vector<1024x16xf32>
    %swap3A_12 = arith.constant 0 : index
    %swap3A_13 = arith.constant 0 : index
    %swap3A_14 = vector.load %arg4[%swap3A_12, %swap3A_13] : memref<1024x16xf32, #tpu.memory_space<vmem>>, vector<1024x16xf32>
    tpu.vector_store %arg4[%swap3A_12, %swap3A_13], %slice3A_11 {strides = array<i32>} : memref<1024x16xf32, #tpu.memory_space<vmem>>, vector<1024x16xf32>,
    return
  }
  func.func @transform_0(%arg0: i32) -> (i32, i32) {
    %c0_i32 = arith.constant 0 : i32
    %c0_i32_0 = arith.constant 0 : i32
    return %arg0, %c0_i32 : i32, i32
  }
  func.func @transform_1(%arg0: i32) -> (i32, i32) {
    %c0_i32 = arith.constant 0 : i32
    %c0_i32_0 = arith.constant 0 : i32
    %c0_i32_1 = arith.constant 0 : i32
    return %c0_i32, %c0_i32_0 : i32, i32
  }
  func.func @transform_2(%arg0: i32) -> (i32, i32) {
    %c0_i32 = arith.constant 0 : i32
    %c0_i32_0 = arith.constant 0 : i32
    return %arg0, %c0_i32 : i32, i32
  }
  func.func @transform_3(%arg0: i32) -> (i32, i32) {
    %c0_i32 = arith.constant 0 : i32
    %c0_i32_0 = arith.constant 0 : i32
    return %arg0, %c0_i32 : i32, i32
  }
}

</mosaic_0001>

<sc_bundles>
// kernel: kernel.10.cloned.1.call-start
scs
__scs_entry_jumppad:
0x0: {  	(pc) =	sbr.rel $0x88, $3  }
0x1: {  	(tag) =	ssettag $0x0;
	lr =	simm.s32 $0x1  }
0x2: {  	[smem:$0x3F99] =	sst lr;
	_ =	strace $0xD0000000  }
0x3: {  	_ = 	snop  }
0x4: {  	_ = 	snop  }
0x5: {  	_ = 	snop  }
0x6: {  	_ = 	snop  }
0x7: {  	_ = 	snop  }
__scs_overlays_trampoline_lowered:
0x8: {  	[smem:$0x3FA8] =	sst s0  }
0x9: {  	[smem:$0x3FA9] =	sst s1  }
0xa: {  	[smem:$0x3FAA] =	sst s2  }
0xb: {  	[smem:$0x3FAB] =	sst s3  }
0xc: {  	[smem:$0x3FAC] =	sst s4  }
0xd: {  	[smem:$0x3FAD] =	sst s5  }
0xe: {  	[smem:$0x3FAE] =	sst s6  }
0xf: {  	[smem:$0x3FAF] =	sst s7  }
0x10: {  	[smem:$0x3FB0] =	sst s8  }
0x11: {  	[smem:$0x3FB1] =	sst s9;
	s0 =	simm.s32 @!p0 $0x0  }
0x12: {  	s1 =	sld [smem:$0x3F97];
	s0 =	simm.s32 @p0 $0x1  }
0x13: {  	[smem:$0x3FB2] =	sst s0;
	s0 =	simm.s32 @!p1 $0x0  }
0x14: {  	s2 =	sld [smem:$0x3F96];
	s0 =	simm.s32 @p1 $0x1  }
0x15: {  	[smem:$0x3FB3] =	sst s0;
	s0 =	simm.s32 @!p2 $0x0  }
0x16: {  	s3 =	sld [smem:$0x3FDB];
	s0 =	simm.s32 @p2 $0x1  }
0x17: {  	s4 =	simm.s32 $0x1BF5;
	[smem:$0x3FB5] =	sst s0  }
0x18: {  	s0 =	sld [smem:$0x3F98];
	_ =	swait.ge [sflag:s4], $0x0  }
0x19: {  	s7 =	sld [smem:$0x3F99]  }
0x1a: {  	s8 =	sadd.s32 $0xFFFFE003, lr  }
0x1b: {  	s9 =	sadd.s32 $0xFFFFFEF7, lr;
	s5 =	simm.s32 $0xFFFFFFFF;
	p2 =	slt.u32 s8, $0xFFFFF086  }
0x1c: {  	p1 =	slt.u32 s9, $0xF7A;
	s5 =	simm.s32 @!p2 $0x0  }
0x1d: {  	s5 =	simm.s32 @p1 $0x1;
	p0 =	seq.s32 s7, s2  }
0x1e: {  	s7 =	smul.u32 @!p0 $0xF7A, s2;
	p2 =	seq.s32 @!p0 s5, $0x0  }
0x1f: {  	s9 =	smul.u32 $0xF7A, s1;
	s8 =	simm.s32 @!p0 $0x1BF5;
	p2 =	por !p2, p0  }
0x20: {  	[sflag:s8] =	ssyncset.s32 @!p0 $0xFFFFF086;
	s6 =	sadd.s32 @!p0 s3, s7;
	s7 =	simm.s32 @!p0 $0x108  }
0x21: {  	s3 =	sadd.s32 s3, s9;
	s6 =	sadd.s32 @!p0 $0x88, s6;
	s7 =	simm.s32 @p2 $0x1082  }
0x22: {  	[simem:s7], [sflag:s8] =	dma.local @!p0 [hbm:s6], $0xF7A  }
0x23: {  	s9 =	sor.u32 $0xD0000000, s2;
	s6 =	simm.s32 $0x108;
	_ =	swait.ge @!p0 [sflag:s8], $0x0  }
0x24: {  	s3 =	sadd.s32 $0x88, s3;
	s6 =	simm.s32 @!p1 $0x1082;
	[sflag:s4] =	ssyncset.s32 $0xFFFFF086  }
0x25: {  	[simem:s6], [sflag:s4] =	dma.local [hbm:s3], $0xF7A  }
0x26: {  	[smem:$0x3F99] =	sst s1;
	(tag) =	ssettag s2;
	_ =	strace s9  }
0x27: {  	s1 =	sld [smem:$0x3FA9]  }
0x28: {  	s2 =	sld [smem:$0x3FAA]  }
0x29: {  	s4 =	sld [smem:$0x3FAC]  }
0x2a: {  	p0 =	seq.s32 s5, $0x0;
	s5 =	sld [smem:$0x3FAD]  }
0x2b: {  	s6 =	sld [smem:$0x3FAE]  }
0x2c: {  	s7 =	sld [smem:$0x3FAF]  }
0x2d: {  	s3 =	simm.s32 $0x108;
	s8 =	sld [smem:$0x3FB0]  }
0x2e: {  	s3 =	simm.s32 @!p0 $0x1082;
	s9 =	sld [smem:$0x3FB1]  }
0x2f: {  	lr =	sadd.s32 s0, s3;
	s0 =	sld [smem:$0x3FA8]  }
0x30: {  	s3 =	sld [smem:$0x3FAB]  }
0x31: {  	[smem:$0x3FB4] =	sst s10  }
0x32: {  	s10 =	sld [smem:$0x3FB2];
	_ =	sdelay $0x3  }
0x33: {  	p0 =	seq.s32 s10, $0x1;
	s10 =	sld [smem:$0x3FB4];
	_ =	sdelay $0x3  }
0x34: {  	[smem:$0x3FB4] =	sst s10  }
0x35: {  	s10 =	sld [smem:$0x3FB3];
	_ =	sdelay $0x3  }
0x36: {  	p1 =	seq.s32 s10, $0x1;
	s10 =	sld [smem:$0x3FB4];
	_ =	sdelay $0x3  }
0x37: {  	[smem:$0x3FB4] =	sst s10  }
0x38: {  	s10 =	sld [smem:$0x3FB5]  }
0x39: {  	_ = 	snop;
	(pc) =	sbr.ind lr, $3  }
0x3a: {  	_ = 	snop  }
0x3b: {  	_ = 	snop  }
0x3c: {  	p2 =	seq.s32 s10, $0x1;
	s10 =	sld [smem:$0x3FB4]  }
0x3d: {  	_ =	shalt  }
0x3e: {  	_ =	shalt  }
0x3f: {  	_ =	shalt  }
0x40: {  	_ =	shalt  }
0x41: {  	_ =	shalt  }
0x42: {  	_ =	shalt  }
0x43: {  	_ =	shalt  }
0x44: {  	_ =	shalt  }
0x45: {  	_ =	shalt  }
0x46: {  	_ =	shalt  }
0x47: {  	_ =	shalt  }
0x48: {  	_ =	shalt  }
0x49: {  	_ =	shalt  }
0x4a: {  	_ =	shalt  }
0x4b: {  	_ =	shalt  }
0x4c: {  	_ =	shalt  }
0x4d: {  	_ =	shalt  }
0x4e: {  	_ =	shalt  }
0x4f: {  	_ =	shalt  }
0x50: {  	_ =	shalt  }
0x51: {  	_ =	shalt  }
0x52: {  	_ =	shalt  }
0x53: {  	_ =	shalt  }
0x54: {  	_ =	shalt  }
0x55: {  	_ =	shalt  }
0x56: {  	_ =	shalt  }
0x57: {  	_ =	shalt  }
0x58: {  	_ =	shalt  }
0x59: {  	_ =	shalt  }
0x5a: {  	_ =	shalt  }
0x5b: {  	_ =	shalt  }
0x5c: {  	_ =	shalt  }
0x5d: {  	_ =	shalt  }
0x5e: {  	_ =	shalt  }
0x5f: {  	_ =	shalt  }
0x60: {  	_ =	shalt  }
0x61: {  	_ =	shalt  }
0x62: {  	_ =	shalt  }
0x63: {  	_ =	shalt  }
0x64: {  	_ =	shalt  }
0x65: {  	_ =	shalt  }
0x66: {  	_ =	shalt  }
0x67: {  	_ =	shalt  }
0x68: {  	_ =	shalt  }
0x69: {  	_ =	shalt  }
0x6a: {  	_ =	shalt  }
0x6b: {  	_ =	shalt  }
0x6c: {  	_ =	shalt  }
0x6d: {  	_ =	shalt  }
0x6e: {  	_ =	shalt  }
0x6f: {  	_ =	shalt  }
0x70: {  	_ =	shalt  }
0x71: {  	_ =	shalt  }
0x72: {  	_ =	shalt  }
0x73: {  	_ =	shalt  }
0x74: {  	_ =	shalt  }
0x75: {  	_ =	shalt  }
0x76: {  	_ =	shalt  }
0x77: {  	_ =	shalt  }
0x78: {  	_ =	shalt  }
0x79: {  	_ =	shalt  }
0x7a: {  	_ =	shalt  }
0x7b: {  	_ =	shalt  }
0x7c: {  	_ =	shalt  }
0x7d: {  	_ =	shalt  }
0x7e: {  	_ =	shalt  }
0x7f: {  	_ =	shalt  }
0x80: {  	_ =	shalt  }
0x81: {  	_ =	shalt  }
0x82: {  	_ =	shalt  }
0x83: {  	_ =	shalt  }
0x84: {  	_ =	shalt  }
0x85: {  	_ =	shalt  }
0x86: {  	_ =	shalt  }
0x87: {  	_ =	shalt  }
.Lfunc_end0:
.L_simem_size_0:
called_computation.1_lowered:
.L_overlay_start_0:
0x88: {  	s2 =	sld [smem:$0x3FD9]  }
0x89: {  	s3 =	sld [smem:$0x3FFE];
	_ =	sdelay $0x1  }
0x8a: {  	s1 =	srdreg.scid  }
0x8b: {  	s0 =	sand.u32 $0x1, s1  }
0x8c: {  	s17 =	sshll.u32 s0, $0xA;
	s2 =	sadd.s32 s3, s2  }
0x8d: {  	s2 =	sadd.s32 s2, s17  }
0x8e: {  	[smem:$0x3FC0] =	sst s2  }
0x8f: {  	_ = 	snop  }
0x90: {  	s2 =	sld [smem:$0x3FC6];
	(tm) =	ssettm $0x1  }
0x91: {  	s18 =	sld [smem:$0x3FFB];
	_ =	sdelay $0x3  }
0x92: {  	_ =	strace s18  }
0x93: {  	s3 =	sld [smem:$0x3FFC];
	_ =	sdelay $0x3  }
0x94: {  	_ =	strace s3  }
0x95: {  	s3 =	sld [smem:$0x3FFD];
	_ =	sdelay $0x3  }
0x96: {  	_ =	strace s3  }
0x97: {  	_ =	strace $0x8FFFFFFF  }
0x98: {  	s19 =	sld [smem:$0x3FDB];
	_ =	sdelay $0x1  }
0x99: {  	s4 =	simm.s32 $_scs_section_size  }
0x9a: {  	s5 =	simm.s32 $_size__tile_overlayer_lowered;
	s6 =	simm.s32 $_tile_overlayer_lowered  }
0x9b: {  	s22 =	simm.s32 $0x1BFF;
	s21 =	sshll.u32 s6, $0x1;
	s3 =	sadd.s32 s4, s19  }
0x9c: {  	s7 =	simm.s32 $0x0;
	s20 =	sshll.u32 s5, $0x1;
	s5 =	sadd.s32 s21, s3  }
0x9d: {  	[timem:s7], [sflag:s22] =	dma.local [hbm:s5], s20  }
0x9e: {  	_ =	swait.ge [sflag:s22], s20  }
0x9f: {  	s4 =	ssub.s32 $0x0, s20;
	[sflag:s22] =	ssyncset.done $0x0  }
0xa0: {  	[sflag:s22] =	ssyncadd.s32 s4;
	_ =	sdelay $0x1  }
0xa1: {  	s23 =	simm.s32 $0x1B8B  }
0xa2: {  	_ =	swait.ge [sflag:s23], $0x1  }
0xa3: {  	[sflag:s23] =	ssyncset.done $0x0  }
0xa4: {  	s25 =	simm.s32 $0x1B8E;
	s24 =	sld [smem:$0x3FFE];
	[sflag:s23] =	ssyncadd.s32 $0xFFFFFFFF  }
0xa5: {  	s26 =	simm.s32 $execute0_lowered;
	[smem:$0x3FD2] =	sst s25  }
0xa6: {  	s5 =	sshll.u32 s26, $0x1;
	_ =	strace $0x80000049;
	[dreg:$0x1] =	wrdreg $0xFFFFFFFF  }
0xa7: {  	s28 =	simm.s32 $_size_execute0_lowered;
	s3 =	sadd.s32 s3, s5;
	[dreg:$0x0] =	wrdreg $0x0  }
0xa8: {  	s5 =	sshll.u32 s28, $0x1;
	[dreg:$0x2] =	wrdreg s3  }
0xa9: {  	[dreg:$0x3] =	wrdreg s5  }
0xaa: {  	[dreg:$0x4] =	wrdreg $0xC0  }
0xab: {  	_ =	task [dreg:s7], $0x5FFFF  }
0xac: {  	[dreg:$0x1] =	wrdreg $0xFFFFFFFF  }
0xad: {  	[dreg:$0x0] =	wrdreg $0x60  }
0xae: {  	[dreg:$0x2] =	wrdreg s24  }
0xaf: {  	[dreg:$0x3] =	wrdreg s2  }
0xb0: {  	[dreg:$0x4] =	wrdreg $0x9  }
0xb1: {  	_ =	task.clear_ibuf [dreg:s7], $0x5FFFF;
	_ =	strace $0x90000049  }
0xb2: {  	s29 =	simm.s32 $0x9;
	_ =	strace $0x8000004B  }
0xb3: {  	_ =	swait.ge [sflag:s29], $0x1  }
0xb4: {  	[sflag:s29] =	ssyncadd.s32 $0xFFFFFFFF  }
0xb5: {  	_ =	strace $0x9000004B  }
0xb6: {  	_ =	sfence  }
0xb7: {  	s30 =	sld [smem:$0x0];
	_ =	sdelay $0x2  }
0xb8: {  	s31 =	sshll.u32 s1, $0xD;
	s1 =	sshrl.u32 s1, $0x2  }
0xb9: {  	s3 =	sand.u32 $0x4000, s31;
	s1 =	sadd.s32 s1, s30  }
0xba: {  	s0 =	sor.u32 s3, s0;
	s1 =	sshll.u32 s1, $0x11  }
0xbb: {  	s0 =	sor.u32 s1, s0  }
0xbc: {  	s0 =	sadd.s32 $0x8F2B, s0  }
0xbd: {  	[sflag:s0] =	ssyncadd.remote.s32 $0x1  }
0xbe: {  	_ =	sfence.sel $0xFFFF  }
0xbf: {  	[dreg:$0x0] =	wrdreg $0xFFFFFFFF;
	(pc) =	sbr.abs _section_cstart, $3  }
0xc0: {  	[dreg:$0x1] =	wrdreg $0xFFFFFFFF  }
0xc1: {  	_ =	task.clear_ibuf [dreg:s7], $0x2FFFF;
	_ =	strace $0x9FFFFFFF  }
0xc2: {  	(tm) =	ssettm $0x7FFFFFFF  }
0xc3: {  	_ =	shalt  }
tec
execute0_lowered:
.L_overlay_start_1:
0x0: {  	(tag) =	ssettag $0x1  }
0x1: {  	s5 =	rddreg [dreg:$0x0]  }
0x2: {  	s1 =	srdreg.scid;
	s0 =	stileid.u32  }
0x3: {  	s2 =	rddreg [dreg:$0x1];
	s3 =	simm.s32 $0x0;
	s12 =	simm.s32 $0x1E00  }
0x4: {  	s13 =	simm.s32 $0x5000;
	s4 =	sand.u32 $0x1, s1;
	s6 =	sshll.u32 s0, $0x1  }
0x5: {  	s14 =	simm.s32 $0x5100;
	s15 =	simm.s32 $0x5110;
	s6 =	sor.u32 s4, s6  }
0x6: {  	s16 =	simm.s32 $0x6510;
	s1 =	rddreg [dreg:$0x2];
	s7 =	smul.u32 $0x1E00, s6  }
0x7: {  	v0 =	vlaneseq.u32;
	v1 =	vimm.s32 $0x0;
	s17 =	simm.s32 $0x0;
	[smem:$0x7FF] =	sst s3;
	s6 =	smul.u32 $0x280, s6  }
0x8: {  	v2 =	vimm.s32 $0x1;
	v3 =	vimm.s32 $0x2;
	v4 =	vimm.s32 $0x3;
	_ =	strace $0x8000004A;
	s8 =	ssub.s32 $0x2, s4;
	s4 =	sadd.s32 $0x31000, s5  }
0x9: {  	v5 =	vimm.s32 $0x4;
	v6 =	vimm.s32 $0x5;
	v7 =	vimm.s32 $0x6;
	s9 =	sshrl.u32 s8, $0x1;
	s7 =	sshrl.u32 s7, $0x3;
	s10 =	sadd.s32 s6, s5  }
0xa: {  	v8 =	vimm.s32 $0x7;
	v9 =	vimm.s32 $0x8;
	v10 =	vimm.s32 $0x9;
	s11 =	ssub.s32 s8, s9;
	s7 =	sadd.s32 s7, s5;
	s8 =	sadd.s32 $0x1800, s10  }
0xb: {  	v11 =	vimm.s32 $0xA;
	v12 =	vimm.s32 $0xB;
	v13 =	vimm.s32 $0xC;
	s9 =	sadd.s32 $0x31200, s10;
	s5 =	sadd.s32 $0x1D000, s7;
	s6 =	sadd.s32 $0x24800, s7  }
0xc: {  	v14 =	vimm.s32 $0xD;
	v15 =	vimm.s32 $0xE;
	v16 =	vimm.s32 $0xF;
	s7 =	sadd.s32 $0x2C000, s10;
	s10 =	smax.u32 s11, $0x1;
	s11 =	simm.s32 $0x1  }
.LBB2_1:
0xd: {  	[tilespmem:s3], [sflag:$0x1] =	stream.linear.gather [hbm4b:s5+s3], $0x1E00, $0x38;
	[tilespmem:$0x7910] =	vst v63  }
0xe: {  	_ =	swait.ge [sflag:s11], $0x1E00  }
0xf: {  	[sflag:s11] =	ssyncset.done $0x0  }
0x10: {  	[sflag:s11] =	ssyncadd.s32 $0xFFFFE200  }
0x11: {  	[tilespmem:s12], [sflag:$0x1] =	stream.linear.gather [hbm4b:s6+s3], $0x1E00, $0x38;
	[tilespmem:$0x7910] =	vst v63  }
0x12: {  	_ =	swait.ge [sflag:s11], $0x1E00  }
0x13: {  	[sflag:s11] =	ssyncset.done $0x0  }
0x14: {  	s18 =	simm.s32 $0x3C00;
	[sflag:s11] =	ssyncadd.s32 $0xFFFFE200  }
0x15: {  	[tilespmem:s18], [sflag:$0x1] =	stream.linear.gather [hbm4b:s7+s3], $0x1400, $0x38;
	[tilespmem:$0x7910] =	vst v63  }
0x16: {  	_ =	swait.ge [sflag:s11], $0x1400  }
0x17: {  	v17 =	vmov s3;
	[sflag:s11] =	ssyncset.done $0x0  }
0x18: {  	v17 =	vmul.u32 $0x18, v17;
	[sflag:s11] =	ssyncadd.s32 $0xFFFFEC00  }
0x19: {  	[tilespmem:s13], [sflag:$0x1] =	stream.linear.gather [hbm4b:s4+s3], $0x100, $0x38;
	[tilespmem:$0x7910] =	vst v63  }
0x1a: {  	v17 =	vbroadcast v17, $0x0;
	_ =	swait.ge [sflag:s11], $0x100  }
0x1b: {  	[sflag:s11] =	ssyncset.done $0x0  }
0x1c: {  	v18 =	vadd.s32 $0x10, v17;
	[sflag:s11] =	ssyncadd.s32 $0xFFFFFF00  }
0x1d: {  	[tilespmem:s14], [sflag:$0x1] =	stream.linear.gather [hbm4b:s2+s3], $0x10, $0x38;
	[tilespmem:$0x7910] =	vst v63  }
0x1e: {  	_ =	swait.ge [sflag:s11], $0x10  }
0x1f: {  	[sflag:s11] =	ssyncset.done $0x0  }
0x20: {  	[sflag:s11] =	ssyncadd.s32 $0xFFFFFFF0  }
0x21: {  	v19 =	vld.idx.msk [tilespmem:v18+s12+$0x0], $0xffff  }
0x22: {  	v18 =	vld.idx.msk [tilespmem:v18+s3+$0x0], $0xffff;
	_ =	sdelay $0x4  }
0x23: {  	v17 =	vadd.s32 v0, v17;
	v18 =	vadd.f32 v19, v18;
	_ =	sdelay $0x1  }
0x24: {  	v18 =	vmax.f32 v18, $1.000000000e+00  }
0x25: {  	(erf) = vrcp.f32 v18;
	_ =	sdelay $0x1  }
0x26: {  	v19 =	vld.idx.msk [tilespmem:v17+s3+$0x0], $0xffff  }
0x27: {  	v18 =	vld.idx.msk [tilespmem:v17+s12+$0x0], $0xffff;
	_ =	sdelay $0x3  }
0x28: {  	v17 =	vld [tilespmem:$0x5100]  }
0x29: {  	v18 =	vadd.f32 v18, v19  }
0x2a: {  	v19 =	vld [tilespmem:s18+$0x0];
	v34 =	vpop (erf)  }
0x2b: {  	v18 =	vmul.f32 v34, v18;
	_ =	sdelay $0x1  }
0x2c: {  	v18 =	vadd.f32 v18, v17;
	_ =	sdelay $0x1  }
0x2d: {  	v21 =	vld [tilespmem:$0x5000];
	v19 =	vadd.f32 v18, v19;
	_ =	sdelay $0x1  }
0x2e: {  	v18 =	vld [tilespmem:$0x5010];
	v35 =	vmax.f32 v19, $0.0e+00  }
0x2f: {  	v20 =	vperm.xlane v35, v1  }
0x30: {  	v19 =	vld [tilespmem:$0x5020]  }
0x31: {  	v23 =	vperm.xlane v35, v2;
	v22 =	vmul.f32 v20, v21  }
0x32: {  	v20 =	vld [tilespmem:$0x5030]  }
0x33: {  	v25 =	vperm.xlane v35, v3;
	v23 =	vmul.f32 v23, v18;
	v24 =	vadd.f32 $0.0e+00, v22  }
0x34: {  	v22 =	vld [tilespmem:$0x5040]  }
0x35: {  	v26 =	vperm.xlane v35, v4;
	v25 =	vmul.f32 v25, v19;
	v24 =	vadd.f32 v23, v24  }
0x36: {  	v23 =	vld [tilespmem:$0x5050]  }
0x37: {  	v27 =	vperm.xlane v35, v5;
	v26 =	vmul.f32 v26, v20;
	v25 =	vadd.f32 v25, v24  }
0x38: {  	v24 =	vld [tilespmem:$0x5060]  }
0x39: {  	v28 =	vperm.xlane v35, v6;
	v27 =	vmul.f32 v27, v22;
	v26 =	vadd.f32 v26, v25  }
0x3a: {  	v25 =	vld [tilespmem:$0x5070]  }
0x3b: {  	v29 =	vperm.xlane v35, v7;
	v28 =	vmul.f32 v28, v23;
	v27 =	vadd.f32 v27, v26  }
0x3c: {  	v26 =	vld [tilespmem:$0x5080]  }
0x3d: {  	v30 =	vperm.xlane v35, v8;
	v29 =	vmul.f32 v29, v24;
	v28 =	vadd.f32 v28, v27  }
0x3e: {  	v27 =	vld [tilespmem:$0x5090]  }
0x3f: {  	v31 =	vperm.xlane v35, v9;
	v30 =	vmul.f32 v30, v25;
	v29 =	vadd.f32 v29, v28  }
0x40: {  	v28 =	vld [tilespmem:$0x50A0]  }
0x41: {  	v32 =	vperm.xlane v35, v10;
	v31 =	vmul.f32 v31, v26;
	v30 =	vadd.f32 v30, v29  }
0x42: {  	v29 =	vld [tilespmem:$0x50B0]  }
0x43: {  	v33 =	vperm.xlane v35, v11;
	v32 =	vmul.f32 v32, v27;
	v31 =	vadd.f32 v31, v30  }
0x44: {  	v30 =	vld [tilespmem:$0x50C0]  }
0x45: {  	v36 =	vperm.xlane v35, v12;
	v33 =	vmul.f32 v33, v28;
	v32 =	vadd.f32 v32, v31  }
0x46: {  	v31 =	vld [tilespmem:$0x50D0]  }
0x47: {  	v37 =	vperm.xlane v35, v13;
	v36 =	vmul.f32 v36, v29;
	v33 =	vadd.f32 v33, v32  }
0x48: {  	v32 =	vld [tilespmem:$0x50E0]  }
0x49: {  	s31 =	simm.s32 $0x1;
	v38 =	vperm.xlane v35, v14;
	v37 =	vmul.f32 v37, v30;
	v36 =	vadd.f32 v36, v33  }
0x4a: {  	v39 =	vmov s31;
	v33 =	vld [tilespmem:$0x50F0]  }
0x4b: {  	v55 =	vperm.xlane v35, v15;
	v54 =	vmul.f32 v38, v31;
	v36 =	vadd.f32 v37, v36  }
0x4c: {  	v39 =	vmul.u32 $0x18, v39  }
0x4d: {  	v35 =	vperm.xlane v35, v16;
	v56 =	vmul.f32 v55, v32;
	v36 =	vadd.f32 v54, v36  }
0x4e: {  	v57 =	vbroadcast v39, $0x0  }
0x4f: {  	v35 =	vmul.f32 v35, v33;
	v36 =	vadd.f32 v56, v36  }
0x50: {  	v58 =	vadd.s32 $0x10, v57  }
0x51: {  	v35 =	vadd.f32 v35, v36;
	_ =	sdelay $0x1  }
0x52: {  	[tilespmem:s15+$0x0] =	vst v35  }
0x53: {  	[tilespmem:s16+$0x0] =	vst v34  }
0x54: {  	v34 =	vld.idx.msk [tilespmem:v58+s12+$0x0], $0xffff  }
0x55: {  	v35 =	vld.idx.msk [tilespmem:v58+s3+$0x0], $0xffff;
	_ =	sdelay $0x4  }
0x56: {  	v59 =	vadd.s32 v0, v57;
	v34 =	vadd.f32 v34, v35;
	_ =	sdelay $0x1  }
0x57: {  	v34 =	vmax.f32 v34, $1.000000000e+00  }
0x58: {  	(erf) = vrcp.f32 v34;
	_ =	sdelay $0x1  }
0x59: {  	v60 =	vld.idx.msk [tilespmem:v59+s12+$0x0], $0xffff  }
0x5a: {  	v61 =	vld.idx.msk [tilespmem:v59+s3+$0x0], $0xffff;
	_ =	sdelay $0x4  }
0x5b: {  	s18 =	simm.s32 $0x3C10;
	v35 =	vadd.f32 v60, v61  }
0x5c: {  	v62 =	vld [tilespmem:s18+$0x0];
	v34 =	vpop (erf)  }
0x5d: {  	v35 =	vmul.f32 v34, v35;
	_ =	sdelay $0x1  }
0x5e: {  	v35 =	vadd.f32 v35, v17;
	_ =	sdelay $0x1  }
0x5f: {  	v35 =	vadd.f32 v35, v62;
	_ =	sdelay $0x1  }
0x60: {  	v38 =	vmax.f32 v35, $0.0e+00  }
0x61: {  	v35 =	vperm.xlane v38, v1;
	_ =	sdelay $0x1  }
0x62: {  	v63 =	vperm.xlane v38, v2;
	v35 =	vmul.f32 v35, v21;
	_ =	sdelay $0x1  }
0x63: {  	v40 =	vperm.xlane v38, v3;
	v36 =	vmul.f32 v63, v18;
	v35 =	vadd.f32 $0.0e+00, v35;
	_ =	sdelay $0x1  }
0x64: {  	v42 =	vperm.xlane v38, v4;
	v41 =	vmul.f32 v40, v19;
	v35 =	vadd.f32 v36, v35;
	_ =	sdelay $0x1  }
0x65: {  	v44 =	vperm.xlane v38, v5;
	v43 =	vmul.f32 v42, v20;
	v35 =	vadd.f32 v41, v35;
	_ =	sdelay $0x1  }
0x66: {  	v46 =	vperm.xlane v38, v6;
	v45 =	vmul.f32 v44, v22;
	v35 =	vadd.f32 v43, v35;
	_ =	sdelay $0x1  }
0x67: {  	v48 =	vperm.xlane v38, v7;
	v47 =	vmul.f32 v46, v23;
	v35 =	vadd.f32 v45, v35;
	_ =	sdelay $0x1  }
0x68: {  	v50 =	vperm.xlane v38, v8;
	v49 =	vmul.f32 v48, v24;
	v35 =	vadd.f32 v47, v35;
	_ =	sdelay $0x1  }
0x69: {  	v52 =	vperm.xlane v38, v9;
	v51 =	vmul.f32 v50, v25;
	v35 =	vadd.f32 v49, v35;
	_ =	sdelay $0x1  }
0x6a: {  	v54 =	vperm.xlane v38, v10;
	v53 =	vmul.f32 v52, v26;
	v35 =	vadd.f32 v51, v35;
	_ =	sdelay $0x1  }
0x6b: {  	v56 =	vperm.xlane v38, v11;
	v55 =	vmul.f32 v54, v27;
	v35 =	vadd.f32 v53, v35;
	_ =	sdelay $0x1  }
0x6c: {  	v58 =	vperm.xlane v38, v12;
	v57 =	vmul.f32 v56, v28;
	v35 =	vadd.f32 v55, v35;
	_ =	sdelay $0x1  }
0x6d: {  	v60 =	vperm.xlane v38, v13;
	v59 =	vmul.f32 v58, v29;
	v35 =	vadd.f32 v57, v35;
	_ =	sdelay $0x1  }
0x6e: {  	s19 =	simm.s32 $0x2;
	v62 =	vperm.xlane v38, v14;
	v61 =	vmul.f32 v60, v30;
	v35 =	vadd.f32 v59, v35  }
0x6f: {  	v63 =	vmov s19  }
0x70: {  	v37 =	vmul.f32 v62, v31;
	v40 =	vperm.xlane v38, v15;
	v36 =	vadd.f32 v61, v35  }
0x71: {  	v35 =	vmul.u32 $0x18, v63  }
0x72: {  	s21 =	simm.s32 $0x3;
	s20 =	simm.s32 $0x5110;
	v38 =	vperm.xlane v38, v16;
	s19 =	simm.s32 $0x6510;
	v36 =	vadd.f32 v37, v36;
	v37 =	vmul.f32 v40, v32  }
.LBB2_2:
0x73: {  	p0 =	sne.s32 s21, $0x13F;
	v35 =	vbroadcast v35, $0x0  }
0x74: {  	v36 =	vadd.f32 v37, v36;
	v37 =	vmul.f32 v38, v33  }
0x75: {  	v38 =	vadd.s32 $0x10, v35  }
0x76: {  	v36 =	vadd.f32 v37, v36  }
0x77: {  	s20 =	sadd.s32 $0x10, s20  }
0x78: {  	s19 =	sadd.s32 $0x10, s19;
	[tilespmem:s20+$0x0] =	vst v36  }
0x79: {  	[tilespmem:s19+$0x0] =	vst v34  }
0x7a: {  	v34 =	vld.idx.msk [tilespmem:v38+s12+$0x0], $0xffff  }
0x7b: {  	v36 =	vld.idx.msk [tilespmem:v38+s3+$0x0], $0xffff;
	_ =	sdelay $0x4  }
0x7c: {  	v35 =	vadd.s32 v0, v35  }
0x7d: {  	v34 =	vadd.f32 v34, v36;
	_ =	sdelay $0x1  }
0x7e: {  	v34 =	vmax.f32 v34, $1.000000000e+00  }
0x7f: {  	(erf) = vrcp.f32 v34  }
0x80: {  	v34 =	vld.idx.msk [tilespmem:v35+s12+$0x0], $0xffff  }
0x81: {  	v35 =	vld.idx.msk [tilespmem:v35+s3+$0x0], $0xffff;
	_ =	sdelay $0x5  }
0x82: {  	s18 =	sadd.s32 $0x10, s18;
	v35 =	vadd.f32 v34, v35  }
0x83: {  	v36 =	vld [tilespmem:s18+$0x0];
	v34 =	vpop (erf)  }
0x84: {  	v35 =	vmul.f32 v34, v35;
	_ =	sdelay $0x1  }
0x85: {  	v35 =	vadd.f32 v35, v17;
	_ =	sdelay $0x1  }
0x86: {  	v35 =	vadd.f32 v35, v36;
	_ =	sdelay $0x1  }
0x87: {  	v38 =	vmax.f32 v35, $0.0e+00  }
0x88: {  	v35 =	vperm.xlane v38, v1;
	_ =	sdelay $0x1  }
0x89: {  	v36 =	vperm.xlane v38, v2;
	v35 =	vmul.f32 v35, v21;
	_ =	sdelay $0x1  }
0x8a: {  	v37 =	vperm.xlane v38, v3;
	v36 =	vmul.f32 v36, v18;
	v35 =	vadd.f32 $0.0e+00, v35;
	_ =	sdelay $0x1  }
0x8b: {  	v35 =	vadd.f32 v36, v35;
	v36 =	vmul.f32 v37, v19;
	v37 =	vperm.xlane v38, v4;
	_ =	sdelay $0x1  }
0x8c: {  	v35 =	vadd.f32 v36, v35;
	v36 =	vmul.f32 v37, v20;
	v37 =	vperm.xlane v38, v5;
	_ =	sdelay $0x1  }
0x8d: {  	v35 =	vadd.f32 v36, v35;
	v36 =	vmul.f32 v37, v22;
	v37 =	vperm.xlane v38, v6;
	_ =	sdelay $0x1  }
0x8e: {  	v35 =	vadd.f32 v36, v35;
	v36 =	vmul.f32 v37, v23;
	v37 =	vperm.xlane v38, v7;
	_ =	sdelay $0x1  }
0x8f: {  	v35 =	vadd.f32 v36, v35;
	v36 =	vmul.f32 v37, v24;
	v37 =	vperm.xlane v38, v8;
	_ =	sdelay $0x1  }
0x90: {  	v35 =	vadd.f32 v36, v35;
	v36 =	vmul.f32 v37, v25;
	v37 =	vperm.xlane v38, v9;
	_ =	sdelay $0x1  }
0x91: {  	v35 =	vadd.f32 v36, v35;
	v36 =	vmul.f32 v37, v26;
	v37 =	vperm.xlane v38, v10;
	_ =	sdelay $0x1  }
0x92: {  	v35 =	vadd.f32 v36, v35;
	v36 =	vmul.f32 v37, v27;
	v37 =	vperm.xlane v38, v11;
	_ =	sdelay $0x1  }
0x93: {  	v35 =	vadd.f32 v36, v35;
	v36 =	vmul.f32 v37, v28;
	v37 =	vperm.xlane v38, v12;
	_ =	sdelay $0x1  }
0x94: {  	v35 =	vadd.f32 v36, v35;
	v36 =	vmul.f32 v37, v29;
	v37 =	vperm.xlane v38, v13;
	_ =	sdelay $0x1  }
.Ltmp0:
0x95: {  	v35 =	vadd.f32 v36, v35;
	v36 =	vmul.f32 v37, v30;
	v37 =	vperm.xlane v38, v14;
	(pc) =	sbr.rel @p0 .LBB2_2-.Ltmp0, $4  }
0x96: {  	v39 =	vmov s21  }
0x97: {  	v40 =	vperm.xlane v38, v15;
	v36 =	vadd.f32 v36, v35;
	v37 =	vmul.f32 v37, v31  }
0x98: {  	v35 =	vmul.u32 $0x18, v39  }
0x99: {  	s21 =	sadd.s32 $0x1, s21;
	v38 =	vperm.xlane v38, v16;
	v36 =	vadd.f32 v37, v36;
	v37 =	vmul.f32 v40, v32  }
0x9a: {  	v35 =	vbroadcast v35, $0x0  }
0x9b: {  	v36 =	vadd.f32 v37, v36;
	v44 =	vmul.f32 v38, v33  }
0x9c: {  	v45 =	vadd.s32 $0x10, v35  }
0x9d: {  	v36 =	vadd.f32 v44, v36  }
0x9e: {  	s20 =	sadd.s32 $0x10, s20  }
0x9f: {  	s19 =	sadd.s32 $0x10, s19;
	[tilespmem:s20+$0x0] =	vst v36  }
0xa0: {  	[tilespmem:s19+$0x0] =	vst v34  }
0xa1: {  	v34 =	vld.idx.msk [tilespmem:v45+s12+$0x0], $0xffff  }
0xa2: {  	v36 =	vld.idx.msk [tilespmem:v45+s3+$0x0], $0xffff;
	_ =	sdelay $0x4  }
0xa3: {  	v35 =	vadd.s32 v0, v35;
	v34 =	vadd.f32 v34, v36;
	_ =	sdelay $0x1  }
0xa4: {  	v34 =	vmax.f32 v34, $1.000000000e+00  }
0xa5: {  	(erf) = vrcp.f32 v34;
	_ =	sdelay $0x1  }
0xa6: {  	v46 =	vld.idx.msk [tilespmem:v35+s12+$0x0], $0xffff  }
0xa7: {  	v35 =	vld.idx.msk [tilespmem:v35+s3+$0x0], $0xffff;
	_ =	sdelay $0x4  }
0xa8: {  	s18 =	sadd.s32 $0x10, s18;
	v34 =	vadd.f32 v46, v35  }
0xa9: {  	v47 =	vld [tilespmem:s18+$0x0];
	v48 =	vpop (erf)  }
0xaa: {  	v34 =	vmul.f32 v48, v34;
	_ =	sdelay $0x1  }
0xab: {  	v17 =	vadd.f32 v34, v17;
	_ =	sdelay $0x1  }
0xac: {  	v17 =	vadd.f32 v17, v47;
	_ =	sdelay $0x1  }
0xad: {  	v17 =	vmax.f32 v17, $0.0e+00  }
0xae: {  	v49 =	vperm.xlane v17, v1;
	_ =	sdelay $0x1  }
0xaf: {  	v50 =	vperm.xlane v17, v2;
	v21 =	vmul.f32 v49, v21;
	_ =	sdelay $0x1  }
0xb0: {  	v51 =	vperm.xlane v17, v3;
	v18 =	vmul.f32 v50, v18;
	v21 =	vadd.f32 $0.0e+00, v21;
	_ =	sdelay $0x1  }
0xb1: {  	v52 =	vperm.xlane v17, v4;
	v19 =	vmul.f32 v51, v19;
	v18 =	vadd.f32 v18, v21;
	_ =	sdelay $0x1  }
0xb2: {  	v53 =	vperm.xlane v17, v5;
	v18 =	vadd.f32 v19, v18;
	v19 =	vmul.f32 v52, v20;
	_ =	sdelay $0x1  }
0xb3: {  	v54 =	vperm.xlane v17, v6;
	v18 =	vadd.f32 v19, v18;
	v19 =	vmul.f32 v53, v22;
	_ =	sdelay $0x1  }
0xb4: {  	v55 =	vperm.xlane v17, v7;
	v18 =	vadd.f32 v19, v18;
	v19 =	vmul.f32 v54, v23;
	_ =	sdelay $0x1  }
0xb5: {  	v56 =	vperm.xlane v17, v8;
	v18 =	vadd.f32 v19, v18;
	v19 =	vmul.f32 v55, v24;
	_ =	sdelay $0x1  }
0xb6: {  	v57 =	vperm.xlane v17, v9;
	v18 =	vadd.f32 v19, v18;
	v19 =	vmul.f32 v56, v25;
	_ =	sdelay $0x1  }
0xb7: {  	v58 =	vperm.xlane v17, v10;
	v18 =	vadd.f32 v19, v18;
	v19 =	vmul.f32 v57, v26;
	_ =	sdelay $0x1  }
0xb8: {  	v59 =	vperm.xlane v17, v11;
	v18 =	vadd.f32 v19, v18;
	v19 =	vmul.f32 v58, v27;
	_ =	sdelay $0x1  }
0xb9: {  	v60 =	vperm.xlane v17, v12;
	v18 =	vadd.f32 v19, v18;
	v19 =	vmul.f32 v59, v28;
	_ =	sdelay $0x1  }
0xba: {  	v61 =	vperm.xlane v17, v13;
	v18 =	vadd.f32 v19, v18;
	v19 =	vmul.f32 v60, v29;
	_ =	sdelay $0x1  }
0xbb: {  	v62 =	vperm.xlane v17, v14;
	v18 =	vadd.f32 v19, v18;
	v19 =	vmul.f32 v61, v30;
	_ =	sdelay $0x1  }
0xbc: {  	v63 =	vperm.xlane v17, v15;
	v18 =	vadd.f32 v19, v18;
	v19 =	vmul.f32 v62, v31;
	_ =	sdelay $0x1  }
0xbd: {  	v17 =	vperm.xlane v17, v16;
	v18 =	vadd.f32 v19, v18;
	v19 =	vmul.f32 v63, v32;
	_ =	sdelay $0x1  }
0xbe: {  	v17 =	vmul.f32 v17, v33;
	v18 =	vadd.f32 v19, v18;
	_ =	sdelay $0x1  }
0xbf: {  	v17 =	vadd.f32 v17, v18  }
0xc0: {  	s30 =	sadd.s32 $0x10, s20  }
0xc1: {  	s31 =	sadd.s32 $0x10, s19;
	[tilespmem:s30+$0x0] =	vst v17  }
0xc2: {  	[tilespmem:s31+$0x0] =	vst v48  }
0xc3: {  	[hbm4b:s8+s3] =	stream.linear.scatter [tilespmem:s15], [sflag:$0x1], $0x1400, $0x38;
	[tilespmem:$0x7910] =	vst v63  }
0xc4: {  	s17 =	sadd.s32 $0x1, s17;
	_ =	swait.ge [sflag:s11], $0x1400  }
0xc5: {  	p0 =	sne.s32 s17, s10;
	[sflag:s11] =	ssyncset.done $0x0  }
.Ltmp1:
0xc6: {  	[sflag:s11] =	ssyncadd.s32 $0xFFFFEC00;
	(pc) =	sbr.rel @p0 .LBB2_1-.Ltmp1, $4  }
0xc7: {  	[hbm4b:s9+s3] =	stream.linear.scatter [tilespmem:s16], [sflag:$0x1], $0x1400, $0x38;
	[tilespmem:$0x7910] =	vst v63  }
0xc8: {  	_ =	swait.ge [sflag:s11], $0x1400  }
0xc9: {  	[sflag:s11] =	ssyncset.done $0x0  }
0xca: {  	[sflag:s11] =	ssyncadd.s32 $0xFFFFEC00  }
0xcb: {  	_ =	sfence.sel $0x180000  }
0xcc: {  	[bflag:$0x0] =	sbarrier.arrive $0xFFFF  }
0xcd: {  	p0 =	sne.s32 s0, $0x0;
	_ =	strace $0x9000004A  }
0xce: {  	s0 =	sadd.s32 @!p0 $0x100000, s1;
	[bflag:$0x2] =	sbarrier.arrive $0xFFFF  }
0xcf: {  	[sflag:s0] =	ssyncadd.tile.s32 @!p0 $0x1;
	_ =	shalt  }
.Lfunc_end2:
_tile_overlayer_lowered:
.L_overlay_start_2:
0xd0: {  	(tag) =	ssettag $0x2  }
0xd1: {  	s0 =	rddreg [dreg:$0x0];
	s2 =	stileid.u32  }
0xd2: {  	s1 =	rddreg [dreg:$0x1];
	p0 =	sne.s32 s2, $0x0  }
0xd3: {  	s3 =	rddreg [dreg:$0x2];
	[bflag:$0x3] =	sbarrier.arrive $0xFFFF;
	s2 =	simm.s32 @!p0 $0x1C01  }
0xd4: {  	[timem:s3], [sflag:s2] =	dma.local @!p0 [hbm:s0], s1  }
0xd5: {  	s0 =	simm.s32 @!p0 $0x1  }
0xd6: {  	_ =	swait.ge @!p0 [sflag:s0], s1  }
0xd7: {  	s1 =	ssub.s32 @!p0 $0x0, s1;
	[sflag:s0] =	ssyncset.done @!p0 $0x0  }
0xd8: {  	[sflag:s0] =	ssyncadd.s32 @!p0 s1  }
0xd9: {  	[bflag:$0x3] =	sbarrier.arrive $0xFFFF  }
0xda: {  	_ =	shalt  }

// kernel: kernel.13.cloned.1.call-start
scs
__scs_entry_jumppad:
0x0: {  	(pc) =	sbr.rel $0x88, $3  }
0x1: {  	(tag) =	ssettag $0x0;
	lr =	simm.s32 $0x1  }
0x2: {  	[smem:$0x3F99] =	sst lr;
	_ =	strace $0xD0000000  }
0x3: {  	_ = 	snop  }
0x4: {  	_ = 	snop  }
0x5: {  	_ = 	snop  }
0x6: {  	_ = 	snop  }
0x7: {  	_ = 	snop  }
__scs_overlays_trampoline_lowered:
0x8: {  	[smem:$0x3FA8] =	sst s0  }
0x9: {  	[smem:$0x3FA9] =	sst s1  }
0xa: {  	[smem:$0x3FAA] =	sst s2  }
0xb: {  	[smem:$0x3FAB] =	sst s3  }
0xc: {  	[smem:$0x3FAC] =	sst s4  }
0xd: {  	[smem:$0x3FAD] =	sst s5  }
0xe: {  	[smem:$0x3FAE] =	sst s6  }
0xf: {  	[smem:$0x3FAF] =	sst s7  }
0x10: {  	[smem:$0x3FB0] =	sst s8  }
0x11: {  	[smem:$0x3FB1] =	sst s9;
	s0 =	simm.s32 @!p0 $0x0  }
0x12: {  	s1 =	sld [smem:$0x3F97];
	s0 =	simm.s32 @p0 $0x1  }
0x13: {  	[smem:$0x3FB2] =	sst s0;
	s0 =	simm.s32 @!p1 $0x0  }
0x14: {  	s2 =	sld [smem:$0x3F96];
	s0 =	simm.s32 @p1 $0x1  }
0x15: {  	[smem:$0x3FB3] =	sst s0;
	s0 =	simm.s32 @!p2 $0x0  }
0x16: {  	s3 =	sld [smem:$0x3FDB];
	s0 =	simm.s32 @p2 $0x1  }
0x17: {  	s4 =	simm.s32 $0x1BF5;
	[smem:$0x3FB5] =	sst s0  }
0x18: {  	s0 =	sld [smem:$0x3F98];
	_ =	swait.ge [sflag:s4], $0x0  }
0x19: {  	s7 =	sld [smem:$0x3F99]  }
0x1a: {  	s8 =	sadd.s32 $0xFFFFE003, lr  }
0x1b: {  	s9 =	sadd.s32 $0xFFFFFEF7, lr;
	s5 =	simm.s32 $0xFFFFFFFF;
	p2 =	slt.u32 s8, $0xFFFFF086  }
0x1c: {  	p1 =	slt.u32 s9, $0xF7A;
	s5 =	simm.s32 @!p2 $0x0  }
0x1d: {  	s5 =	simm.s32 @p1 $0x1;
	p0 =	seq.s32 s7, s2  }
0x1e: {  	s7 =	smul.u32 @!p0 $0xF7A, s2;
	p2 =	seq.s32 @!p0 s5, $0x0  }
0x1f: {  	s9 =	smul.u32 $0xF7A, s1;
	s8 =	simm.s32 @!p0 $0x1BF5;
	p2 =	por !p2, p0  }
0x20: {  	[sflag:s8] =	ssyncset.s32 @!p0 $0xFFFFF086;
	s6 =	sadd.s32 @!p0 s3, s7;
	s7 =	simm.s32 @!p0 $0x108  }
0x21: {  	s3 =	sadd.s32 s3, s9;
	s6 =	sadd.s32 @!p0 $0x88, s6;
	s7 =	simm.s32 @p2 $0x1082  }
0x22: {  	[simem:s7], [sflag:s8] =	dma.local @!p0 [hbm:s6], $0xF7A  }
0x23: {  	s9 =	sor.u32 $0xD0000000, s2;
	s6 =	simm.s32 $0x108;
	_ =	swait.ge @!p0 [sflag:s8], $0x0  }
0x24: {  	s3 =	sadd.s32 $0x88, s3;
	s6 =	simm.s32 @!p1 $0x1082;
	[sflag:s4] =	ssyncset.s32 $0xFFFFF086  }
0x25: {  	[simem:s6], [sflag:s4] =	dma.local [hbm:s3], $0xF7A  }
0x26: {  	[smem:$0x3F99] =	sst s1;
	(tag) =	ssettag s2;
	_ =	strace s9  }
0x27: {  	s1 =	sld [smem:$0x3FA9]  }
0x28: {  	s2 =	sld [smem:$0x3FAA]  }
0x29: {  	s4 =	sld [smem:$0x3FAC]  }
0x2a: {  	p0 =	seq.s32 s5, $0x0;
	s5 =	sld [smem:$0x3FAD]  }
0x2b: {  	s6 =	sld [smem:$0x3FAE]  }
0x2c: {  	s7 =	sld [smem:$0x3FAF]  }
0x2d: {  	s3 =	simm.s32 $0x108;
	s8 =	sld [smem:$0x3FB0]  }
0x2e: {  	s3 =	simm.s32 @!p0 $0x1082;
	s9 =	sld [smem:$0x3FB1]  }
0x2f: {  	lr =	sadd.s32 s0, s3;
	s0 =	sld [smem:$0x3FA8]  }
0x30: {  	s3 =	sld [smem:$0x3FAB]  }
0x31: {  	[smem:$0x3FB4] =	sst s10  }
0x32: {  	s10 =	sld [smem:$0x3FB2];
	_ =	sdelay $0x3  }
0x33: {  	p0 =	seq.s32 s10, $0x1;
	s10 =	sld [smem:$0x3FB4];
	_ =	sdelay $0x3  }
0x34: {  	[smem:$0x3FB4] =	sst s10  }
0x35: {  	s10 =	sld [smem:$0x3FB3];
	_ =	sdelay $0x3  }
0x36: {  	p1 =	seq.s32 s10, $0x1;
	s10 =	sld [smem:$0x3FB4];
	_ =	sdelay $0x3  }
0x37: {  	[smem:$0x3FB4] =	sst s10  }
0x38: {  	s10 =	sld [smem:$0x3FB5]  }
0x39: {  	_ = 	snop;
	(pc) =	sbr.ind lr, $3  }
0x3a: {  	_ = 	snop  }
0x3b: {  	_ = 	snop  }
0x3c: {  	p2 =	seq.s32 s10, $0x1;
	s10 =	sld [smem:$0x3FB4]  }
0x3d: {  	_ =	shalt  }
0x3e: {  	_ =	shalt  }
0x3f: {  	_ =	shalt  }
0x40: {  	_ =	shalt  }
0x41: {  	_ =	shalt  }
0x42: {  	_ =	shalt  }
0x43: {  	_ =	shalt  }
0x44: {  	_ =	shalt  }
0x45: {  	_ =	shalt  }
0x46: {  	_ =	shalt  }
0x47: {  	_ =	shalt  }
0x48: {  	_ =	shalt  }
0x49: {  	_ =	shalt  }
0x4a: {  	_ =	shalt  }
0x4b: {  	_ =	shalt  }
0x4c: {  	_ =	shalt  }
0x4d: {  	_ =	shalt  }
0x4e: {  	_ =	shalt  }
0x4f: {  	_ =	shalt  }
0x50: {  	_ =	shalt  }
0x51: {  	_ =	shalt  }
0x52: {  	_ =	shalt  }
0x53: {  	_ =	shalt  }
0x54: {  	_ =	shalt  }
0x55: {  	_ =	shalt  }
0x56: {  	_ =	shalt  }
0x57: {  	_ =	shalt  }
0x58: {  	_ =	shalt  }
0x59: {  	_ =	shalt  }
0x5a: {  	_ =	shalt  }
0x5b: {  	_ =	shalt  }
0x5c: {  	_ =	shalt  }
0x5d: {  	_ =	shalt  }
0x5e: {  	_ =	shalt  }
0x5f: {  	_ =	shalt  }
0x60: {  	_ =	shalt  }
0x61: {  	_ =	shalt  }
0x62: {  	_ =	shalt  }
0x63: {  	_ =	shalt  }
0x64: {  	_ =	shalt  }
0x65: {  	_ =	shalt  }
0x66: {  	_ =	shalt  }
0x67: {  	_ =	shalt  }
0x68: {  	_ =	shalt  }
0x69: {  	_ =	shalt  }
0x6a: {  	_ =	shalt  }
0x6b: {  	_ =	shalt  }
0x6c: {  	_ =	shalt  }
0x6d: {  	_ =	shalt  }
0x6e: {  	_ =	shalt  }
0x6f: {  	_ =	shalt  }
0x70: {  	_ =	shalt  }
0x71: {  	_ =	shalt  }
0x72: {  	_ =	shalt  }
0x73: {  	_ =	shalt  }
0x74: {  	_ =	shalt  }
0x75: {  	_ =	shalt  }
0x76: {  	_ =	shalt  }
0x77: {  	_ =	shalt  }
0x78: {  	_ =	shalt  }
0x79: {  	_ =	shalt  }
0x7a: {  	_ =	shalt  }
0x7b: {  	_ =	shalt  }
0x7c: {  	_ =	shalt  }
0x7d: {  	_ =	shalt  }
0x7e: {  	_ =	shalt  }
0x7f: {  	_ =	shalt  }
0x80: {  	_ =	shalt  }
0x81: {  	_ =	shalt  }
0x82: {  	_ =	shalt  }
0x83: {  	_ =	shalt  }
0x84: {  	_ =	shalt  }
0x85: {  	_ =	shalt  }
0x86: {  	_ =	shalt  }
0x87: {  	_ =	shalt  }
.Lfunc_end0:
.L_simem_size_0:
called_computation.2_lowered:
.L_overlay_start_0:
0x88: {  	s2 =	sld [smem:$0x3FD9]  }
0x89: {  	s3 =	sld [smem:$0x3FFE];
	_ =	sdelay $0x1  }
0x8a: {  	s1 =	srdreg.scid  }
0x8b: {  	s0 =	sand.u32 $0x1, s1  }
0x8c: {  	s17 =	sshll.u32 s0, $0xA;
	s2 =	sadd.s32 s3, s2  }
0x8d: {  	s2 =	sadd.s32 s2, s17  }
0x8e: {  	[smem:$0x3FC0] =	sst s2  }
0x8f: {  	_ = 	snop  }
0x90: {  	s2 =	sld [smem:$0x3FD0];
	(tm) =	ssettm $0x1  }
0x91: {  	s18 =	sld [smem:$0x3FFB];
	_ =	sdelay $0x3  }
0x92: {  	_ =	strace s18  }
0x93: {  	s3 =	sld [smem:$0x3FFC];
	_ =	sdelay $0x3  }
0x94: {  	_ =	strace s3  }
0x95: {  	s3 =	sld [smem:$0x3FFD];
	_ =	sdelay $0x3  }
0x96: {  	_ =	strace s3  }
0x97: {  	_ =	strace $0x8FFFFFFF  }
0x98: {  	s19 =	sld [smem:$0x3FDB];
	_ =	sdelay $0x1  }
0x99: {  	s4 =	simm.s32 $_scs_section_size  }
0x9a: {  	s5 =	simm.s32 $_size__tile_overlayer_lowered;
	s6 =	simm.s32 $_tile_overlayer_lowered  }
0x9b: {  	s22 =	simm.s32 $0x1BFF;
	s21 =	sshll.u32 s6, $0x1;
	s3 =	sadd.s32 s4, s19  }
0x9c: {  	s7 =	simm.s32 $0x0;
	s20 =	sshll.u32 s5, $0x1;
	s5 =	sadd.s32 s21, s3  }
0x9d: {  	[timem:s7], [sflag:s22] =	dma.local [hbm:s5], s20  }
0x9e: {  	_ =	swait.ge [sflag:s22], s20  }
0x9f: {  	s4 =	ssub.s32 $0x0, s20;
	[sflag:s22] =	ssyncset.done $0x0  }
0xa0: {  	[sflag:s22] =	ssyncadd.s32 s4;
	_ =	sdelay $0x1  }
0xa1: {  	s23 =	simm.s32 $0x1B8B  }
0xa2: {  	_ =	swait.ge [sflag:s23], $0x1  }
0xa3: {  	[sflag:s23] =	ssyncset.done $0x0  }
0xa4: {  	s25 =	simm.s32 $0x1B8E;
	s24 =	sld [smem:$0x3FFE];
	[sflag:s23] =	ssyncadd.s32 $0xFFFFFFFF  }
0xa5: {  	s26 =	simm.s32 $execute0_lowered;
	[smem:$0x3FD2] =	sst s25  }
0xa6: {  	s5 =	sshll.u32 s26, $0x1;
	_ =	strace $0x8000004C;
	[dreg:$0x1] =	wrdreg $0xFFFFFFFF  }
0xa7: {  	s28 =	simm.s32 $_size_execute0_lowered;
	s3 =	sadd.s32 s3, s5;
	[dreg:$0x0] =	wrdreg $0x0  }
0xa8: {  	s5 =	sshll.u32 s28, $0x1;
	[dreg:$0x2] =	wrdreg s3  }
0xa9: {  	[dreg:$0x3] =	wrdreg s5  }
0xaa: {  	[dreg:$0x4] =	wrdreg $0xC0  }
0xab: {  	_ =	task [dreg:s7], $0x5FFFF  }
0xac: {  	[dreg:$0x1] =	wrdreg $0xFFFFFFFF  }
0xad: {  	[dreg:$0x0] =	wrdreg $0x60  }
0xae: {  	[dreg:$0x2] =	wrdreg s24  }
0xaf: {  	[dreg:$0x3] =	wrdreg s2  }
0xb0: {  	[dreg:$0x4] =	wrdreg $0x97400  }
0xb1: {  	[dreg:$0x5] =	wrdreg $0x9  }
0xb2: {  	_ =	task.clear_ibuf [dreg:s7], $0x6FFFF;
	_ =	strace $0x9000004C  }
0xb3: {  	s29 =	simm.s32 $0x9;
	_ =	strace $0x8000004E  }
0xb4: {  	_ =	swait.ge [sflag:s29], $0x1  }
0xb5: {  	[sflag:s29] =	ssyncadd.s32 $0xFFFFFFFF  }
0xb6: {  	_ =	strace $0x9000004E  }
0xb7: {  	_ =	sfence  }
0xb8: {  	s30 =	sld [smem:$0x0];
	_ =	sdelay $0x2  }
0xb9: {  	s31 =	sshll.u32 s1, $0xD;
	s1 =	sshrl.u32 s1, $0x2  }
0xba: {  	s3 =	sand.u32 $0x4000, s31;
	s1 =	sadd.s32 s1, s30  }
0xbb: {  	s0 =	sor.u32 s3, s0;
	s1 =	sshll.u32 s1, $0x11  }
0xbc: {  	s0 =	sor.u32 s1, s0  }
0xbd: {  	s0 =	sadd.s32 $0x8F2B, s0  }
0xbe: {  	[sflag:s0] =	ssyncadd.remote.s32 $0x1  }
0xbf: {  	_ =	sfence.sel $0xFFFF  }
0xc0: {  	[dreg:$0x0] =	wrdreg $0xFFFFFFFF;
	(pc) =	sbr.abs _section_cstart, $3  }
0xc1: {  	[dreg:$0x1] =	wrdreg $0xFFFFFFFF  }
0xc2: {  	_ =	task.clear_ibuf [dreg:s7], $0x2FFFF;
	_ =	strace $0x9FFFFFFF  }
0xc3: {  	(tm) =	ssettm $0x7FFFFFFF  }
tec
execute0_lowered:
.L_overlay_start_1:
0x0: {  	(tag) =	ssettag $0x1  }
0x1: {  	s0 =	rddreg [dreg:$0x0]  }
0x2: {  	s3 =	rddreg [dreg:$0x2]  }
0x3: {  	s1 =	srdreg.scid;
	s5 =	stileid.u32;
	s4 =	simm.s32 $0x0  }
0x4: {  	s11 =	simm.s32 $0x9;
	s12 =	simm.s32 $0x6F40;
	s13 =	simm.s32 $0x7D  }
0x5: {  	s17 =	simm.s32 $0x100;
	s18 =	simm.s32 $0x5FA0;
	s19 =	simm.s32 $0x180  }
0x6: {  	s20 =	simm.s32 $0x6770;
	s21 =	simm.s32 $0x5;
	s22 =	simm.s32 $0x6  }
0x7: {  	s23 =	simm.s32 $0x7;
	s24 =	simm.s32 $0x8;
	s25 =	simm.s32 $0x0  }
0x8: {  	s1 =	sand.u32 $0x1, s1;
	s2 =	smul.u32 $0x2800, s5;
	s5 =	sshll.u32 s5, $0x1  }
0x9: {  	[smem:$0x7FF] =	sst s4;
	s6 =	smul.u32 $0x28000, s1;
	s5 =	sor.u32 s1, s5  }
0xa: {  	_ =	strace $0x8000004D;
	s1 =	ssub.s32 $0x2, s1;
	s7 =	smul.u32 $0x500, s5  }
0xb: {  	s5 =	sadd.s32 $0x1800, s0;
	s31 =	sshrl.u32 s1, $0x1;
	s6 =	sadd.s32 s2, s6  }
0xc: {  	s8 =	sadd.s32 s2, s3;
	s1 =	ssub.s32 s1, s31;
	s6 =	sshrl.u32 s6, $0x3  }
0xd: {  	s7 =	sadd.s32 s7, s0;
	s10 =	smax.u32 s1, $0x1;
	s0 =	sadd.s32 s6, s0  }
0xe: {  	s6 =	sadd.s32 $0x9000, s7;
	s7 =	sadd.s32 $0x13000, s7;
	s9 =	sadd.s32 $0x1D000, s0  }
.LBB2_1:
0xf: {  	[tilespmem:s4], [sflag:$0x9] =	stream.linear.gather [hbm4b:s6+s4], $0x2800, $0x38;
	[tilespmem:$0xBF40] =	vst v63  }
0x10: {  	_ =	swait.ge [sflag:s11], $0x2800  }
0x11: {  	[sflag:s11] =	ssyncset.done $0x0  }
0x12: {  	s1 =	simm.s32 $0x2800;
	[sflag:s11] =	ssyncadd.s32 $0xFFFFD800  }
0x13: {  	[tilespmem:s1], [sflag:$0x9] =	stream.linear.gather [hbm4b:s7+s4], $0x2800, $0x38;
	[tilespmem:$0xBF40] =	vst v63  }
0x14: {  	_ =	swait.ge [sflag:s11], $0x2800  }
0x15: {  	[sflag:s11] =	ssyncset.done $0x0  }
0x16: {  	[sflag:s11] =	ssyncadd.s32 $0xFFFFD800  }
0x17: {  	s0 =	rddreg [dreg:$0x1]  }
0x18: {  	[tilespmem:s12], [sflag:$0x9] =	stream.linear.gather [hbm4b:s0+s4], $0x2800, $0x38;
	[tilespmem:$0xBF40] =	vst v63  }
0x19: {  	_ =	swait.ge [sflag:s11], $0x2800  }
0x1a: {  	[sflag:s11] =	ssyncset.done $0x0  }
0x1b: {  	[sflag:s11] =	ssyncadd.s32 $0xFFFFD800  }
0x1c: {  	[spmem:s8] =	stream.linear.scatter [tilespmem:s12], [sflag:$0x9], $0x2800, $0x38;
	[tilespmem:$0xBF40] =	vst v63  }
0x1d: {  	_ =	swait.ge [sflag:s11], $0x2800  }
0x1e: {  	[sflag:s11] =	ssyncset.done $0x0  }
0x1f: {  	[sflag:s11] =	ssyncadd.s32 $0xFFFFD800  }
0x20: {  	s15 =	simm.s32 $0x5000;
	[bflag:$0x0] =	sbarrier.arrive $0xFFFF  }
0x21: {  	[tilespmem:s15], [sflag:$0x1] =	stream.indirect.gather [hbm4b:s5+s13], $0x10, s4, s13, $0xb8;
	[tilespmem:$0xBF40] =	vst v63  }
0x22: {  	s16 =	simm.s32 $0x80;
	s2 =	simm.s32 $0x57D0  }
0x23: {  	[tilespmem:s2], [sflag:$0x2] =	stream.indirect.gather [hbm4b:s5+s13], $0x10, s16, s13, $0xb8;
	[tilespmem:$0xBF40] =	vst v63  }
0x24: {  	s26 =	sand.u32 $0x3, s4  }
0x25: {  	[tilespmem:s18], [sflag:$0x3] =	stream.indirect.gather [hbm4b:s5+s13], $0x10, s17, s13, $0xb8;
	[tilespmem:$0xBF40] =	vst v63  }
0x26: {  	s14 =	smul.u32 $0x1F40, s26;
	s29 =	sadd.s32 $0x1, s26  }
0x27: {  	[tilespmem:s20], [sflag:$0x4] =	stream.indirect.gather [hbm4b:s5+s13], $0x10, s19, s13, $0xb8;
	[tilespmem:$0xBF40] =	vst v63  }
0x28: {  	p0 =	por $0x0, $0x0;
	_ =	swait.ge [sflag:s29], $0x7D0  }
0x29: {  	s30 =	simm.s32 $0x200;
	s14 =	sshrl.u32 s14, $0x2;
	[sflag:s29] =	ssyncset.done $0x0  }
0x2a: {  	s26 =	sadd.s32 $0x5, s26;
	s2 =	sadd.s32 $0x5000, s14;
	[sflag:s29] =	ssyncadd.s32 $0xFFFFF830  }
0x2b: {  	[spmem:s3] =	stream.indirect.scatter.add.f32 [tilespmem:s2], [sflag:s26], $0x10, s1, s13, $0xb8;
	[tilespmem:$0xBF40] =	vst v63  }
0x2c: {  	s28 =	simm.s32 $0x2880;
	s0 =	simm.s32 $0x1;
	_ =	swait.ge @!p0 [sflag:s26], $0x7D0  }
0x2d: {  	s31 =	sand.u32 $0x3, s0;
	s14 =	simm.s32 @!p0 $0x7D;
	[sflag:s26] =	ssyncset.done @!p0 $0x0  }
0x2e: {  	s1 =	simm.s32 $0x2;
	[sflag:s26] =	ssyncadd.s32 @!p0 $0xFFFFF830;
	s26 =	simm.s32 $0x280  }
.LBB2_2:
0x2f: {  	[tilespmem:s2], [sflag:s29] =	stream.indirect.gather @!p0 [hbm4b:s5+s14], $0x10, s30, s14, $0xb8;
	[tilespmem:$0xBF40] =	vst v63  }
0x30: {  	s14 =	smov.u32 s1;
	s30 =	smov.u32 s26;
	s15 =	sand.u32 $0x3, s1  }
0x31: {  	s2 =	smul.u32 $0x1F40, s31;
	s29 =	sadd.s32 $0x1, s31;
	s1 =	sadd.s32 $0x1, s1  }
0x32: {  	p0 =	sgt.u32 s0, $0x4B;
	s16 =	sadd.s32 $0x5, s31;
	_ =	swait.ge [sflag:s29], $0x7D0  }
0x33: {  	p1 =	sne.s32 s1, $0x50;
	s0 =	sshrl.u32 s2, $0x2;
	[sflag:s29] =	ssyncset.done $0x0  }
.Ltmp0:
0x34: {  	s2 =	sadd.s32 $0x5000, s0;
	[sflag:s29] =	ssyncadd.s32 $0xFFFFF830;
	(pc) =	sbr.rel @p1 .LBB2_2-.Ltmp0, $4  }
0x35: {  	[spmem:s3] =	stream.indirect.scatter.add.f32 [tilespmem:s2], [sflag:s16], $0x10, s28, s13, $0xb8;
	[tilespmem:$0xBF40] =	vst v63  }
0x36: {  	s31 =	smov.u32 s15;
	_ =	swait.ge @!p0 [sflag:s16], $0x7D0  }
0x37: {  	s0 =	smov.u32 s14;
	s28 =	sadd.s32 $0x80, s28;
	[sflag:s16] =	ssyncset.done @!p0 $0x0  }
0x38: {  	s26 =	sadd.s32 $0x80, s26;
	s14 =	simm.s32 @!p0 $0x7D;
	[sflag:s16] =	ssyncadd.s32 @!p0 $0xFFFFF830  }
0x39: {  	[tilespmem:s2], [sflag:s29] =	stream.indirect.gather @!p0 [hbm4b:s5+s14], $0x10, s30, s14, $0xb8;
	[tilespmem:$0xBF40] =	vst v63  }
0x3a: {  	s1 =	smul.u32 $0x1F40, s31;
	s2 =	sadd.s32 $0x1, s31  }
0x3b: {  	_ =	swait.ge [sflag:s2], $0x7D0  }
0x3c: {  	p0 =	sgt.u32 s0, $0x4B;
	s30 =	sshrl.u32 s1, $0x2;
	[sflag:s2] =	ssyncset.done $0x0  }
0x3d: {  	s1 =	sadd.s32 $0x5, s31;
	s0 =	sadd.s32 $0x5000, s30;
	[sflag:s2] =	ssyncadd.s32 $0xFFFFF830  }
0x3e: {  	[spmem:s3] =	stream.indirect.scatter.add.f32 [tilespmem:s0], [sflag:s1], $0x10, s28, s13, $0xb8;
	[tilespmem:$0xBF40] =	vst v63  }
0x3f: {  	_ =	swait.ge @!p0 [sflag:s1], $0x7D0  }
0x40: {  	[sflag:s1] =	ssyncset.done @!p0 $0x0  }
0x41: {  	[sflag:s1] =	ssyncadd.s32 @!p0 $0xFFFFF830;
	s1 =	simm.s32 @!p0 $0x7D  }
0x42: {  	[tilespmem:s0], [sflag:s2] =	stream.indirect.gather @!p0 [hbm4b:s5+s1], $0x10, s26, s1, $0xb8;
	[tilespmem:$0xBF40] =	vst v63  }
0x43: {  	_ =	swait.ge [sflag:s21], $0x7D0  }
0x44: {  	[sflag:s21] =	ssyncset.done $0x0  }
0x45: {  	[sflag:s21] =	ssyncadd.s32 $0xFFFFF830  }
0x46: {  	_ =	swait.ge [sflag:s22], $0x7D0  }
0x47: {  	[sflag:s22] =	ssyncset.done $0x0  }
0x48: {  	[sflag:s22] =	ssyncadd.s32 $0xFFFFF830  }
0x49: {  	_ =	swait.ge [sflag:s23], $0x7D0  }
0x4a: {  	[sflag:s23] =	ssyncset.done $0x0  }
0x4b: {  	[sflag:s23] =	ssyncadd.s32 $0xFFFFF830  }
0x4c: {  	_ =	swait.ge [sflag:s24], $0x7D0  }
0x4d: {  	[sflag:s24] =	ssyncset.done $0x0  }
0x4e: {  	[sflag:s24] =	ssyncadd.s32 $0xFFFFF830  }
0x4f: {  	[bflag:$0x0] =	sbarrier.arrive $0xFFFF  }
0x50: {  	[tilespmem:s12], [sflag:$0x9] =	stream.linear.gather [spmem:s8], $0x2800, $0x38;
	[tilespmem:$0xBF40] =	vst v63  }
0x51: {  	s25 =	sadd.s32 $0x1, s25;
	_ =	swait.ge [sflag:s11], $0x2800  }
0x52: {  	p0 =	sne.s32 s25, s10;
	[sflag:s11] =	ssyncset.done $0x0  }
.Ltmp1:
0x53: {  	[sflag:s11] =	ssyncadd.s32 $0xFFFFD800;
	(pc) =	sbr.rel @p0 .LBB2_1-.Ltmp1, $4  }
0x54: {  	[hbm4b:s9+s4] =	stream.linear.scatter [tilespmem:s12], [sflag:$0x9], $0x2800, $0x38;
	[tilespmem:$0xBF40] =	vst v63  }
0x55: {  	_ =	swait.ge [sflag:s11], $0x2800  }
0x56: {  	[sflag:s11] =	ssyncset.done $0x0  }
0x57: {  	[sflag:s11] =	ssyncadd.s32 $0xFFFFD800  }
0x58: {  	_ =	sfence.sel $0x180000  }
0x59: {  	[bflag:$0x0] =	sbarrier.arrive $0xFFFF  }
0x5a: {  	_ =	strace $0x9000004D  }
0x5b: {  	s0 =	stileid.u32;
	[bflag:$0x2] =	sbarrier.arrive $0xFFFF  }
0x5c: {  	p0 =	sne.s32 s0, $0x0;
	s0 =	rddreg [dreg:$0x3]  }
0x5d: {  	s0 =	sadd.s32 @!p0 $0x100000, s0  }
0x5e: {  	[sflag:s0] =	ssyncadd.tile.s32 @!p0 $0x1;
	_ =	shalt  }
.Lfunc_end2:
_tile_overlayer_lowered:
.L_overlay_start_2:
0x5f: {  	(tag) =	ssettag $0x2  }
0x60: {  	s0 =	rddreg [dreg:$0x0];
	s2 =	stileid.u32  }
0x61: {  	s1 =	rddreg [dreg:$0x1];
	p0 =	sne.s32 s2, $0x0  }
0x62: {  	s3 =	rddreg [dreg:$0x2];
	[bflag:$0x3] =	sbarrier.arrive $0xFFFF;
	s2 =	simm.s32 @!p0 $0x1C09  }
0x63: {  	[timem:s3], [sflag:s2] =	dma.local @!p0 [hbm:s0], s1  }
0x64: {  	s0 =	simm.s32 @!p0 $0x9  }
0x65: {  	_ =	swait.ge @!p0 [sflag:s0], s1  }
0x66: {  	s1 =	ssub.s32 @!p0 $0x0, s1;
	[sflag:s0] =	ssyncset.done @!p0 $0x0  }
0x67: {  	[sflag:s0] =	ssyncadd.s32 @!p0 s1  }
0x68: {  	[bflag:$0x3] =	sbarrier.arrive $0xFFFF  }
0x69: {  	_ =	shalt  }

// kernel: kernel.16.cloned.1.call-start
scs
__scs_entry_jumppad:
0x0: {  	(pc) =	sbr.rel $0x88, $3  }
0x1: {  	(tag) =	ssettag $0x0;
	lr =	simm.s32 $0x1  }
0x2: {  	[smem:$0x3F99] =	sst lr;
	_ =	strace $0xD0000000  }
0x3: {  	_ = 	snop  }
0x4: {  	_ = 	snop  }
0x5: {  	_ = 	snop  }
0x6: {  	_ = 	snop  }
0x7: {  	_ = 	snop  }
__scs_overlays_trampoline_lowered:
0x8: {  	[smem:$0x3FA8] =	sst s0  }
0x9: {  	[smem:$0x3FA9] =	sst s1  }
0xa: {  	[smem:$0x3FAA] =	sst s2  }
0xb: {  	[smem:$0x3FAB] =	sst s3  }
0xc: {  	[smem:$0x3FAC] =	sst s4  }
0xd: {  	[smem:$0x3FAD] =	sst s5  }
0xe: {  	[smem:$0x3FAE] =	sst s6  }
0xf: {  	[smem:$0x3FAF] =	sst s7  }
0x10: {  	[smem:$0x3FB0] =	sst s8  }
0x11: {  	[smem:$0x3FB1] =	sst s9;
	s0 =	simm.s32 @!p0 $0x0  }
0x12: {  	s1 =	sld [smem:$0x3F97];
	s0 =	simm.s32 @p0 $0x1  }
0x13: {  	[smem:$0x3FB2] =	sst s0;
	s0 =	simm.s32 @!p1 $0x0  }
0x14: {  	s2 =	sld [smem:$0x3F96];
	s0 =	simm.s32 @p1 $0x1  }
0x15: {  	[smem:$0x3FB3] =	sst s0;
	s0 =	simm.s32 @!p2 $0x0  }
0x16: {  	s3 =	sld [smem:$0x3FDB];
	s0 =	simm.s32 @p2 $0x1  }
0x17: {  	s4 =	simm.s32 $0x1BF5;
	[smem:$0x3FB5] =	sst s0  }
0x18: {  	s0 =	sld [smem:$0x3F98];
	_ =	swait.ge [sflag:s4], $0x0  }
0x19: {  	s7 =	sld [smem:$0x3F99]  }
0x1a: {  	s8 =	sadd.s32 $0xFFFFE003, lr  }
0x1b: {  	s9 =	sadd.s32 $0xFFFFFEF7, lr;
	s5 =	simm.s32 $0xFFFFFFFF;
	p2 =	slt.u32 s8, $0xFFFFF086  }
0x1c: {  	p1 =	slt.u32 s9, $0xF7A;
	s5 =	simm.s32 @!p2 $0x0  }
0x1d: {  	s5 =	simm.s32 @p1 $0x1;
	p0 =	seq.s32 s7, s2  }
0x1e: {  	s7 =	smul.u32 @!p0 $0xF7A, s2;
	p2 =	seq.s32 @!p0 s5, $0x0  }
0x1f: {  	s9 =	smul.u32 $0xF7A, s1;
	s8 =	simm.s32 @!p0 $0x1BF5;
	p2 =	por !p2, p0  }
0x20: {  	[sflag:s8] =	ssyncset.s32 @!p0 $0xFFFFF086;
	s6 =	sadd.s32 @!p0 s3, s7;
	s7 =	simm.s32 @!p0 $0x108  }
0x21: {  	s3 =	sadd.s32 s3, s9;
	s6 =	sadd.s32 @!p0 $0x88, s6;
	s7 =	simm.s32 @p2 $0x1082  }
0x22: {  	[simem:s7], [sflag:s8] =	dma.local @!p0 [hbm:s6], $0xF7A  }
0x23: {  	s9 =	sor.u32 $0xD0000000, s2;
	s6 =	simm.s32 $0x108;
	_ =	swait.ge @!p0 [sflag:s8], $0x0  }
0x24: {  	s3 =	sadd.s32 $0x88, s3;
	s6 =	simm.s32 @!p1 $0x1082;
	[sflag:s4] =	ssyncset.s32 $0xFFFFF086  }
0x25: {  	[simem:s6], [sflag:s4] =	dma.local [hbm:s3], $0xF7A  }
0x26: {  	[smem:$0x3F99] =	sst s1;
	(tag) =	ssettag s2;
	_ =	strace s9  }
0x27: {  	s1 =	sld [smem:$0x3FA9]  }
0x28: {  	s2 =	sld [smem:$0x3FAA]  }
0x29: {  	s4 =	sld [smem:$0x3FAC]  }
0x2a: {  	p0 =	seq.s32 s5, $0x0;
	s5 =	sld [smem:$0x3FAD]  }
0x2b: {  	s6 =	sld [smem:$0x3FAE]  }
0x2c: {  	s7 =	sld [smem:$0x3FAF]  }
0x2d: {  	s3 =	simm.s32 $0x108;
	s8 =	sld [smem:$0x3FB0]  }
0x2e: {  	s3 =	simm.s32 @!p0 $0x1082;
	s9 =	sld [smem:$0x3FB1]  }
0x2f: {  	lr =	sadd.s32 s0, s3;
	s0 =	sld [smem:$0x3FA8]  }
0x30: {  	s3 =	sld [smem:$0x3FAB]  }
0x31: {  	[smem:$0x3FB4] =	sst s10  }
0x32: {  	s10 =	sld [smem:$0x3FB2];
	_ =	sdelay $0x3  }
0x33: {  	p0 =	seq.s32 s10, $0x1;
	s10 =	sld [smem:$0x3FB4];
	_ =	sdelay $0x3  }
0x34: {  	[smem:$0x3FB4] =	sst s10  }
0x35: {  	s10 =	sld [smem:$0x3FB3];
	_ =	sdelay $0x3  }
0x36: {  	p1 =	seq.s32 s10, $0x1;
	s10 =	sld [smem:$0x3FB4];
	_ =	sdelay $0x3  }
0x37: {  	[smem:$0x3FB4] =	sst s10  }
0x38: {  	s10 =	sld [smem:$0x3FB5]  }
0x39: {  	_ = 	snop;
	(pc) =	sbr.ind lr, $3  }
0x3a: {  	_ = 	snop  }
0x3b: {  	_ = 	snop  }
0x3c: {  	p2 =	seq.s32 s10, $0x1;
	s10 =	sld [smem:$0x3FB4]  }
0x3d: {  	_ =	shalt  }
0x3e: {  	_ =	shalt  }
0x3f: {  	_ =	shalt  }
0x40: {  	_ =	shalt  }
0x41: {  	_ =	shalt  }
0x42: {  	_ =	shalt  }
0x43: {  	_ =	shalt  }
0x44: {  	_ =	shalt  }
0x45: {  	_ =	shalt  }
0x46: {  	_ =	shalt  }
0x47: {  	_ =	shalt  }
0x48: {  	_ =	shalt  }
0x49: {  	_ =	shalt  }
0x4a: {  	_ =	shalt  }
0x4b: {  	_ =	shalt  }
0x4c: {  	_ =	shalt  }
0x4d: {  	_ =	shalt  }
0x4e: {  	_ =	shalt  }
0x4f: {  	_ =	shalt  }
0x50: {  	_ =	shalt  }
0x51: {  	_ =	shalt  }
0x52: {  	_ =	shalt  }
0x53: {  	_ =	shalt  }
0x54: {  	_ =	shalt  }
0x55: {  	_ =	shalt  }
0x56: {  	_ =	shalt  }
0x57: {  	_ =	shalt  }
0x58: {  	_ =	shalt  }
0x59: {  	_ =	shalt  }
0x5a: {  	_ =	shalt  }
0x5b: {  	_ =	shalt  }
0x5c: {  	_ =	shalt  }
0x5d: {  	_ =	shalt  }
0x5e: {  	_ =	shalt  }
0x5f: {  	_ =	shalt  }
0x60: {  	_ =	shalt  }
0x61: {  	_ =	shalt  }
0x62: {  	_ =	shalt  }
0x63: {  	_ =	shalt  }
0x64: {  	_ =	shalt  }
0x65: {  	_ =	shalt  }
0x66: {  	_ =	shalt  }
0x67: {  	_ =	shalt  }
0x68: {  	_ =	shalt  }
0x69: {  	_ =	shalt  }
0x6a: {  	_ =	shalt  }
0x6b: {  	_ =	shalt  }
0x6c: {  	_ =	shalt  }
0x6d: {  	_ =	shalt  }
0x6e: {  	_ =	shalt  }
0x6f: {  	_ =	shalt  }
0x70: {  	_ =	shalt  }
0x71: {  	_ =	shalt  }
0x72: {  	_ =	shalt  }
0x73: {  	_ =	shalt  }
0x74: {  	_ =	shalt  }
0x75: {  	_ =	shalt  }
0x76: {  	_ =	shalt  }
0x77: {  	_ =	shalt  }
0x78: {  	_ =	shalt  }
0x79: {  	_ =	shalt  }
0x7a: {  	_ =	shalt  }
0x7b: {  	_ =	shalt  }
0x7c: {  	_ =	shalt  }
0x7d: {  	_ =	shalt  }
0x7e: {  	_ =	shalt  }
0x7f: {  	_ =	shalt  }
0x80: {  	_ =	shalt  }
0x81: {  	_ =	shalt  }
0x82: {  	_ =	shalt  }
0x83: {  	_ =	shalt  }
0x84: {  	_ =	shalt  }
0x85: {  	_ =	shalt  }
0x86: {  	_ =	shalt  }
0x87: {  	_ =	shalt  }
.Lfunc_end0:
.L_simem_size_0:
called_computation.3_lowered:
.L_overlay_start_0:
0x88: {  	s2 =	sld [smem:$0x3FD9]  }
0x89: {  	s3 =	sld [smem:$0x3FFE];
	_ =	sdelay $0x1  }
0x8a: {  	s1 =	srdreg.scid  }
0x8b: {  	s0 =	sand.u32 $0x1, s1  }
0x8c: {  	s16 =	sshll.u32 s0, $0xA;
	s2 =	sadd.s32 s3, s2  }
0x8d: {  	s2 =	sadd.s32 s2, s16  }
0x8e: {  	[smem:$0x3FC0] =	sst s2  }
0x8f: {  	_ = 	snop  }
0x90: {  	(tm) =	ssettm $0x1  }
0x91: {  	s17 =	sld [smem:$0x3FFB];
	_ =	sdelay $0x3  }
0x92: {  	_ =	strace s17  }
0x93: {  	s2 =	sld [smem:$0x3FFC];
	_ =	sdelay $0x3  }
0x94: {  	_ =	strace s2  }
0x95: {  	s2 =	sld [smem:$0x3FFD];
	_ =	sdelay $0x3  }
0x96: {  	_ =	strace s2  }
0x97: {  	_ =	strace $0x8FFFFFFF  }
0x98: {  	s18 =	sld [smem:$0x3FDB];
	_ =	sdelay $0x1  }
0x99: {  	s19 =	simm.s32 $_scs_section_size  }
0x9a: {  	s4 =	simm.s32 $_size__tile_overlayer_lowered;
	s5 =	simm.s32 $_tile_overlayer_lowered  }
0x9b: {  	s22 =	simm.s32 $0x1BFF;
	s21 =	sshll.u32 s5, $0x1;
	s2 =	sadd.s32 s19, s18  }
0x9c: {  	s6 =	simm.s32 $0x0;
	s20 =	sshll.u32 s4, $0x1;
	s4 =	sadd.s32 s21, s2  }
0x9d: {  	[timem:s6], [sflag:s22] =	dma.local [hbm:s4], s20  }
0x9e: {  	_ =	swait.ge [sflag:s22], s20  }
0x9f: {  	s3 =	ssub.s32 $0x0, s20;
	[sflag:s22] =	ssyncset.done $0x0  }
0xa0: {  	[sflag:s22] =	ssyncadd.s32 s3;
	_ =	sdelay $0x1  }
0xa1: {  	s23 =	simm.s32 $0x1B8B  }
0xa2: {  	_ =	swait.ge [sflag:s23], $0x1  }
0xa3: {  	[sflag:s23] =	ssyncset.done $0x0  }
0xa4: {  	s25 =	simm.s32 $0x1B8E;
	s24 =	sld [smem:$0x3FFE];
	[sflag:s23] =	ssyncadd.s32 $0xFFFFFFFF  }
0xa5: {  	s26 =	simm.s32 $execute0_lowered;
	[smem:$0x3FD2] =	sst s25  }
0xa6: {  	s4 =	sshll.u32 s26, $0x1;
	_ =	strace $0x8000004F;
	[dreg:$0x1] =	wrdreg $0xFFFFFFFF  }
0xa7: {  	s28 =	simm.s32 $_size_execute0_lowered;
	s2 =	sadd.s32 s2, s4;
	[dreg:$0x0] =	wrdreg $0x0  }
0xa8: {  	s4 =	sshll.u32 s28, $0x1;
	[dreg:$0x2] =	wrdreg s2  }
0xa9: {  	[dreg:$0x3] =	wrdreg s4  }
0xaa: {  	[dreg:$0x4] =	wrdreg $0xC0  }
0xab: {  	_ =	task [dreg:s6], $0x5FFFF  }
0xac: {  	[dreg:$0x1] =	wrdreg $0xFFFFFFFF  }
0xad: {  	[dreg:$0x0] =	wrdreg $0x60  }
0xae: {  	[dreg:$0x2] =	wrdreg s24  }
0xaf: {  	[dreg:$0x3] =	wrdreg $0x9  }
0xb0: {  	_ =	task.clear_ibuf [dreg:s6], $0x4FFFF;
	_ =	strace $0x9000004F  }
0xb1: {  	s29 =	simm.s32 $0x9;
	_ =	strace $0x80000051  }
0xb2: {  	_ =	swait.ge [sflag:s29], $0x1  }
0xb3: {  	[sflag:s29] =	ssyncadd.s32 $0xFFFFFFFF  }
0xb4: {  	_ =	strace $0x90000051  }
0xb5: {  	_ =	sfence  }
0xb6: {  	s30 =	sld [smem:$0x0];
	_ =	sdelay $0x2  }
0xb7: {  	s31 =	sshll.u32 s1, $0xD;
	s1 =	sshrl.u32 s1, $0x2  }
0xb8: {  	s3 =	sand.u32 $0x4000, s31;
	s1 =	sadd.s32 s1, s30  }
0xb9: {  	s0 =	sor.u32 s3, s0;
	s1 =	sshll.u32 s1, $0x11  }
0xba: {  	s0 =	sor.u32 s1, s0  }
0xbb: {  	s0 =	sadd.s32 $0x8F2B, s0  }
0xbc: {  	[sflag:s0] =	ssyncadd.remote.s32 $0x1  }
0xbd: {  	_ =	sfence.sel $0xFFFF  }
0xbe: {  	[dreg:$0x0] =	wrdreg $0xFFFFFFFF;
	(pc) =	sbr.abs _section_cstart, $3  }
0xbf: {  	[dreg:$0x1] =	wrdreg $0xFFFFFFFF  }
0xc0: {  	_ =	task.clear_ibuf [dreg:s6], $0x2FFFF;
	_ =	strace $0x9FFFFFFF  }
0xc1: {  	(tm) =	ssettm $0x7FFFFFFF  }
tec
execute0_lowered:
.L_overlay_start_1:
0x0: {  	(tag) =	ssettag $0x1  }
0x1: {  	s1 =	srdreg.scid  }
0x2: {  	s0 =	stileid.u32;
	s4 =	rddreg [dreg:$0x0];
	s2 =	simm.s32 $0x0  }
0x3: {  	s10 =	simm.s32 $0x1;
	s3 =	sand.u32 $0x1, s1;
	s30 =	sshll.u32 s0, $0x1  }
0x4: {  	s11 =	simm.s32 $0x2800;
	s12 =	simm.s32 $0x5000;
	s5 =	sor.u32 s3, s30  }
0x5: {  	v0 =	vimm.s32 $0x76543210;
	s13 =	simm.s32 $0x5010;
	s1 =	rddreg [dreg:$0x1];
	s5 =	smul.u32 $0x1400, s5  }
0x6: {  	s14 =	simm.s32 $0x0;
	[smem:$0x7FF] =	sst s2;
	v0 =	vunpack.c.l.s4.s8 v0;
	s6 =	ssub.s32 $0x2, s3  }
0x7: {  	_ =	strace $0x80000050;
	s31 =	sshrl.u32 s6, $0x1;
	s5 =	sshrl.u32 s5, $0x3  }
0x8: {  	s3 =	sadd.s32 $0x6800, s4;
	v0 =	vunpack.c.0.s8.s32 v0;
	s9 =	ssub.s32 s6, s31;
	s8 =	sadd.s32 s5, s4  }
0x9: {  	vm0 =	vcmask $0x1F00;
	s9 =	smax.u32 s9, $0x1;
	s4 =	sadd.s32 $0x1D000, s8;
	s5 =	sadd.s32 $0x22000, s8  }
0xa: {  	v0 =	vnsel vm0, $0x7, v0;
	s6 =	sadd.s32 $0x1800, s8;
	s7 =	sadd.s32 $0x31200, s8;
	s8 =	sadd.s32 $0x27000, s8  }
.LBB2_1:
0xb: {  	[tilespmem:s2], [sflag:$0x1] =	stream.linear.gather [hbm4b:s4+s2], $0x1400, $0x38;
	[tilespmem:$0x6410] =	vst v63  }
0xc: {  	_ =	swait.ge [sflag:s10], $0x1400  }
0xd: {  	[sflag:s10] =	ssyncset.done $0x0  }
0xe: {  	s15 =	simm.s32 $0x1400;
	[sflag:s10] =	ssyncadd.s32 $0xFFFFEC00  }
0xf: {  	[tilespmem:s15], [sflag:$0x1] =	stream.linear.gather [hbm4b:s5+s2], $0x1400, $0x38;
	[tilespmem:$0x6410] =	vst v63  }
0x10: {  	_ =	swait.ge [sflag:s10], $0x1400  }
0x11: {  	[sflag:s10] =	ssyncset.done $0x0  }
0x12: {  	[sflag:s10] =	ssyncadd.s32 $0xFFFFEC00  }
0x13: {  	[tilespmem:s11], [sflag:$0x1] =	stream.linear.gather [hbm4b:s6+s2], $0x1400, $0x38;
	[tilespmem:$0x6410] =	vst v63  }
0x14: {  	_ =	swait.ge [sflag:s10], $0x1400  }
0x15: {  	[sflag:s10] =	ssyncset.done $0x0  }
0x16: {  	s16 =	simm.s32 $0x3C00;
	[sflag:s10] =	ssyncadd.s32 $0xFFFFEC00  }
0x17: {  	[tilespmem:s16], [sflag:$0x1] =	stream.linear.gather [hbm4b:s7+s2], $0x1400, $0x38;
	[tilespmem:$0x6410] =	vst v63  }
0x18: {  	_ =	swait.ge [sflag:s10], $0x1400  }
0x19: {  	[sflag:s10] =	ssyncset.done $0x0  }
0x1a: {  	[sflag:s10] =	ssyncadd.s32 $0xFFFFEC00  }
0x1b: {  	[tilespmem:s12], [sflag:$0x1] =	stream.linear.gather [hbm4b:s3+s2], $0x10, $0x38;
	[tilespmem:$0x6410] =	vst v63  }
0x1c: {  	s17 =	simm.s32 $0x0;
	_ =	swait.ge [sflag:s10], $0x10  }
0x1d: {  	v1 =	vmov s17;
	[sflag:s10] =	ssyncset.done $0x0  }
0x1e: {  	v1 =	vor.u32 $0x8, v1;
	[sflag:s10] =	ssyncadd.s32 $0xFFFFFFF0  }
0x1f: {  	v1 =	vbroadcast v1, $0x0;
	v2 =	vld [tilespmem:s15+$0x0]  }
0x20: {  	v3 =	vld [tilespmem:s2+$0x0]  }
0x21: {  	v4 =	vor.u32 v0, v1  }
0x22: {  	v5 =	vld [tilespmem:s16+$0x0];
	_ =	sdelay $0x1  }
0x23: {  	v1 =	vld [tilespmem:$0x5000]  }
0x24: {  	v2 =	vadd.f32 v2, v3  }
0x25: {  	v3 =	vld.idx.msk [tilespmem:v4+s11+$0x0], $0xffff  }
0x26: {  	v2 =	vmul.f32 v5, v2;
	_ =	sdelay $0x1  }
0x27: {  	v2 =	vadd.f32 v2, v1;
	_ =	sdelay $0x1  }
0x28: {  	v2 =	vadd.f32 v2, v3  }
0x29: {  	s31 =	simm.s32 $0x10  }
0x2a: {  	s15 =	simm.s32 $0x1410;
	v3 =	vmov s31;
	[tilespmem:s13+$0x0] =	vst v2  }
0x2b: {  	s16 =	simm.s32 $0x10;
	v3 =	vor.u32 $0x8, v3;
	v2 =	vld [tilespmem:s15+$0x0]  }
0x2c: {  	v3 =	vbroadcast v3, $0x0;
	v4 =	vld [tilespmem:s16+$0x0]  }
0x2d: {  	s17 =	simm.s32 $0x3C10  }
0x2e: {  	v5 =	vld [tilespmem:s17+$0x0];
	v3 =	vor.u32 v0, v3;
	_ =	sdelay $0x2  }
0x2f: {  	v2 =	vadd.f32 v2, v4;
	_ =	sdelay $0x1  }
0x30: {  	v4 =	vmul.f32 v5, v2;
	v2 =	vld.idx.msk [tilespmem:v3+s11+$0x0], $0xffff;
	_ =	sdelay $0x2  }
0x31: {  	v3 =	vadd.f32 v4, v1  }
0x32: {  	s20 =	simm.s32 $0x20;
	s19 =	simm.s32 $0x3;
	s18 =	simm.s32 $0x5010  }
.LBB2_2:
0x33: {  	p0 =	sne.s32 s19, $0x13F;
	v4 =	vmov s20;
	v2 =	vadd.f32 v3, v2  }
0x34: {  	s18 =	sadd.s32 $0x10, s18;
	v3 =	vor.u32 $0x8, v4  }
0x35: {  	s15 =	sadd.s32 $0x10, s15;
	v3 =	vbroadcast v3, $0x0;
	[tilespmem:s18+$0x0] =	vst v2  }
0x36: {  	s16 =	sadd.s32 $0x10, s16;
	v2 =	vld [tilespmem:s15+$0x0]  }
0x37: {  	v4 =	vld [tilespmem:s16+$0x0];
	v3 =	vor.u32 v0, v3  }
0x38: {  	s17 =	sadd.s32 $0x10, s17  }
0x39: {  	v5 =	vld [tilespmem:s17+$0x0];
	_ =	sdelay $0x2  }
0x3a: {  	v4 =	vadd.f32 v2, v4;
	v2 =	vld.idx.msk [tilespmem:v3+s11+$0x0], $0xffff  }
.Ltmp0:
0x3b: {  	(pc) =	sbr.rel @p0 .LBB2_2-.Ltmp0, $3  }
0x3c: {  	v3 =	vmul.f32 v5, v4;
	_ =	sdelay $0x1  }
0x3d: {  	v3 =	vadd.f32 v3, v1  }
0x3e: {  	s20 =	sshll.u32 s19, $0x4;
	s19 =	sadd.s32 $0x1, s19  }
0x3f: {  	v2 =	vadd.f32 v3, v2  }
0x40: {  	v3 =	vmov s20;
	s18 =	sadd.s32 $0x10, s18  }
0x41: {  	s15 =	sadd.s32 $0x10, s15;
	v3 =	vor.u32 $0x8, v3;
	[tilespmem:s18+$0x0] =	vst v2  }
0x42: {  	s29 =	sadd.s32 $0x10, s16;
	v2 =	vbroadcast v3, $0x0;
	v3 =	vld [tilespmem:s15+$0x0]  }
0x43: {  	v4 =	vld [tilespmem:s29+$0x0]  }
0x44: {  	s30 =	sadd.s32 $0x10, s17;
	v2 =	vor.u32 v0, v2  }
0x45: {  	v5 =	vld [tilespmem:s30+$0x0];
	_ =	sdelay $0x2  }
0x46: {  	v3 =	vadd.f32 v3, v4  }
0x47: {  	v2 =	vld.idx.msk [tilespmem:v2+s11+$0x0], $0xffff  }
0x48: {  	v3 =	vmul.f32 v5, v3;
	_ =	sdelay $0x1  }
0x49: {  	v1 =	vadd.f32 v3, v1;
	_ =	sdelay $0x1  }
0x4a: {  	s14 =	sadd.s32 $0x1, s14;
	v1 =	vadd.f32 v1, v2  }
0x4b: {  	s31 =	sadd.s32 $0x10, s18;
	p0 =	sne.s32 s14, s9  }
.Ltmp1:
0x4c: {  	[tilespmem:s31+$0x0] =	vst v1;
	(pc) =	sbr.rel @p0 .LBB2_1-.Ltmp1, $4  }
0x4d: {  	[hbm4b:s8+s2] =	stream.linear.scatter [tilespmem:s13], [sflag:$0x1], $0x1400, $0x38;
	[tilespmem:$0x6410] =	vst v63  }
0x4e: {  	_ =	swait.ge [sflag:s10], $0x1400  }
0x4f: {  	[sflag:s10] =	ssyncset.done $0x0  }
0x50: {  	[sflag:s10] =	ssyncadd.s32 $0xFFFFEC00  }
0x51: {  	_ =	sfence.sel $0x180000  }
0x52: {  	[bflag:$0x0] =	sbarrier.arrive $0xFFFF  }
0x53: {  	p0 =	sne.s32 s0, $0x0;
	_ =	strace $0x90000050  }
0x54: {  	s0 =	sadd.s32 @!p0 $0x100000, s1;
	[bflag:$0x2] =	sbarrier.arrive $0xFFFF  }
0x55: {  	[sflag:s0] =	ssyncadd.tile.s32 @!p0 $0x1;
	_ =	shalt  }
.Lfunc_end2:
_tile_overlayer_lowered:
.L_overlay_start_2:
0x56: {  	(tag) =	ssettag $0x2  }
0x57: {  	s0 =	rddreg [dreg:$0x0];
	s2 =	stileid.u32  }
0x58: {  	s1 =	rddreg [dreg:$0x1];
	p0 =	sne.s32 s2, $0x0  }
0x59: {  	s3 =	rddreg [dreg:$0x2];
	[bflag:$0x3] =	sbarrier.arrive $0xFFFF;
	s2 =	simm.s32 @!p0 $0x1C01  }
0x5a: {  	[timem:s3], [sflag:s2] =	dma.local @!p0 [hbm:s0], s1  }
0x5b: {  	s0 =	simm.s32 @!p0 $0x1  }
0x5c: {  	_ =	swait.ge @!p0 [sflag:s0], s1  }
0x5d: {  	s1 =	ssub.s32 @!p0 $0x0, s1;
	[sflag:s0] =	ssyncset.done @!p0 $0x0  }
0x5e: {  	[sflag:s0] =	ssyncadd.s32 @!p0 s1  }
0x5f: {  	[bflag:$0x3] =	sbarrier.arrive $0xFFFF  }
0x60: {  	_ =	shalt  }

// kernel: kernel.7.cloned.1.call-start
scs
__scs_entry_jumppad:
0x0: {  	(pc) =	sbr.rel $0x88, $3  }
0x1: {  	(tag) =	ssettag $0x0;
	lr =	simm.s32 $0x1  }
0x2: {  	[smem:$0x3F99] =	sst lr;
	_ =	strace $0xD0000000  }
0x3: {  	_ = 	snop  }
0x4: {  	_ = 	snop  }
0x5: {  	_ = 	snop  }
0x6: {  	_ = 	snop  }
0x7: {  	_ = 	snop  }
__scs_overlays_trampoline_lowered:
0x8: {  	[smem:$0x3FA8] =	sst s0  }
0x9: {  	[smem:$0x3FA9] =	sst s1  }
0xa: {  	[smem:$0x3FAA] =	sst s2  }
0xb: {  	[smem:$0x3FAB] =	sst s3  }
0xc: {  	[smem:$0x3FAC] =	sst s4  }
0xd: {  	[smem:$0x3FAD] =	sst s5  }
0xe: {  	[smem:$0x3FAE] =	sst s6  }
0xf: {  	[smem:$0x3FAF] =	sst s7  }
0x10: {  	[smem:$0x3FB0] =	sst s8  }
0x11: {  	[smem:$0x3FB1] =	sst s9;
	s0 =	simm.s32 @!p0 $0x0  }
0x12: {  	s1 =	sld [smem:$0x3F97];
	s0 =	simm.s32 @p0 $0x1  }
0x13: {  	[smem:$0x3FB2] =	sst s0;
	s0 =	simm.s32 @!p1 $0x0  }
0x14: {  	s2 =	sld [smem:$0x3F96];
	s0 =	simm.s32 @p1 $0x1  }
0x15: {  	[smem:$0x3FB3] =	sst s0;
	s0 =	simm.s32 @!p2 $0x0  }
0x16: {  	s3 =	sld [smem:$0x3FDB];
	s0 =	simm.s32 @p2 $0x1  }
0x17: {  	s4 =	simm.s32 $0x1BF5;
	[smem:$0x3FB5] =	sst s0  }
0x18: {  	s0 =	sld [smem:$0x3F98];
	_ =	swait.ge [sflag:s4], $0x0  }
0x19: {  	s7 =	sld [smem:$0x3F99]  }
0x1a: {  	s8 =	sadd.s32 $0xFFFFE003, lr  }
0x1b: {  	s9 =	sadd.s32 $0xFFFFFEF7, lr;
	s5 =	simm.s32 $0xFFFFFFFF;
	p2 =	slt.u32 s8, $0xFFFFF086  }
0x1c: {  	p1 =	slt.u32 s9, $0xF7A;
	s5 =	simm.s32 @!p2 $0x0  }
0x1d: {  	s5 =	simm.s32 @p1 $0x1;
	p0 =	seq.s32 s7, s2  }
0x1e: {  	s7 =	smul.u32 @!p0 $0xF7A, s2;
	p2 =	seq.s32 @!p0 s5, $0x0  }
0x1f: {  	s9 =	smul.u32 $0xF7A, s1;
	s8 =	simm.s32 @!p0 $0x1BF5;
	p2 =	por !p2, p0  }
0x20: {  	[sflag:s8] =	ssyncset.s32 @!p0 $0xFFFFF086;
	s6 =	sadd.s32 @!p0 s3, s7;
	s7 =	simm.s32 @!p0 $0x108  }
0x21: {  	s3 =	sadd.s32 s3, s9;
	s6 =	sadd.s32 @!p0 $0x88, s6;
	s7 =	simm.s32 @p2 $0x1082  }
0x22: {  	[simem:s7], [sflag:s8] =	dma.local @!p0 [hbm:s6], $0xF7A  }
0x23: {  	s9 =	sor.u32 $0xD0000000, s2;
	s6 =	simm.s32 $0x108;
	_ =	swait.ge @!p0 [sflag:s8], $0x0  }
0x24: {  	s3 =	sadd.s32 $0x88, s3;
	s6 =	simm.s32 @!p1 $0x1082;
	[sflag:s4] =	ssyncset.s32 $0xFFFFF086  }
0x25: {  	[simem:s6], [sflag:s4] =	dma.local [hbm:s3], $0xF7A  }
0x26: {  	[smem:$0x3F99] =	sst s1;
	(tag) =	ssettag s2;
	_ =	strace s9  }
0x27: {  	s1 =	sld [smem:$0x3FA9]  }
0x28: {  	s2 =	sld [smem:$0x3FAA]  }
0x29: {  	s4 =	sld [smem:$0x3FAC]  }
0x2a: {  	p0 =	seq.s32 s5, $0x0;
	s5 =	sld [smem:$0x3FAD]  }
0x2b: {  	s6 =	sld [smem:$0x3FAE]  }
0x2c: {  	s7 =	sld [smem:$0x3FAF]  }
0x2d: {  	s3 =	simm.s32 $0x108;
	s8 =	sld [smem:$0x3FB0]  }
0x2e: {  	s3 =	simm.s32 @!p0 $0x1082;
	s9 =	sld [smem:$0x3FB1]  }
0x2f: {  	lr =	sadd.s32 s0, s3;
	s0 =	sld [smem:$0x3FA8]  }
0x30: {  	s3 =	sld [smem:$0x3FAB]  }
0x31: {  	[smem:$0x3FB4] =	sst s10  }
0x32: {  	s10 =	sld [smem:$0x3FB2];
	_ =	sdelay $0x3  }
0x33: {  	p0 =	seq.s32 s10, $0x1;
	s10 =	sld [smem:$0x3FB4];
	_ =	sdelay $0x3  }
0x34: {  	[smem:$0x3FB4] =	sst s10  }
0x35: {  	s10 =	sld [smem:$0x3FB3];
	_ =	sdelay $0x3  }
0x36: {  	p1 =	seq.s32 s10, $0x1;
	s10 =	sld [smem:$0x3FB4];
	_ =	sdelay $0x3  }
0x37: {  	[smem:$0x3FB4] =	sst s10  }
0x38: {  	s10 =	sld [smem:$0x3FB5]  }
0x39: {  	_ = 	snop;
	(pc) =	sbr.ind lr, $3  }
0x3a: {  	_ = 	snop  }
0x3b: {  	_ = 	snop  }
0x3c: {  	p2 =	seq.s32 s10, $0x1;
	s10 =	sld [smem:$0x3FB4]  }
0x3d: {  	_ =	shalt  }
0x3e: {  	_ =	shalt  }
0x3f: {  	_ =	shalt  }
0x40: {  	_ =	shalt  }
0x41: {  	_ =	shalt  }
0x42: {  	_ =	shalt  }
0x43: {  	_ =	shalt  }
0x44: {  	_ =	shalt  }
0x45: {  	_ =	shalt  }
0x46: {  	_ =	shalt  }
0x47: {  	_ =	shalt  }
0x48: {  	_ =	shalt  }
0x49: {  	_ =	shalt  }
0x4a: {  	_ =	shalt  }
0x4b: {  	_ =	shalt  }
0x4c: {  	_ =	shalt  }
0x4d: {  	_ =	shalt  }
0x4e: {  	_ =	shalt  }
0x4f: {  	_ =	shalt  }
0x50: {  	_ =	shalt  }
0x51: {  	_ =	shalt  }
0x52: {  	_ =	shalt  }
0x53: {  	_ =	shalt  }
0x54: {  	_ =	shalt  }
0x55: {  	_ =	shalt  }
0x56: {  	_ =	shalt  }
0x57: {  	_ =	shalt  }
0x58: {  	_ =	shalt  }
0x59: {  	_ =	shalt  }
0x5a: {  	_ =	shalt  }
0x5b: {  	_ =	shalt  }
0x5c: {  	_ =	shalt  }
0x5d: {  	_ =	shalt  }
0x5e: {  	_ =	shalt  }
0x5f: {  	_ =	shalt  }
0x60: {  	_ =	shalt  }
0x61: {  	_ =	shalt  }
0x62: {  	_ =	shalt  }
0x63: {  	_ =	shalt  }
0x64: {  	_ =	shalt  }
0x65: {  	_ =	shalt  }
0x66: {  	_ =	shalt  }
0x67: {  	_ =	shalt  }
0x68: {  	_ =	shalt  }
0x69: {  	_ =	shalt  }
0x6a: {  	_ =	shalt  }
0x6b: {  	_ =	shalt  }
0x6c: {  	_ =	shalt  }
0x6d: {  	_ =	shalt  }
0x6e: {  	_ =	shalt  }
0x6f: {  	_ =	shalt  }
0x70: {  	_ =	shalt  }
0x71: {  	_ =	shalt  }
0x72: {  	_ =	shalt  }
0x73: {  	_ =	shalt  }
0x74: {  	_ =	shalt  }
0x75: {  	_ =	shalt  }
0x76: {  	_ =	shalt  }
0x77: {  	_ =	shalt  }
0x78: {  	_ =	shalt  }
0x79: {  	_ =	shalt  }
0x7a: {  	_ =	shalt  }
0x7b: {  	_ =	shalt  }
0x7c: {  	_ =	shalt  }
0x7d: {  	_ =	shalt  }
0x7e: {  	_ =	shalt  }
0x7f: {  	_ =	shalt  }
0x80: {  	_ =	shalt  }
0x81: {  	_ =	shalt  }
0x82: {  	_ =	shalt  }
0x83: {  	_ =	shalt  }
0x84: {  	_ =	shalt  }
0x85: {  	_ =	shalt  }
0x86: {  	_ =	shalt  }
0x87: {  	_ =	shalt  }
.Lfunc_end0:
.L_simem_size_0:
called_computation_lowered:
.L_overlay_start_0:
0x88: {  	s2 =	sld [smem:$0x3FD9]  }
0x89: {  	s3 =	sld [smem:$0x3FFE];
	_ =	sdelay $0x1  }
0x8a: {  	s1 =	srdreg.scid  }
0x8b: {  	s0 =	sand.u32 $0x1, s1  }
0x8c: {  	s17 =	sshll.u32 s0, $0xA;
	s2 =	sadd.s32 s3, s2  }
0x8d: {  	s2 =	sadd.s32 s2, s17  }
0x8e: {  	[smem:$0x3FC0] =	sst s2  }
0x8f: {  	_ = 	snop  }
0x90: {  	s2 =	sld [smem:$0x3FD0];
	(tm) =	ssettm $0x1  }
0x91: {  	s18 =	sld [smem:$0x3FFB];
	_ =	sdelay $0x3  }
0x92: {  	_ =	strace s18  }
0x93: {  	s3 =	sld [smem:$0x3FFC];
	_ =	sdelay $0x3  }
0x94: {  	_ =	strace s3  }
0x95: {  	s3 =	sld [smem:$0x3FFD];
	_ =	sdelay $0x3  }
0x96: {  	_ =	strace s3  }
0x97: {  	_ =	strace $0x8FFFFFFF  }
0x98: {  	s19 =	sld [smem:$0x3FDB];
	_ =	sdelay $0x1  }
0x99: {  	s4 =	simm.s32 $_scs_section_size  }
0x9a: {  	s5 =	simm.s32 $_size__tile_overlayer_lowered;
	s6 =	simm.s32 $_tile_overlayer_lowered  }
0x9b: {  	s22 =	simm.s32 $0x1BFF;
	s21 =	sshll.u32 s6, $0x1;
	s3 =	sadd.s32 s4, s19  }
0x9c: {  	s7 =	simm.s32 $0x0;
	s20 =	sshll.u32 s5, $0x1;
	s5 =	sadd.s32 s21, s3  }
0x9d: {  	[timem:s7], [sflag:s22] =	dma.local [hbm:s5], s20  }
0x9e: {  	_ =	swait.ge [sflag:s22], s20  }
0x9f: {  	s4 =	ssub.s32 $0x0, s20;
	[sflag:s22] =	ssyncset.done $0x0  }
0xa0: {  	[sflag:s22] =	ssyncadd.s32 s4;
	_ =	sdelay $0x1  }
0xa1: {  	s23 =	simm.s32 $0x1B8B  }
0xa2: {  	_ =	swait.ge [sflag:s23], $0x1  }
0xa3: {  	[sflag:s23] =	ssyncset.done $0x0  }
0xa4: {  	s25 =	simm.s32 $0x1B8E;
	s24 =	sld [smem:$0x3FFE];
	[sflag:s23] =	ssyncadd.s32 $0xFFFFFFFF  }
0xa5: {  	s26 =	simm.s32 $execute0_lowered;
	[smem:$0x3FD2] =	sst s25  }
0xa6: {  	s5 =	sshll.u32 s26, $0x1;
	_ =	strace $0x80000046;
	[dreg:$0x1] =	wrdreg $0xFFFFFFFF  }
0xa7: {  	s28 =	simm.s32 $_size_execute0_lowered;
	s3 =	sadd.s32 s3, s5;
	[dreg:$0x0] =	wrdreg $0x0  }
0xa8: {  	s5 =	sshll.u32 s28, $0x1;
	[dreg:$0x2] =	wrdreg s3  }
0xa9: {  	[dreg:$0x3] =	wrdreg s5  }
0xaa: {  	[dreg:$0x4] =	wrdreg $0xC0  }
0xab: {  	_ =	task [dreg:s7], $0x5FFFF  }
0xac: {  	[dreg:$0x1] =	wrdreg $0xFFFFFFFF  }
0xad: {  	[dreg:$0x0] =	wrdreg $0x60  }
0xae: {  	[dreg:$0x2] =	wrdreg s24  }
0xaf: {  	[dreg:$0x3] =	wrdreg s2  }
0xb0: {  	[dreg:$0x4] =	wrdreg $0xBAE00  }
0xb1: {  	[dreg:$0x5] =	wrdreg $0x9  }
0xb2: {  	_ =	task.clear_ibuf [dreg:s7], $0x6FFFF;
	_ =	strace $0x90000046  }
0xb3: {  	s29 =	simm.s32 $0x9;
	_ =	strace $0x80000048  }
0xb4: {  	_ =	swait.ge [sflag:s29], $0x1  }
0xb5: {  	[sflag:s29] =	ssyncadd.s32 $0xFFFFFFFF  }
0xb6: {  	_ =	strace $0x90000048  }
0xb7: {  	_ =	sfence  }
0xb8: {  	s30 =	sld [smem:$0x0];
	_ =	sdelay $0x2  }
0xb9: {  	s31 =	sshll.u32 s1, $0xD;
	s1 =	sshrl.u32 s1, $0x2  }
0xba: {  	s3 =	sand.u32 $0x4000, s31;
	s1 =	sadd.s32 s1, s30  }
0xbb: {  	s0 =	sor.u32 s3, s0;
	s1 =	sshll.u32 s1, $0x11  }
0xbc: {  	s0 =	sor.u32 s1, s0  }
0xbd: {  	s0 =	sadd.s32 $0x8F2B, s0  }
0xbe: {  	[sflag:s0] =	ssyncadd.remote.s32 $0x1  }
0xbf: {  	_ =	sfence.sel $0xFFFF  }
0xc0: {  	[dreg:$0x0] =	wrdreg $0xFFFFFFFF;
	(pc) =	sbr.abs _section_cstart, $3  }
0xc1: {  	[dreg:$0x1] =	wrdreg $0xFFFFFFFF  }
0xc2: {  	_ =	task.clear_ibuf [dreg:s7], $0x2FFFF;
	_ =	strace $0x9FFFFFFF  }
0xc3: {  	(tm) =	ssettm $0x7FFFFFFF  }
tec
execute0_lowered:
.L_overlay_start_1:
0x0: {  	(tag) =	ssettag $0x1  }
0x1: {  	s0 =	rddreg [dreg:$0x0]  }
0x2: {  	s3 =	rddreg [dreg:$0x2]  }
0x3: {  	s1 =	srdreg.scid;
	s5 =	stileid.u32;
	s4 =	simm.s32 $0x0  }
0x4: {  	s11 =	simm.s32 $0x9;
	s12 =	simm.s32 $0x7EE0;
	s13 =	simm.s32 $0x7D  }
0x5: {  	s17 =	simm.s32 $0x100;
	s18 =	simm.s32 $0x6770;
	s19 =	simm.s32 $0x180  }
0x6: {  	s20 =	simm.s32 $0x7328;
	s21 =	simm.s32 $0x5;
	s22 =	simm.s32 $0x6  }
0x7: {  	s23 =	simm.s32 $0x7;
	s24 =	simm.s32 $0x8;
	s25 =	simm.s32 $0x0  }
0x8: {  	s1 =	sand.u32 $0x1, s1;
	s2 =	smul.u32 $0x3C00, s5;
	s5 =	sshll.u32 s5, $0x1  }
0x9: {  	[smem:$0x7FF] =	sst s4;
	s6 =	smul.u32 $0x3C000, s1;
	s5 =	sor.u32 s1, s5  }
0xa: {  	_ =	strace $0x80000047;
	s1 =	ssub.s32 $0x2, s1;
	s7 =	smul.u32 $0x500, s5  }
0xb: {  	s5 =	sadd.s32 $0x1800, s0;
	s31 =	sshrl.u32 s1, $0x1;
	s6 =	sadd.s32 s2, s6  }
0xc: {  	s8 =	sadd.s32 s2, s3;
	s1 =	ssub.s32 s1, s31;
	s6 =	sshrl.u32 s6, $0x3  }
0xd: {  	s7 =	sadd.s32 s7, s0;
	s10 =	smax.u32 s1, $0x1;
	s0 =	sadd.s32 s6, s0  }
0xe: {  	s6 =	sadd.s32 $0x9000, s7;
	s7 =	sadd.s32 $0x13000, s7;
	s9 =	sadd.s32 $0x1D000, s0  }
.LBB2_1:
0xf: {  	[tilespmem:s4], [sflag:$0x9] =	stream.linear.gather [hbm4b:s6+s4], $0x2800, $0x38;
	[tilespmem:$0xF6E0] =	vst v63  }
0x10: {  	_ =	swait.ge [sflag:s11], $0x2800  }
0x11: {  	[sflag:s11] =	ssyncset.done $0x0  }
0x12: {  	s1 =	simm.s32 $0x2800;
	[sflag:s11] =	ssyncadd.s32 $0xFFFFD800  }
0x13: {  	[tilespmem:s1], [sflag:$0x9] =	stream.linear.gather [hbm4b:s7+s4], $0x2800, $0x38;
	[tilespmem:$0xF6E0] =	vst v63  }
0x14: {  	_ =	swait.ge [sflag:s11], $0x2800  }
0x15: {  	[sflag:s11] =	ssyncset.done $0x0  }
0x16: {  	[sflag:s11] =	ssyncadd.s32 $0xFFFFD800  }
0x17: {  	s0 =	rddreg [dreg:$0x1]  }
0x18: {  	[tilespmem:s12], [sflag:$0x9] =	stream.linear.gather [hbm4b:s0+s4], $0x3C00, $0x38;
	[tilespmem:$0xF6E0] =	vst v63  }
0x19: {  	_ =	swait.ge [sflag:s11], $0x3C00  }
0x1a: {  	[sflag:s11] =	ssyncset.done $0x0  }
0x1b: {  	[sflag:s11] =	ssyncadd.s32 $0xFFFFC400  }
0x1c: {  	[spmem:s8] =	stream.linear.scatter [tilespmem:s12], [sflag:$0x9], $0x3C00, $0x38;
	[tilespmem:$0xF6E0] =	vst v63  }
0x1d: {  	_ =	swait.ge [sflag:s11], $0x3C00  }
0x1e: {  	[sflag:s11] =	ssyncset.done $0x0  }
0x1f: {  	[sflag:s11] =	ssyncadd.s32 $0xFFFFC400  }
0x20: {  	s15 =	simm.s32 $0x5000;
	[bflag:$0x0] =	sbarrier.arrive $0xFFFF  }
0x21: {  	[tilespmem:s15], [sflag:$0x1] =	stream.indirect.gather [hbm4b:s5+s13], $0x18, s4, s13, $0xb8;
	[tilespmem:$0xF6E0] =	vst v63  }
0x22: {  	s16 =	simm.s32 $0x80;
	s2 =	simm.s32 $0x5BB8  }
0x23: {  	[tilespmem:s2], [sflag:$0x2] =	stream.indirect.gather [hbm4b:s5+s13], $0x18, s16, s13, $0xb8;
	[tilespmem:$0xF6E0] =	vst v63  }
0x24: {  	s26 =	sand.u32 $0x3, s4  }
0x25: {  	[tilespmem:s18], [sflag:$0x3] =	stream.indirect.gather [hbm4b:s5+s13], $0x18, s17, s13, $0xb8;
	[tilespmem:$0xF6E0] =	vst v63  }
0x26: {  	s14 =	smul.u32 $0x2EE0, s26;
	s29 =	sadd.s32 $0x1, s26  }
0x27: {  	[tilespmem:s20], [sflag:$0x4] =	stream.indirect.gather [hbm4b:s5+s13], $0x18, s19, s13, $0xb8;
	[tilespmem:$0xF6E0] =	vst v63  }
0x28: {  	p0 =	por $0x0, $0x0;
	_ =	swait.ge [sflag:s29], $0xBB8  }
0x29: {  	s30 =	simm.s32 $0x200;
	s14 =	sshrl.u32 s14, $0x2;
	[sflag:s29] =	ssyncset.done $0x0  }
0x2a: {  	s26 =	sadd.s32 $0x5, s26;
	s2 =	sadd.s32 $0x5000, s14;
	[sflag:s29] =	ssyncadd.s32 $0xFFFFF448  }
0x2b: {  	[spmem:s3] =	stream.indirect.scatter.add.f32 [tilespmem:s2], [sflag:s26], $0x18, s1, s13, $0xb8;
	[tilespmem:$0xF6E0] =	vst v63  }
0x2c: {  	s28 =	simm.s32 $0x2880;
	s0 =	simm.s32 $0x1;
	_ =	swait.ge @!p0 [sflag:s26], $0xBB8  }
0x2d: {  	s31 =	sand.u32 $0x3, s0;
	s14 =	simm.s32 @!p0 $0x7D;
	[sflag:s26] =	ssyncset.done @!p0 $0x0  }
0x2e: {  	s1 =	simm.s32 $0x2;
	[sflag:s26] =	ssyncadd.s32 @!p0 $0xFFFFF448;
	s26 =	simm.s32 $0x280  }
.LBB2_2:
0x2f: {  	[tilespmem:s2], [sflag:s29] =	stream.indirect.gather @!p0 [hbm4b:s5+s14], $0x18, s30, s14, $0xb8;
	[tilespmem:$0xF6E0] =	vst v63  }
0x30: {  	s14 =	smov.u32 s1;
	s30 =	smov.u32 s26;
	s15 =	sand.u32 $0x3, s1  }
0x31: {  	s2 =	smul.u32 $0x2EE0, s31;
	s29 =	sadd.s32 $0x1, s31;
	s1 =	sadd.s32 $0x1, s1  }
0x32: {  	p0 =	sgt.u32 s0, $0x4B;
	s16 =	sadd.s32 $0x5, s31;
	_ =	swait.ge [sflag:s29], $0xBB8  }
0x33: {  	p1 =	sne.s32 s1, $0x50;
	s0 =	sshrl.u32 s2, $0x2;
	[sflag:s29] =	ssyncset.done $0x0  }
.Ltmp0:
0x34: {  	s2 =	sadd.s32 $0x5000, s0;
	[sflag:s29] =	ssyncadd.s32 $0xFFFFF448;
	(pc) =	sbr.rel @p1 .LBB2_2-.Ltmp0, $4  }
0x35: {  	[spmem:s3] =	stream.indirect.scatter.add.f32 [tilespmem:s2], [sflag:s16], $0x18, s28, s13, $0xb8;
	[tilespmem:$0xF6E0] =	vst v63  }
0x36: {  	s31 =	smov.u32 s15;
	_ =	swait.ge @!p0 [sflag:s16], $0xBB8  }
0x37: {  	s0 =	smov.u32 s14;
	s28 =	sadd.s32 $0x80, s28;
	[sflag:s16] =	ssyncset.done @!p0 $0x0  }
0x38: {  	s26 =	sadd.s32 $0x80, s26;
	s14 =	simm.s32 @!p0 $0x7D;
	[sflag:s16] =	ssyncadd.s32 @!p0 $0xFFFFF448  }
0x39: {  	[tilespmem:s2], [sflag:s29] =	stream.indirect.gather @!p0 [hbm4b:s5+s14], $0x18, s30, s14, $0xb8;
	[tilespmem:$0xF6E0] =	vst v63  }
0x3a: {  	s1 =	smul.u32 $0x2EE0, s31;
	s2 =	sadd.s32 $0x1, s31  }
0x3b: {  	_ =	swait.ge [sflag:s2], $0xBB8  }
0x3c: {  	p0 =	sgt.u32 s0, $0x4B;
	s30 =	sshrl.u32 s1, $0x2;
	[sflag:s2] =	ssyncset.done $0x0  }
0x3d: {  	s1 =	sadd.s32 $0x5, s31;
	s0 =	sadd.s32 $0x5000, s30;
	[sflag:s2] =	ssyncadd.s32 $0xFFFFF448  }
0x3e: {  	[spmem:s3] =	stream.indirect.scatter.add.f32 [tilespmem:s0], [sflag:s1], $0x18, s28, s13, $0xb8;
	[tilespmem:$0xF6E0] =	vst v63  }
0x3f: {  	_ =	swait.ge @!p0 [sflag:s1], $0xBB8  }
0x40: {  	[sflag:s1] =	ssyncset.done @!p0 $0x0  }
0x41: {  	[sflag:s1] =	ssyncadd.s32 @!p0 $0xFFFFF448;
	s1 =	simm.s32 @!p0 $0x7D  }
0x42: {  	[tilespmem:s0], [sflag:s2] =	stream.indirect.gather @!p0 [hbm4b:s5+s1], $0x18, s26, s1, $0xb8;
	[tilespmem:$0xF6E0] =	vst v63  }
0x43: {  	_ =	swait.ge [sflag:s21], $0xBB8  }
0x44: {  	[sflag:s21] =	ssyncset.done $0x0  }
0x45: {  	[sflag:s21] =	ssyncadd.s32 $0xFFFFF448  }
0x46: {  	_ =	swait.ge [sflag:s22], $0xBB8  }
0x47: {  	[sflag:s22] =	ssyncset.done $0x0  }
0x48: {  	[sflag:s22] =	ssyncadd.s32 $0xFFFFF448  }
0x49: {  	_ =	swait.ge [sflag:s23], $0xBB8  }
0x4a: {  	[sflag:s23] =	ssyncset.done $0x0  }
0x4b: {  	[sflag:s23] =	ssyncadd.s32 $0xFFFFF448  }
0x4c: {  	_ =	swait.ge [sflag:s24], $0xBB8  }
0x4d: {  	[sflag:s24] =	ssyncset.done $0x0  }
0x4e: {  	[sflag:s24] =	ssyncadd.s32 $0xFFFFF448  }
0x4f: {  	[bflag:$0x0] =	sbarrier.arrive $0xFFFF  }
0x50: {  	[tilespmem:s12], [sflag:$0x9] =	stream.linear.gather [spmem:s8], $0x3C00, $0x38;
	[tilespmem:$0xF6E0] =	vst v63  }
0x51: {  	s25 =	sadd.s32 $0x1, s25;
	_ =	swait.ge [sflag:s11], $0x3C00  }
0x52: {  	p0 =	sne.s32 s25, s10;
	[sflag:s11] =	ssyncset.done $0x0  }
.Ltmp1:
0x53: {  	[sflag:s11] =	ssyncadd.s32 $0xFFFFC400;
	(pc) =	sbr.rel @p0 .LBB2_1-.Ltmp1, $4  }
0x54: {  	[hbm4b:s9+s4] =	stream.linear.scatter [tilespmem:s12], [sflag:$0x9], $0x3C00, $0x38;
	[tilespmem:$0xF6E0] =	vst v63  }
0x55: {  	_ =	swait.ge [sflag:s11], $0x3C00  }
0x56: {  	[sflag:s11] =	ssyncset.done $0x0  }
0x57: {  	[sflag:s11] =	ssyncadd.s32 $0xFFFFC400  }
0x58: {  	_ =	sfence.sel $0x180000  }
0x59: {  	[bflag:$0x0] =	sbarrier.arrive $0xFFFF  }
0x5a: {  	_ =	strace $0x90000047  }
0x5b: {  	s0 =	stileid.u32;
	[bflag:$0x2] =	sbarrier.arrive $0xFFFF  }
0x5c: {  	p0 =	sne.s32 s0, $0x0;
	s0 =	rddreg [dreg:$0x3]  }
0x5d: {  	s0 =	sadd.s32 @!p0 $0x100000, s0  }
0x5e: {  	[sflag:s0] =	ssyncadd.tile.s32 @!p0 $0x1;
	_ =	shalt  }
.Lfunc_end2:
_tile_overlayer_lowered:
.L_overlay_start_2:
0x5f: {  	(tag) =	ssettag $0x2  }
0x60: {  	s0 =	rddreg [dreg:$0x0];
	s2 =	stileid.u32  }
0x61: {  	s1 =	rddreg [dreg:$0x1];
	p0 =	sne.s32 s2, $0x0  }
0x62: {  	s3 =	rddreg [dreg:$0x2];
	[bflag:$0x3] =	sbarrier.arrive $0xFFFF;
	s2 =	simm.s32 @!p0 $0x1C09  }
0x63: {  	[timem:s3], [sflag:s2] =	dma.local @!p0 [hbm:s0], s1  }
0x64: {  	s0 =	simm.s32 @!p0 $0x9  }
0x65: {  	_ =	swait.ge @!p0 [sflag:s0], s1  }
0x66: {  	s1 =	ssub.s32 @!p0 $0x0, s1;
	[sflag:s0] =	ssyncset.done @!p0 $0x0  }
0x67: {  	[sflag:s0] =	ssyncadd.s32 @!p0 s1  }
0x68: {  	[bflag:$0x3] =	sbarrier.arrive $0xFFFF  }
0x69: {  	_ =	shalt  }

</sc_bundles>
